<compile_context>
chip_gen: v7x
topology: tpu7x:2x2x1
jax: 0.10.2.dev20260603
libtpu: 0.0.44.dev20260713+nightly
codegen_flags: <defaults>
</compile_context>

<pallas_src>
import functools

import jax
import jax.numpy as jnp
from jax import lax
from jax.experimental import pallas as pl
from jax.experimental.pallas import tpu as pltpu
from jax.experimental.pallas import tpu_sc as plsc

_N_NODES = 10000
_N_EDGES = 160000
_D = 256
_N_REL = 200

_L = 16
_NW = 32
_ROWS_W = 312
_EXTRA_LO = _NW * _ROWS_W
_DUMP = _ROWS_W + _L
_ACC_ROWS = 336
_SCAN = 640
_N_CHUNKS = _N_EDGES // _SCAN
_FIRE = 32
_CAP = 704


def _mp_body(ent_hbm, rel_hbm, meta_hbm,
             out_hbm, meta_a, meta_b, row_f, src_f, type_f, norm_f,
             gidx, tidx, pend_row, pend_norm, xj_v, rel_c, acc_v,
             sem_a, sem_b, sem_x, sem_r):
    c = lax.axis_index("c")
    s = lax.axis_index("s")
    w = s * 2 + c
    lo = w * _ROWS_W

    iota = lax.iota(jnp.int32, _L)
    zv = jnp.zeros((_L,), jnp.float32)

    def _zero_row(r, carry):
        for dblk in range(_D // _L):
            acc_v[r, pl.ds(dblk * _L, _L)] = zv
        return carry

    lax.fori_loop(0, _ACC_ROWS, _zero_row, 0)

    def _wait_prev():
        pltpu.make_async_copy(ent_hbm.at[pl.ds(0, _FIRE)],
                              xj_v.at[pl.ds(0, _FIRE)], sem_x).wait()
        pltpu.make_async_copy(rel_hbm.at[pl.ds(0, _FIRE)],
                              rel_c.at[pl.ds(0, _FIRE)], sem_r).wait()

    def _issue_batch(par):
        base = par * _FIRE
        pltpu.async_copy(ent_hbm.at[gidx], xj_v.at[pl.ds(base, _FIRE)], sem_x)
        pltpu.async_copy(rel_hbm.at[tidx], rel_c.at[pl.ds(base, _FIRE)], sem_r)

    def _compute_batch(par):
        base = par * _FIRE

        def _edge(e, ecarry):
            nrm = pend_norm[pl.ds(base + e, _L)][0]
            row = pend_row[pl.ds(base + e, _L)][0]
            nv = jnp.full((_L,), nrm, jnp.float32)
            for dblk in range(_D // _L):
                x = xj_v[base + e, pl.ds(dblk * _L, _L)]
                r = rel_c[base + e, pl.ds(dblk * _L, _L)]
                plsc.addupdate(acc_v.at[row, pl.ds(dblk * _L, _L)],
                               (x - r) * nv)
            return ecarry

        lax.fori_loop(0, _FIRE, _edge, 0)

    def _fire(carry):
        ptr, par = carry
        _wait_prev()
        for g in range(_FIRE // _L):
            sl = pl.ds(g * _L, _L)
            gidx[sl] = src_f[sl]
            tidx[sl] = type_f[sl]
            pend_row[pl.ds(par * _FIRE + g * _L, _L)] = row_f[sl]
            pend_norm[pl.ds(par * _FIRE + g * _L, _L)] = norm_f[sl]
        _issue_batch(par)
        _compute_batch(1 - par)

        def _shift(g, scarry):
            sl_from = pl.ds(_FIRE + g * _L, _L)
            sl_to = pl.ds(g * _L, _L)
            row_f[sl_to] = row_f[sl_from]
            src_f[sl_to] = src_f[sl_from]
            type_f[sl_to] = type_f[sl_from]
            norm_f[sl_to] = norm_f[sl_from]
            return scarry

        nsh = lax.shift_right_logical(ptr - _FIRE + _L - 1, 4)
        lax.fori_loop(0, nsh, _shift, 0)
        return (ptr - _FIRE, 1 - par)

    def _scan_buf(buf, ptr, par):
        def _grp(g, ptr):
            sl = pl.ds(g * _L, _L)
            d = lax.rem(buf[0, sl], jnp.int32(_N_NODES))
            in_main = jnp.logical_and(d >= lo, d < lo + _ROWS_W)
            wv = jnp.full((_L,), w, jnp.int32)
            in_extra = jnp.logical_and(wv == _NW - 1, d >= _EXTRA_LO)
            owned = jnp.logical_or(in_main, in_extra)
            row = jnp.where(in_main, d - lo, d - _EXTRA_LO + _ROWS_W)
            ki = jnp.where(owned, 1, 0)
            cs = plsc.cumsum(ki)
            pos = ptr + cs - 1
            pos = jnp.where(owned, pos, _CAP - 1)
            plsc.store_scatter(row_f, [pos], row)
            plsc.store_scatter(src_f, [pos], buf[1, sl])
            plsc.store_scatter(type_f, [pos], buf[2, sl])
            plsc.store_scatter(norm_f, [pos],
                               plsc.bitcast(buf[3, sl], jnp.float32))
            return ptr + plsc.all_reduce_population_count(owned)[0]

        ptr = lax.fori_loop(0, _SCAN // _L, _grp, ptr)
        return lax.while_loop(lambda cpp: cpp[0] >= _FIRE, _fire, (ptr, par))

    def _issue(k, buf, sem):
        return pltpu.async_copy(meta_hbm.at[:, pl.ds(k * _SCAN, _SCAN)],
                                buf, sem)

    _issue(0, meta_a, sem_a)

    for g in range(_FIRE // _L):
        sl = pl.ds(g * _L, _L)
        gidx[sl] = jnp.full((_L,), 0, jnp.int32)
        tidx[sl] = jnp.full((_L,), 0, jnp.int32)
        pend_row[sl] = jnp.full((_L,), _DUMP, jnp.int32)
        pend_norm[sl] = jnp.full((_L,), 0.0, jnp.float32)
    _issue_batch(0)

    def _pair(j, carry):
        ptr, par = carry
        pltpu.make_async_copy(meta_hbm.at[:, pl.ds(0, _SCAN)], meta_a, sem_a).wait()
        _issue(2 * j + 1, meta_b, sem_b)
        ptr, par = _scan_buf(meta_a, ptr, par)
        pltpu.make_async_copy(meta_hbm.at[:, pl.ds(0, _SCAN)], meta_b, sem_b).wait()
        _issue(jnp.minimum(2 * j + 2, _N_CHUNKS - 1), meta_a, sem_a)
        ptr, par = _scan_buf(meta_b, ptr, par)
        return (ptr, par)

    ptr, par = lax.fori_loop(0, _N_CHUNKS // 2, _pair, (0, 1))
    pltpu.make_async_copy(meta_hbm.at[:, pl.ds(0, _SCAN)], meta_a, sem_a).wait()

    pv = jnp.full((_L,), ptr, jnp.int32)
    for g in range(_FIRE // _L):
        sl = pl.ds(g * _L, _L)
        m = (iota + g * _L) < pv
        row_f[sl] = jnp.where(m, row_f[sl], _DUMP)
        src_f[sl] = jnp.where(m, src_f[sl], 0)
        type_f[sl] = jnp.where(m, type_f[sl], 0)
        norm_f[sl] = jnp.where(m, norm_f[sl], jnp.float32(0.0))
    ptr, par = _fire((jnp.int32(_FIRE), par))
    _wait_prev()
    _compute_batch(1 - par)

    pltpu.sync_copy(acc_v.at[pl.ds(0, _ROWS_W)],
                    out_hbm.at[pl.ds(lo, _ROWS_W)])

    @pl.when(w == _NW - 1)
    def _():
        pltpu.sync_copy(acc_v.at[pl.ds(_ROWS_W, _L)],
                        out_hbm.at[pl.ds(_EXTRA_LO, _L)])


_mp_kernel = functools.partial(
    pl.kernel,
    out_type=jax.ShapeDtypeStruct((_N_NODES, _D), jnp.float32),
    mesh=plsc.VectorSubcoreMesh(core_axis_name="c", subcore_axis_name="s"),
    compiler_params=pltpu.CompilerParams(needs_layout_passes=False),
    scratch_types=[
        pltpu.VMEM((4, _SCAN), jnp.int32),
        pltpu.VMEM((4, _SCAN), jnp.int32),
        pltpu.VMEM((_CAP,), jnp.int32),
        pltpu.VMEM((_CAP,), jnp.int32),
        pltpu.VMEM((_CAP,), jnp.int32),
        pltpu.VMEM((_CAP,), jnp.float32),
        pltpu.VMEM((_FIRE,), jnp.int32),
        pltpu.VMEM((_FIRE,), jnp.int32),
        pltpu.VMEM((80,), jnp.int32),
        pltpu.VMEM((80,), jnp.float32),
        pltpu.VMEM((2 * _FIRE, _D), jnp.float32),
        pltpu.VMEM((2 * _FIRE, _D), jnp.float32),
        pltpu.VMEM((_ACC_ROWS, _D), jnp.float32),
        pltpu.SemaphoreType.DMA,
        pltpu.SemaphoreType.DMA,
        pltpu.SemaphoreType.DMA,
        pltpu.SemaphoreType.DMA,
    ],
)(_mp_body)


def kernel(edge_index, edge_type, ent_embed, rel_embed, edge_norm):
    src = edge_index[1]
    dst = edge_index[0]
    packed = jnp.stack([dst, src, edge_type,
                        lax.bitcast_convert_type(edge_norm, jnp.int32)])
    return _mp_kernel(ent_embed, rel_embed, packed)

# --- scband reference (transcript-rebuilt; emitter-appended) ---
"""Pipeline reference for scband-message-passing-27178553049424 (READ-ONLY COPY).

The authoritative reference and input builder live on the scoring server;
editing this copy changes nothing except your own understanding.
"""

import jax, jax.numpy as jnp
import numpy as np

N_NODES = 10000
N_EDGES = 160000
D_FEAT = 256
N_REL = 200


def setup_inputs(seed: int = 0) -> dict:
    key = jax.random.key(seed)
    k1, k2, k3, k4, k5 = jax.random.split(key, 5)
    edge_index = jax.random.randint(k1, (2, N_EDGES), 0, N_NODES, dtype=jnp.int64 if jax.config.jax_enable_x64 else jnp.int32).astype(jnp.int32)
    edge_type = jax.random.randint(k2, (N_EDGES,), 0, N_REL).astype(jnp.int32)
    ent_embed = jax.random.normal(k3, (N_NODES, D_FEAT), dtype=jnp.float32)
    rel_embed = jax.random.normal(k4, (N_REL, D_FEAT), dtype=jnp.float32)
    edge_norm = jax.random.uniform(k5, (N_EDGES,), dtype=jnp.float32)
    return {
        "edge_index": edge_index,
        "edge_type": edge_type,
        "ent_embed": ent_embed,
        "rel_embed": rel_embed,
        "edge_norm": edge_norm,
    }


def reference(edge_index, edge_type, ent_embed, rel_embed, edge_norm):
    # MessagePassing.propagate with aggr='add' (CompGCN-style message):
    #   message: phi(x_j, r) = (ent_embed[src] - rel_embed[edge_type]) * edge_norm
    #   aggregate: scatter-add onto (edge_index[0] % size), dim_size = num entities
    #   update: identity
    size = ent_embed.shape[0]
    src_idx = edge_index[1]
    dst_idx = edge_index[0] % size
    x_j = jnp.take(ent_embed, src_idx, axis=0)          # gather source node feats [E, d]
    rel = jnp.take(rel_embed, edge_type, axis=0)        # gather relation embeds   [E, d]
    msg = (x_j - rel) * edge_norm[:, None]              # per-edge message         [E, d]
    out = jax.ops.segment_sum(msg, dst_idx, num_segments=size)  # scatter-add aggregation [N, d]
    return out

if __name__ == "__main__":
    import jax
    _d = setup_inputs()
    print(jax.jit(kernel)(*tuple(_d.values())))

</pallas_src>

<mosaic_0001>
#map = affine_map<(d0, d1) -> (0, 0)>
module attributes {stable_mosaic.version = 14 : i64} {
  func.func @_mp_body(%arg0: i32, %arg1: i32, %arg2: memref<10000x256xf32, #tpu.memory_space<hbm>>, %arg3: memref<200x256xf32, #tpu.memory_space<hbm>>, %arg4: memref<4x160000xi32, #tpu.memory_space<hbm>>, %arg5: memref<10000x256xf32, #tpu.memory_space<hbm>>, %arg6: memref<4x640xi32, #tpu.memory_space<vmem>>, %arg7: memref<4x640xi32, #tpu.memory_space<vmem>>, %arg8: memref<704xi32, #tpu.memory_space<vmem>>, %arg9: memref<704xi32, #tpu.memory_space<vmem>>, %arg10: memref<704xi32, #tpu.memory_space<vmem>>, %arg11: memref<704xf32, #tpu.memory_space<vmem>>, %arg12: memref<32xi32, #tpu.memory_space<vmem>>, %arg13: memref<32xi32, #tpu.memory_space<vmem>>, %arg14: memref<80xi32, #tpu.memory_space<vmem>>, %arg15: memref<80xf32, #tpu.memory_space<vmem>>, %arg16: memref<64x256xf32, #tpu.memory_space<vmem>>, %arg17: memref<64x256xf32, #tpu.memory_space<vmem>>, %arg18: memref<336x256xf32, #tpu.memory_space<vmem>>, %arg19: memref<!tpu.dma_semaphore, #tpu.memory_space<semaphore_mem>>, %arg20: memref<!tpu.dma_semaphore, #tpu.memory_space<semaphore_mem>>, %arg21: memref<!tpu.dma_semaphore, #tpu.memory_space<semaphore_mem>>, %arg22: memref<!tpu.dma_semaphore, #tpu.memory_space<semaphore_mem>>) attributes {dimension_semantics = [#tpu.dimension_semantics<core_parallel>, #tpu.dimension_semantics<subcore_parallel>], iteration_bounds = array<i64: 2, 16>, scalar_prefetch = 0 : i64, scratch_operands = 17 : i64, tpu.core_type = #tpu.core_type<sc_vector_subcore>, window_params = [{transform_indices = #map}, {transform_indices = #map}, {transform_indices = #map}, {transform_indices = #map}]} {
    %mul3A = arith.constant 2 : i32
    %mul3A_0 = arith.muli %arg1, %mul3A : i32
    %add3A = arith.addi %mul3A_0, %arg0 : i32
    %mul3A_1 = arith.constant 312 : i32
    %mul3A_2 = arith.muli %add3A, %mul3A_1 : i32
    %iota3A = tpu.iota {dimensions = array<i32: 0>} : vector<16xi32>
    %broadcast_in_dim3A = arith.constant 0.000000e+00 : f32
    %broadcast_in_dim3A_3 = vector.broadcast %broadcast_in_dim3A : f32 to vector<16xf32>
    %scan3A = arith.constant 0 : i32
    %scan3A_4 = arith.constant 0 : i32
    %scan3A_5 = arith.constant 336 : i32
    %scan3A_6 = arith.addi %scan3A_4, %scan3A_5 : i32
    %scan3A_7 = arith.constant 1 : i32
    scf.for %scan3A_282 = %scan3A_4 to %scan3A_6 step %scan3A_7  : i32 {
      %swap3A_283 = arith.index_cast %scan3A_282 : i32 to index
      %swap3A_284 = arith.constant 0 : index
      %swap3A_285 = tpu.vector_load %arg18[%swap3A_283, %swap3A_284] {strides = array<i32>} : memref<336x256xf32, #tpu.memory_space<vmem>>, vector<16xf32>,
      tpu.vector_store %arg18[%swap3A_283, %swap3A_284], %broadcast_in_dim3A_3 {strides = array<i32>} : memref<336x256xf32, #tpu.memory_space<vmem>>, vector<16xf32>,
      %swap3A_286 = arith.index_cast %scan3A_282 : i32 to index
      %swap3A_287 = arith.constant 16 : index
      %swap3A_288 = tpu.vector_load %arg18[%swap3A_286, %swap3A_287] {strides = array<i32>} : memref<336x256xf32, #tpu.memory_space<vmem>>, vector<16xf32>,
      tpu.vector_store %arg18[%swap3A_286, %swap3A_287], %broadcast_in_dim3A_3 {strides = array<i32>} : memref<336x256xf32, #tpu.memory_space<vmem>>, vector<16xf32>,
      %swap3A_289 = arith.index_cast %scan3A_282 : i32 to index
      %swap3A_290 = arith.constant 32 : index
      %swap3A_291 = tpu.vector_load %arg18[%swap3A_289, %swap3A_290] {strides = array<i32>} : memref<336x256xf32, #tpu.memory_space<vmem>>, vector<16xf32>,
      tpu.vector_store %arg18[%swap3A_289, %swap3A_290], %broadcast_in_dim3A_3 {strides = array<i32>} : memref<336x256xf32, #tpu.memory_space<vmem>>, vector<16xf32>,
      %swap3A_292 = arith.index_cast %scan3A_282 : i32 to index
      %swap3A_293 = arith.constant 48 : index
      %swap3A_294 = tpu.vector_load %arg18[%swap3A_292, %swap3A_293] {strides = array<i32>} : memref<336x256xf32, #tpu.memory_space<vmem>>, vector<16xf32>,
      tpu.vector_store %arg18[%swap3A_292, %swap3A_293], %broadcast_in_dim3A_3 {strides = array<i32>} : memref<336x256xf32, #tpu.memory_space<vmem>>, vector<16xf32>,
      %swap3A_295 = arith.index_cast %scan3A_282 : i32 to index
      %swap3A_296 = arith.constant 64 : index
      %swap3A_297 = tpu.vector_load %arg18[%swap3A_295, %swap3A_296] {strides = array<i32>} : memref<336x256xf32, #tpu.memory_space<vmem>>, vector<16xf32>,
      tpu.vector_store %arg18[%swap3A_295, %swap3A_296], %broadcast_in_dim3A_3 {strides = array<i32>} : memref<336x256xf32, #tpu.memory_space<vmem>>, vector<16xf32>,
      %swap3A_298 = arith.index_cast %scan3A_282 : i32 to index
      %swap3A_299 = arith.constant 80 : index
      %swap3A_300 = tpu.vector_load %arg18[%swap3A_298, %swap3A_299] {strides = array<i32>} : memref<336x256xf32, #tpu.memory_space<vmem>>, vector<16xf32>,
      tpu.vector_store %arg18[%swap3A_298, %swap3A_299], %broadcast_in_dim3A_3 {strides = array<i32>} : memref<336x256xf32, #tpu.memory_space<vmem>>, vector<16xf32>,
      %swap3A_301 = arith.index_cast %scan3A_282 : i32 to index
      %swap3A_302 = arith.constant 96 : index
      %swap3A_303 = tpu.vector_load %arg18[%swap3A_301, %swap3A_302] {strides = array<i32>} : memref<336x256xf32, #tpu.memory_space<vmem>>, vector<16xf32>,
      tpu.vector_store %arg18[%swap3A_301, %swap3A_302], %broadcast_in_dim3A_3 {strides = array<i32>} : memref<336x256xf32, #tpu.memory_space<vmem>>, vector<16xf32>,
      %swap3A_304 = arith.index_cast %scan3A_282 : i32 to index
      %swap3A_305 = arith.constant 112 : index
      %swap3A_306 = tpu.vector_load %arg18[%swap3A_304, %swap3A_305] {strides = array<i32>} : memref<336x256xf32, #tpu.memory_space<vmem>>, vector<16xf32>,
      tpu.vector_store %arg18[%swap3A_304, %swap3A_305], %broadcast_in_dim3A_3 {strides = array<i32>} : memref<336x256xf32, #tpu.memory_space<vmem>>, vector<16xf32>,
      %swap3A_307 = arith.index_cast %scan3A_282 : i32 to index
      %swap3A_308 = arith.constant 128 : index
      %swap3A_309 = tpu.vector_load %arg18[%swap3A_307, %swap3A_308] {strides = array<i32>} : memref<336x256xf32, #tpu.memory_space<vmem>>, vector<16xf32>,
      tpu.vector_store %arg18[%swap3A_307, %swap3A_308], %broadcast_in_dim3A_3 {strides = array<i32>} : memref<336x256xf32, #tpu.memory_space<vmem>>, vector<16xf32>,
      %swap3A_310 = arith.index_cast %scan3A_282 : i32 to index
      %swap3A_311 = arith.constant 144 : index
      %swap3A_312 = tpu.vector_load %arg18[%swap3A_310, %swap3A_311] {strides = array<i32>} : memref<336x256xf32, #tpu.memory_space<vmem>>, vector<16xf32>,
      tpu.vector_store %arg18[%swap3A_310, %swap3A_311], %broadcast_in_dim3A_3 {strides = array<i32>} : memref<336x256xf32, #tpu.memory_space<vmem>>, vector<16xf32>,
      %swap3A_313 = arith.index_cast %scan3A_282 : i32 to index
      %swap3A_314 = arith.constant 160 : index
      %swap3A_315 = tpu.vector_load %arg18[%swap3A_313, %swap3A_314] {strides = array<i32>} : memref<336x256xf32, #tpu.memory_space<vmem>>, vector<16xf32>,
      tpu.vector_store %arg18[%swap3A_313, %swap3A_314], %broadcast_in_dim3A_3 {strides = array<i32>} : memref<336x256xf32, #tpu.memory_space<vmem>>, vector<16xf32>,
      %swap3A_316 = arith.index_cast %scan3A_282 : i32 to index
      %swap3A_317 = arith.constant 176 : index
      %swap3A_318 = tpu.vector_load %arg18[%swap3A_316, %swap3A_317] {strides = array<i32>} : memref<336x256xf32, #tpu.memory_space<vmem>>, vector<16xf32>,
      tpu.vector_store %arg18[%swap3A_316, %swap3A_317], %broadcast_in_dim3A_3 {strides = array<i32>} : memref<336x256xf32, #tpu.memory_space<vmem>>, vector<16xf32>,
      %swap3A_319 = arith.index_cast %scan3A_282 : i32 to index
      %swap3A_320 = arith.constant 192 : index
      %swap3A_321 = tpu.vector_load %arg18[%swap3A_319, %swap3A_320] {strides = array<i32>} : memref<336x256xf32, #tpu.memory_space<vmem>>, vector<16xf32>,
      tpu.vector_store %arg18[%swap3A_319, %swap3A_320], %broadcast_in_dim3A_3 {strides = array<i32>} : memref<336x256xf32, #tpu.memory_space<vmem>>, vector<16xf32>,
      %swap3A_322 = arith.index_cast %scan3A_282 : i32 to index
      %swap3A_323 = arith.constant 208 : index
      %swap3A_324 = tpu.vector_load %arg18[%swap3A_322, %swap3A_323] {strides = array<i32>} : memref<336x256xf32, #tpu.memory_space<vmem>>, vector<16xf32>,
      tpu.vector_store %arg18[%swap3A_322, %swap3A_323], %broadcast_in_dim3A_3 {strides = array<i32>} : memref<336x256xf32, #tpu.memory_space<vmem>>, vector<16xf32>,
      %swap3A_325 = arith.index_cast %scan3A_282 : i32 to index
      %swap3A_326 = arith.constant 224 : index
      %swap3A_327 = tpu.vector_load %arg18[%swap3A_325, %swap3A_326] {strides = array<i32>} : memref<336x256xf32, #tpu.memory_space<vmem>>, vector<16xf32>,
      tpu.vector_store %arg18[%swap3A_325, %swap3A_326], %broadcast_in_dim3A_3 {strides = array<i32>} : memref<336x256xf32, #tpu.memory_space<vmem>>, vector<16xf32>,
      %swap3A_328 = arith.index_cast %scan3A_282 : i32 to index
      %swap3A_329 = arith.constant 240 : index
      %swap3A_330 = tpu.vector_load %arg18[%swap3A_328, %swap3A_329] {strides = array<i32>} : memref<336x256xf32, #tpu.memory_space<vmem>>, vector<16xf32>,
      tpu.vector_store %arg18[%swap3A_328, %swap3A_329], %broadcast_in_dim3A_3 {strides = array<i32>} : memref<336x256xf32, #tpu.memory_space<vmem>>, vector<16xf32>,
    }
    %scan3A_8 = arith.constant 336 : i32
    %dma_start3A = arith.constant 0 : i32
    %dma_start3A_9 = arith.constant 0 : i32
    %dma_start3A_10 = tpu.memref_slice %arg4[%dma_start3A, %dma_start3A_9] : memref<4x160000xi32, #tpu.memory_space<hbm>> -> memref<4x640xi32, #tpu.memory_space<hbm>>
    %dma_start3A_11 = arith.constant 0 : i32
    %dma_start3A_12 = arith.constant 0 : i32
    %dma_start3A_13 = tpu.memref_slice %arg4[%dma_start3A_11, %dma_start3A_12] : memref<4x160000xi32, #tpu.memory_space<hbm>> -> memref<4x640xi32, #tpu.memory_space<hbm>>
    tpu.enqueue_dma source(%dma_start3A_13 : memref<4x640xi32, #tpu.memory_space<hbm>>) target(%arg6 : memref<4x640xi32, #tpu.memory_space<vmem>>) target_semaphore(%arg19 : memref<!tpu.dma_semaphore, #tpu.memory_space<semaphore_mem>>)
    %broadcast_in_dim3A_14 = arith.constant 0 : i32
    %broadcast_in_dim3A_15 = vector.broadcast %broadcast_in_dim3A_14 : i32 to vector<16xi32>
    %swap3A = arith.constant 0 : index
    %swap3A_16 = tpu.vector_load %arg12[%swap3A] {strides = array<i32>} : memref<32xi32, #tpu.memory_space<vmem>>, vector<16xi32>,
    tpu.vector_store %arg12[%swap3A], %broadcast_in_dim3A_15 {strides = array<i32>} : memref<32xi32, #tpu.memory_space<vmem>>, vector<16xi32>,
    %broadcast_in_dim3A_17 = arith.constant 0 : i32
    %broadcast_in_dim3A_18 = vector.broadcast %broadcast_in_dim3A_17 : i32 to vector<16xi32>
    %swap3A_19 = arith.constant 0 : index
    %swap3A_20 = tpu.vector_load %arg13[%swap3A_19] {strides = array<i32>} : memref<32xi32, #tpu.memory_space<vmem>>, vector<16xi32>,
    tpu.vector_store %arg13[%swap3A_19], %broadcast_in_dim3A_18 {strides = array<i32>} : memref<32xi32, #tpu.memory_space<vmem>>, vector<16xi32>,
    %broadcast_in_dim3A_21 = arith.constant 328 : i32
    %broadcast_in_dim3A_22 = vector.broadcast %broadcast_in_dim3A_21 : i32 to vector<16xi32>
    %swap3A_23 = arith.constant 0 : index
    %swap3A_24 = tpu.vector_load %arg14[%swap3A_23] {strides = array<i32>} : memref<80xi32, #tpu.memory_space<vmem>>, vector<16xi32>,
    tpu.vector_store %arg14[%swap3A_23], %broadcast_in_dim3A_22 {strides = array<i32>} : memref<80xi32, #tpu.memory_space<vmem>>, vector<16xi32>,
    %broadcast_in_dim3A_25 = arith.constant 0.000000e+00 : f32
    %broadcast_in_dim3A_26 = vector.broadcast %broadcast_in_dim3A_25 : f32 to vector<16xf32>
    %swap3A_27 = arith.constant 0 : index
    %swap3A_28 = tpu.vector_load %arg15[%swap3A_27] {strides = array<i32>} : memref<80xf32, #tpu.memory_space<vmem>>, vector<16xf32>,
    tpu.vector_store %arg15[%swap3A_27], %broadcast_in_dim3A_26 {strides = array<i32>} : memref<80xf32, #tpu.memory_space<vmem>>, vector<16xf32>,
    %broadcast_in_dim3A_29 = arith.constant 0 : i32
    %broadcast_in_dim3A_30 = vector.broadcast %broadcast_in_dim3A_29 : i32 to vector<16xi32>
    %swap3A_31 = arith.constant 16 : index
    %swap3A_32 = tpu.vector_load %arg12[%swap3A_31] {strides = array<i32>} : memref<32xi32, #tpu.memory_space<vmem>>, vector<16xi32>,
    tpu.vector_store %arg12[%swap3A_31], %broadcast_in_dim3A_30 {strides = array<i32>} : memref<32xi32, #tpu.memory_space<vmem>>, vector<16xi32>,
    %broadcast_in_dim3A_33 = arith.constant 0 : i32
    %broadcast_in_dim3A_34 = vector.broadcast %broadcast_in_dim3A_33 : i32 to vector<16xi32>
    %swap3A_35 = arith.constant 16 : index
    %swap3A_36 = tpu.vector_load %arg13[%swap3A_35] {strides = array<i32>} : memref<32xi32, #tpu.memory_space<vmem>>, vector<16xi32>,
    tpu.vector_store %arg13[%swap3A_35], %broadcast_in_dim3A_34 {strides = array<i32>} : memref<32xi32, #tpu.memory_space<vmem>>, vector<16xi32>,
    %broadcast_in_dim3A_37 = arith.constant 328 : i32
    %broadcast_in_dim3A_38 = vector.broadcast %broadcast_in_dim3A_37 : i32 to vector<16xi32>
    %swap3A_39 = arith.constant 16 : index
    %swap3A_40 = tpu.vector_load %arg14[%swap3A_39] {strides = array<i32>} : memref<80xi32, #tpu.memory_space<vmem>>, vector<16xi32>,
    tpu.vector_store %arg14[%swap3A_39], %broadcast_in_dim3A_38 {strides = array<i32>} : memref<80xi32, #tpu.memory_space<vmem>>, vector<16xi32>,
    %broadcast_in_dim3A_41 = arith.constant 0.000000e+00 : f32
    %broadcast_in_dim3A_42 = vector.broadcast %broadcast_in_dim3A_41 : f32 to vector<16xf32>
    %swap3A_43 = arith.constant 16 : index
    %swap3A_44 = tpu.vector_load %arg15[%swap3A_43] {strides = array<i32>} : memref<80xf32, #tpu.memory_space<vmem>>, vector<16xf32>,
    tpu.vector_store %arg15[%swap3A_43], %broadcast_in_dim3A_42 {strides = array<i32>} : memref<80xf32, #tpu.memory_space<vmem>>, vector<16xf32>,
    %dma_start3A_45 = arith.constant 0 : i32
    %dma_start3A_46 = arith.constant 0 : i32
    %dma_start3A_47 = tpu.memref_slice %arg16[%dma_start3A_45, %dma_start3A_46] : memref<64x256xf32, #tpu.memory_space<vmem>> -> memref<32x256xf32, #tpu.memory_space<vmem>>
    %dma_start3A_48 = arith.constant 0 : i32
    %dma_start3A_49 = arith.constant 0 : i32
    %dma_start3A_50 = tpu.memref_slice %arg2[%dma_start3A_48, %dma_start3A_49] : memref<10000x256xf32, #tpu.memory_space<hbm>> -> memref<10000x256xf32, #tpu.memory_space<hbm>>
    tpu.enqueue_indirect_dma source(%dma_start3A_50 : memref<10000x256xf32, #tpu.memory_space<hbm>>) target(%dma_start3A_47 : memref<32x256xf32, #tpu.memory_space<vmem>>) offsets(%arg12 : memref<32xi32, #tpu.memory_space<vmem>>) semaphore(%arg21 : memref<!tpu.dma_semaphore, #tpu.memory_space<semaphore_mem>>)
    %dma_start3A_51 = arith.constant 0 : i32
    %dma_start3A_52 = arith.constant 0 : i32
    %dma_start3A_53 = tpu.memref_slice %arg17[%dma_start3A_51, %dma_start3A_52] : memref<64x256xf32, #tpu.memory_space<vmem>> -> memref<32x256xf32, #tpu.memory_space<vmem>>
    %dma_start3A_54 = arith.constant 0 : i32
    %dma_start3A_55 = arith.constant 0 : i32
    %dma_start3A_56 = tpu.memref_slice %arg3[%dma_start3A_54, %dma_start3A_55] : memref<200x256xf32, #tpu.memory_space<hbm>> -> memref<200x256xf32, #tpu.memory_space<hbm>>
    tpu.enqueue_indirect_dma source(%dma_start3A_56 : memref<200x256xf32, #tpu.memory_space<hbm>>) target(%dma_start3A_53 : memref<32x256xf32, #tpu.memory_space<vmem>>) offsets(%arg13 : memref<32xi32, #tpu.memory_space<vmem>>) semaphore(%arg22 : memref<!tpu.dma_semaphore, #tpu.memory_space<semaphore_mem>>)
    %scan3A_57 = arith.constant 0 : i32
    %scan3A_58 = arith.constant 1 : i32
    %scan3A_59 = arith.constant 0 : i32
    %scan3A_60 = arith.constant 125 : i32
    %scan3A_61 = arith.addi %scan3A_59, %scan3A_60 : i32
    %scan3A_62 = arith.constant 1 : i32
    %scan3A_63:2 = scf.for %scan3A_282 = %scan3A_59 to %scan3A_61 step %scan3A_62 iter_args(%scan3A_283 = %scan3A_57, %scan3A_284 = %scan3A_58) -> (i32, i32)  : i32 {
      %dma_wait3A_285 = arith.constant 0 : i32
      %dma_wait3A_286 = arith.constant 0 : i32
      %dma_wait3A_287 = tpu.memref_slice %arg4[%dma_wait3A_285, %dma_wait3A_286] : memref<4x160000xi32, #tpu.memory_space<hbm>> -> memref<4x640xi32, #tpu.memory_space<hbm>>
      %dma_wait3A_288 = arith.constant 0 : i32
      %dma_wait3A_289 = arith.constant 0 : i32
      %dma_wait3A_290 = tpu.memref_slice %arg4[%dma_wait3A_288, %dma_wait3A_289] : memref<4x160000xi32, #tpu.memory_space<hbm>> -> memref<4x640xi32, #tpu.memory_space<hbm>>
      tpu.wait_dma2 semaphore(%arg19 : memref<!tpu.dma_semaphore, #tpu.memory_space<semaphore_mem>>) src(%dma_wait3A_290 : memref<4x640xi32, #tpu.memory_space<hbm>>) dst(%arg6 : memref<4x640xi32, #tpu.memory_space<vmem>>)
      %mul3A_291 = arith.constant 2 : i32
      %mul3A_292 = arith.muli %mul3A_291, %scan3A_282 : i32
      %add3A_293 = arith.constant 1 : i32
      %add3A_294 = arith.addi %mul3A_292, %add3A_293 : i32
      %mul3A_295 = arith.constant 640 : i32
      %mul3A_296 = arith.muli %add3A_294, %mul3A_295 : i32
      %dma_start3A_297 = arith.constant 0 : i32
      %dma_start3A_298 = tpu.memref_slice %arg4[%dma_start3A_297, %mul3A_296] : memref<4x160000xi32, #tpu.memory_space<hbm>> -> memref<4x640xi32, #tpu.memory_space<hbm>>
      %dma_start3A_299 = arith.constant 0 : i32
      %dma_start3A_300 = tpu.memref_slice %arg4[%dma_start3A_299, %mul3A_296] : memref<4x160000xi32, #tpu.memory_space<hbm>> -> memref<4x640xi32, #tpu.memory_space<hbm>>
      tpu.enqueue_dma source(%dma_start3A_300 : memref<4x640xi32, #tpu.memory_space<hbm>>) target(%arg7 : memref<4x640xi32, #tpu.memory_space<vmem>>) target_semaphore(%arg20 : memref<!tpu.dma_semaphore, #tpu.memory_space<semaphore_mem>>)
      %scan3A_301 = arith.constant 0 : i32
      %scan3A_302 = arith.constant 40 : i32
      %scan3A_303 = arith.addi %scan3A_301, %scan3A_302 : i32
      %scan3A_304 = arith.constant 1 : i32
      %scan3A_305 = scf.for %scan3A_332 = %scan3A_301 to %scan3A_303 step %scan3A_304 iter_args(%scan3A_333 = %scan3A_283) -> (i32)  : i32 {
        %mul3A_334 = arith.constant 16 : i32
        %mul3A_335 = arith.muli %scan3A_332, %mul3A_334 : i32
        %get3A_336 = arith.constant 0 : i32
        %get3A_337 = arith.index_cast %get3A_336 : i32 to index
        %get3A_338 = arith.index_cast %mul3A_335 : i32 to index
        %get3A_339 = tpu.vector_load %arg6[%get3A_337, %get3A_338] {strides = array<i32>} : memref<4x640xi32, #tpu.memory_space<vmem>>, vector<16xi32>,
        %rem3A = arith.constant 10000 : i32
        %rem3A_340 = vector.broadcast %rem3A : i32 to vector<16xi32>
        %rem3A_341 = arith.remsi %get3A_339, %rem3A_340 : vector<16xi32>
        %ge3A = vector.broadcast %mul3A_2 : i32 to vector<16xi32>
        %ge3A_342 = arith.cmpi sge, %rem3A_341, %ge3A : vector<16xi32>
        %add3A_343 = arith.constant 312 : i32
        %add3A_344 = arith.addi %mul3A_2, %add3A_343 : i32
        %lt3A_345 = vector.broadcast %add3A_344 : i32 to vector<16xi32>
        %lt3A_346 = arith.cmpi slt, %rem3A_341, %lt3A_345 : vector<16xi32>
        %and3A = arith.andi %ge3A_342, %lt3A_346 : vector<16xi1>
        %broadcast_in_dim3A_347 = vector.broadcast %add3A : i32 to vector<16xi32>
        %eq3A_348 = arith.constant 31 : i32
        %eq3A_349 = vector.broadcast %eq3A_348 : i32 to vector<16xi32>
        %eq3A_350 = arith.cmpi eq, %broadcast_in_dim3A_347, %eq3A_349 : vector<16xi32>
        %ge3A_351 = arith.constant 9984 : i32
        %ge3A_352 = vector.broadcast %ge3A_351 : i32 to vector<16xi32>
        %ge3A_353 = arith.cmpi sge, %rem3A_341, %ge3A_352 : vector<16xi32>
        %and3A_354 = arith.andi %eq3A_350, %ge3A_353 : vector<16xi1>
        %or3A = arith.ori %and3A, %and3A_354 : vector<16xi1>
        %sub3A_355 = vector.broadcast %mul3A_2 : i32 to vector<16xi32>
        %sub3A_356 = arith.subi %rem3A_341, %sub3A_355 : vector<16xi32>
        %sub3A_357 = arith.constant 9984 : i32
        %sub3A_358 = vector.broadcast %sub3A_357 : i32 to vector<16xi32>
        %sub3A_359 = arith.subi %rem3A_341, %sub3A_358 : vector<16xi32>
        %add3A_360 = arith.constant 312 : i32
        %add3A_361 = vector.broadcast %add3A_360 : i32 to vector<16xi32>
        %add3A_362 = arith.addi %sub3A_359, %add3A_361 : vector<16xi32>
        %select_n3A_363 = arith.select %and3A, %sub3A_356, %add3A_362 : vector<16xi1>, vector<16xi32>
        %jit3A_364 = arith.constant 1 : i32
        %jit3A_365 = arith.constant 0 : i32
        %broadcast_in_dim3A_366 = vector.broadcast %jit3A_364 : i32 to vector<16xi32>
        %broadcast_in_dim3A_367 = vector.broadcast %jit3A_365 : i32 to vector<16xi32>
        %select_n3A_368 = arith.select %or3A, %broadcast_in_dim3A_366, %broadcast_in_dim3A_367 : vector<16xi1>, vector<16xi32>
        %broadcast_in_dim3A_369 = arith.constant true
        %broadcast_in_dim3A_370 = vector.broadcast %broadcast_in_dim3A_369 : i1 to vector<16xi1>
        %masked_cumsum3A = tpu.scan <sum>, %select_n3A_368 masked %broadcast_in_dim3A_370 : vector<16xi32>, vector<16xi1> -> vector<16xi32>
        %add3A_371 = vector.broadcast %scan3A_333 : i32 to vector<16xi32>
        %add3A_372 = arith.addi %add3A_371, %masked_cumsum3A : vector<16xi32>
        %sub3A_373 = arith.constant 1 : i32
        %sub3A_374 = vector.broadcast %sub3A_373 : i32 to vector<16xi32>
        %sub3A_375 = arith.subi %add3A_372, %sub3A_374 : vector<16xi32>
        %jit3A_376 = arith.constant 703 : i32
        %broadcast_in_dim3A_377 = vector.broadcast %jit3A_376 : i32 to vector<16xi32>
        %select_n3A_378 = arith.select %or3A, %sub3A_375, %broadcast_in_dim3A_377 : vector<16xi1>, vector<16xi32>
        tpu.vector_store_idx %arg8[%select_n3A_378], %select_n3A_363 : memref<704xi32, #tpu.memory_space<vmem>>[vector<16xi32>], vector<16xi32>,
        %get3A_379 = arith.constant 1 : i32
        %get3A_380 = arith.index_cast %get3A_379 : i32 to index
        %get3A_381 = arith.index_cast %mul3A_335 : i32 to index
        %get3A_382 = tpu.vector_load %arg6[%get3A_380, %get3A_381] {strides = array<i32>} : memref<4x640xi32, #tpu.memory_space<vmem>>, vector<16xi32>,
        tpu.vector_store_idx %arg9[%select_n3A_378], %get3A_382 : memref<704xi32, #tpu.memory_space<vmem>>[vector<16xi32>], vector<16xi32>,
        %get3A_383 = arith.constant 2 : i32
        %get3A_384 = arith.index_cast %get3A_383 : i32 to index
        %get3A_385 = arith.index_cast %mul3A_335 : i32 to index
        %get3A_386 = tpu.vector_load %arg6[%get3A_384, %get3A_385] {strides = array<i32>} : memref<4x640xi32, #tpu.memory_space<vmem>>, vector<16xi32>,
        tpu.vector_store_idx %arg10[%select_n3A_378], %get3A_386 : memref<704xi32, #tpu.memory_space<vmem>>[vector<16xi32>], vector<16xi32>,
        %get3A_387 = arith.constant 3 : i32
        %get3A_388 = arith.index_cast %get3A_387 : i32 to index
        %get3A_389 = arith.index_cast %mul3A_335 : i32 to index
        %get3A_390 = tpu.vector_load %arg6[%get3A_388, %get3A_389] {strides = array<i32>} : memref<4x640xi32, #tpu.memory_space<vmem>>, vector<16xi32>,
        %bitcast3A = vector.bitcast %get3A_390 : vector<16xi32> to vector<16xf32>
        tpu.vector_store_idx %arg11[%select_n3A_378], %bitcast3A : memref<704xf32, #tpu.memory_space<vmem>>[vector<16xi32>], vector<16xf32>,
        %all_reduce_population_count3A = tpu.all_reduce %or3A {dim = 0 : i64, kind = #tpu.reduction_kind<sum>} : vector<16xi1> -> vector<16xi32>
        %slice3A = vector.extract_strided_slice %all_reduce_population_count3A {offsets = [0], sizes = [1], strides = [1]} : vector<16xi32> to vector<1xi32>
        %squeeze3A = vector.extract %slice3A[0] : i32 from vector<1xi32>
        %add3A_391 = arith.addi %scan3A_333, %squeeze3A : i32
        scf.yield %add3A_391 : i32
      }
      %scan3A_306 = arith.constant 40 : i32
      %while3A_307:2 = scf.while (%while3A_332 = %scan3A_305, %while3A_333 = %scan3A_284) : (i32, i32) -> (i32, i32) {
        %ge3A = arith.constant 32 : i32
        %ge3A_334 = arith.cmpi sge, %while3A_332, %ge3A : i32
        scf.condition(%ge3A_334) %while3A_332, %while3A_333 : i32, i32
      } do {
      ^bb0(%while3A_332: i32, %while3A_333: i32):
        %dma_wait3A_334 = arith.constant 0 : i32
        %dma_wait3A_335 = arith.constant 0 : i32
        %dma_wait3A_336 = tpu.memref_slice %arg16[%dma_wait3A_334, %dma_wait3A_335] : memref<64x256xf32, #tpu.memory_space<vmem>> -> memref<32x256xf32, #tpu.memory_space<vmem>>
        %dma_wait3A_337 = arith.constant 0 : i32
        %dma_wait3A_338 = arith.constant 0 : i32
        %dma_wait3A_339 = tpu.memref_slice %arg2[%dma_wait3A_337, %dma_wait3A_338] : memref<10000x256xf32, #tpu.memory_space<hbm>> -> memref<32x256xf32, #tpu.memory_space<hbm>>
        %dma_wait3A_340 = arith.constant 0 : i32
        %dma_wait3A_341 = arith.constant 0 : i32
        %dma_wait3A_342 = tpu.memref_slice %arg16[%dma_wait3A_340, %dma_wait3A_341] : memref<64x256xf32, #tpu.memory_space<vmem>> -> memref<32x256xf32, #tpu.memory_space<vmem>>
        %dma_wait3A_343 = arith.constant 0 : i32
        %dma_wait3A_344 = arith.constant 0 : i32
        %dma_wait3A_345 = tpu.memref_slice %arg2[%dma_wait3A_343, %dma_wait3A_344] : memref<10000x256xf32, #tpu.memory_space<hbm>> -> memref<32x256xf32, #tpu.memory_space<hbm>>
        tpu.wait_dma2 semaphore(%arg21 : memref<!tpu.dma_semaphore, #tpu.memory_space<semaphore_mem>>) src(%dma_wait3A_345 : memref<32x256xf32, #tpu.memory_space<hbm>>) dst(%dma_wait3A_342 : memref<32x256xf32, #tpu.memory_space<vmem>>)
        %dma_wait3A_346 = arith.constant 0 : i32
        %dma_wait3A_347 = arith.constant 0 : i32
        %dma_wait3A_348 = tpu.memref_slice %arg17[%dma_wait3A_346, %dma_wait3A_347] : memref<64x256xf32, #tpu.memory_space<vmem>> -> memref<32x256xf32, #tpu.memory_space<vmem>>
        %dma_wait3A_349 = arith.constant 0 : i32
        %dma_wait3A_350 = arith.constant 0 : i32
        %dma_wait3A_351 = tpu.memref_slice %arg3[%dma_wait3A_349, %dma_wait3A_350] : memref<200x256xf32, #tpu.memory_space<hbm>> -> memref<32x256xf32, #tpu.memory_space<hbm>>
        %dma_wait3A_352 = arith.constant 0 : i32
        %dma_wait3A_353 = arith.constant 0 : i32
        %dma_wait3A_354 = tpu.memref_slice %arg17[%dma_wait3A_352, %dma_wait3A_353] : memref<64x256xf32, #tpu.memory_space<vmem>> -> memref<32x256xf32, #tpu.memory_space<vmem>>
        %dma_wait3A_355 = arith.constant 0 : i32
        %dma_wait3A_356 = arith.constant 0 : i32
        %dma_wait3A_357 = tpu.memref_slice %arg3[%dma_wait3A_355, %dma_wait3A_356] : memref<200x256xf32, #tpu.memory_space<hbm>> -> memref<32x256xf32, #tpu.memory_space<hbm>>
        tpu.wait_dma2 semaphore(%arg22 : memref<!tpu.dma_semaphore, #tpu.memory_space<semaphore_mem>>) src(%dma_wait3A_357 : memref<32x256xf32, #tpu.memory_space<hbm>>) dst(%dma_wait3A_354 : memref<32x256xf32, #tpu.memory_space<vmem>>)
        %get3A_358 = arith.constant 0 : index
        %get3A_359 = tpu.vector_load %arg9[%get3A_358] {strides = array<i32>} : memref<704xi32, #tpu.memory_space<vmem>>, vector<16xi32>,
        %swap3A_360 = arith.constant 0 : index
        %swap3A_361 = tpu.vector_load %arg12[%swap3A_360] {strides = array<i32>} : memref<32xi32, #tpu.memory_space<vmem>>, vector<16xi32>,
        tpu.vector_store %arg12[%swap3A_360], %get3A_359 {strides = array<i32>} : memref<32xi32, #tpu.memory_space<vmem>>, vector<16xi32>,
        %get3A_362 = arith.constant 0 : index
        %get3A_363 = tpu.vector_load %arg10[%get3A_362] {strides = array<i32>} : memref<704xi32, #tpu.memory_space<vmem>>, vector<16xi32>,
        %swap3A_364 = arith.constant 0 : index
        %swap3A_365 = tpu.vector_load %arg13[%swap3A_364] {strides = array<i32>} : memref<32xi32, #tpu.memory_space<vmem>>, vector<16xi32>,
        tpu.vector_store %arg13[%swap3A_364], %get3A_363 {strides = array<i32>} : memref<32xi32, #tpu.memory_space<vmem>>, vector<16xi32>,
        %get3A_366 = arith.constant 0 : index
        %get3A_367 = tpu.vector_load %arg8[%get3A_366] {strides = array<i32>} : memref<704xi32, #tpu.memory_space<vmem>>, vector<16xi32>,
        %mul3A_368 = arith.constant 32 : i32
        %mul3A_369 = arith.muli %while3A_333, %mul3A_368 : i32
        %add3A_370 = arith.constant 0 : i32
        %add3A_371 = arith.addi %mul3A_369, %add3A_370 : i32
        %swap3A_372 = arith.index_cast %add3A_371 : i32 to index
        %swap3A_373 = tpu.vector_load %arg14[%swap3A_372] {strides = array<i32>} : memref<80xi32, #tpu.memory_space<vmem>>, vector<16xi32>,
        tpu.vector_store %arg14[%swap3A_372], %get3A_367 {strides = array<i32>} : memref<80xi32, #tpu.memory_space<vmem>>, vector<16xi32>,
        %get3A_374 = arith.constant 0 : index
        %get3A_375 = tpu.vector_load %arg11[%get3A_374] {strides = array<i32>} : memref<704xf32, #tpu.memory_space<vmem>>, vector<16xf32>,
        %mul3A_376 = arith.constant 32 : i32
        %mul3A_377 = arith.muli %while3A_333, %mul3A_376 : i32
        %add3A_378 = arith.constant 0 : i32
        %add3A_379 = arith.addi %mul3A_377, %add3A_378 : i32
        %swap3A_380 = arith.index_cast %add3A_379 : i32 to index
        %swap3A_381 = tpu.vector_load %arg15[%swap3A_380] {strides = array<i32>} : memref<80xf32, #tpu.memory_space<vmem>>, vector<16xf32>,
        tpu.vector_store %arg15[%swap3A_380], %get3A_375 {strides = array<i32>} : memref<80xf32, #tpu.memory_space<vmem>>, vector<16xf32>,
        %get3A_382 = arith.constant 16 : index
        %get3A_383 = tpu.vector_load %arg9[%get3A_382] {strides = array<i32>} : memref<704xi32, #tpu.memory_space<vmem>>, vector<16xi32>,
        %swap3A_384 = arith.constant 16 : index
        %swap3A_385 = tpu.vector_load %arg12[%swap3A_384] {strides = array<i32>} : memref<32xi32, #tpu.memory_space<vmem>>, vector<16xi32>,
        tpu.vector_store %arg12[%swap3A_384], %get3A_383 {strides = array<i32>} : memref<32xi32, #tpu.memory_space<vmem>>, vector<16xi32>,
        %get3A_386 = arith.constant 16 : index
        %get3A_387 = tpu.vector_load %arg10[%get3A_386] {strides = array<i32>} : memref<704xi32, #tpu.memory_space<vmem>>, vector<16xi32>,
        %swap3A_388 = arith.constant 16 : index
        %swap3A_389 = tpu.vector_load %arg13[%swap3A_388] {strides = array<i32>} : memref<32xi32, #tpu.memory_space<vmem>>, vector<16xi32>,
        tpu.vector_store %arg13[%swap3A_388], %get3A_387 {strides = array<i32>} : memref<32xi32, #tpu.memory_space<vmem>>, vector<16xi32>,
        %get3A_390 = arith.constant 16 : index
        %get3A_391 = tpu.vector_load %arg8[%get3A_390] {strides = array<i32>} : memref<704xi32, #tpu.memory_space<vmem>>, vector<16xi32>,
        %mul3A_392 = arith.constant 32 : i32
        %mul3A_393 = arith.muli %while3A_333, %mul3A_392 : i32
        %add3A_394 = arith.constant 16 : i32
        %add3A_395 = arith.addi %mul3A_393, %add3A_394 : i32
        %swap3A_396 = arith.index_cast %add3A_395 : i32 to index
        %swap3A_397 = tpu.vector_load %arg14[%swap3A_396] {strides = array<i32>} : memref<80xi32, #tpu.memory_space<vmem>>, vector<16xi32>,
        tpu.vector_store %arg14[%swap3A_396], %get3A_391 {strides = array<i32>} : memref<80xi32, #tpu.memory_space<vmem>>, vector<16xi32>,
        %get3A_398 = arith.constant 16 : index
        %get3A_399 = tpu.vector_load %arg11[%get3A_398] {strides = array<i32>} : memref<704xf32, #tpu.memory_space<vmem>>, vector<16xf32>,
        %mul3A_400 = arith.constant 32 : i32
        %mul3A_401 = arith.muli %while3A_333, %mul3A_400 : i32
        %add3A_402 = arith.constant 16 : i32
        %add3A_403 = arith.addi %mul3A_401, %add3A_402 : i32
        %swap3A_404 = arith.index_cast %add3A_403 : i32 to index
        %swap3A_405 = tpu.vector_load %arg15[%swap3A_404] {strides = array<i32>} : memref<80xf32, #tpu.memory_space<vmem>>, vector<16xf32>,
        tpu.vector_store %arg15[%swap3A_404], %get3A_399 {strides = array<i32>} : memref<80xf32, #tpu.memory_space<vmem>>, vector<16xf32>,
        %mul3A_406 = arith.constant 32 : i32
        %mul3A_407 = arith.muli %while3A_333, %mul3A_406 : i32
        %dma_start3A_408 = arith.constant 0 : i32
        %dma_start3A_409 = tpu.memref_slice %arg16[%mul3A_407, %dma_start3A_408] : memref<64x256xf32, #tpu.memory_space<vmem>> -> memref<32x256xf32, #tpu.memory_space<vmem>>
        %dma_start3A_410 = arith.constant 0 : i32
        %dma_start3A_411 = arith.constant 0 : i32
        %dma_start3A_412 = tpu.memref_slice %arg2[%dma_start3A_410, %dma_start3A_411] : memref<10000x256xf32, #tpu.memory_space<hbm>> -> memref<10000x256xf32, #tpu.memory_space<hbm>>
        tpu.enqueue_indirect_dma source(%dma_start3A_412 : memref<10000x256xf32, #tpu.memory_space<hbm>>) target(%dma_start3A_409 : memref<32x256xf32, #tpu.memory_space<vmem>>) offsets(%arg12 : memref<32xi32, #tpu.memory_space<vmem>>) semaphore(%arg21 : memref<!tpu.dma_semaphore, #tpu.memory_space<semaphore_mem>>)
        %dma_start3A_413 = arith.constant 0 : i32
        %dma_start3A_414 = tpu.memref_slice %arg17[%mul3A_407, %dma_start3A_413] : memref<64x256xf32, #tpu.memory_space<vmem>> -> memref<32x256xf32, #tpu.memory_space<vmem>>
        %dma_start3A_415 = arith.constant 0 : i32
        %dma_start3A_416 = arith.constant 0 : i32
        %dma_start3A_417 = tpu.memref_slice %arg3[%dma_start3A_415, %dma_start3A_416] : memref<200x256xf32, #tpu.memory_space<hbm>> -> memref<200x256xf32, #tpu.memory_space<hbm>>
        tpu.enqueue_indirect_dma source(%dma_start3A_417 : memref<200x256xf32, #tpu.memory_space<hbm>>) target(%dma_start3A_414 : memref<32x256xf32, #tpu.memory_space<vmem>>) offsets(%arg13 : memref<32xi32, #tpu.memory_space<vmem>>) semaphore(%arg22 : memref<!tpu.dma_semaphore, #tpu.memory_space<semaphore_mem>>)
        %sub3A_418 = arith.constant 1 : i32
        %sub3A_419 = arith.subi %sub3A_418, %while3A_333 : i32
        %mul3A_420 = arith.constant 32 : i32
        %mul3A_421 = arith.muli %sub3A_419, %mul3A_420 : i32
        %scan3A_422 = arith.constant 0 : i32
        %scan3A_423 = arith.constant 0 : i32
        %scan3A_424 = arith.constant 32 : i32
        %scan3A_425 = arith.addi %scan3A_423, %scan3A_424 : i32
        %scan3A_426 = arith.constant 1 : i32
        scf.for %scan3A_450 = %scan3A_423 to %scan3A_425 step %scan3A_426  : i32 {
          %add3A_451 = arith.addi %mul3A_421, %scan3A_450 : i32
          %get3A_452 = arith.index_cast %add3A_451 : i32 to index
          %get3A_453 = tpu.vector_load %arg15[%get3A_452] {strides = array<i32>} : memref<80xf32, #tpu.memory_space<vmem>>, vector<16xf32>,
          %slice3A = vector.extract_strided_slice %get3A_453 {offsets = [0], sizes = [1], strides = [1]} : vector<16xf32> to vector<1xf32>
          %squeeze3A = vector.extract %slice3A[0] : f32 from vector<1xf32>
          %add3A_454 = arith.addi %mul3A_421, %scan3A_450 : i32
          %get3A_455 = arith.index_cast %add3A_454 : i32 to index
          %get3A_456 = tpu.vector_load %arg14[%get3A_455] {strides = array<i32>} : memref<80xi32, #tpu.memory_space<vmem>>, vector<16xi32>,
          %slice3A_457 = vector.extract_strided_slice %get3A_456 {offsets = [0], sizes = [1], strides = [1]} : vector<16xi32> to vector<1xi32>
          %squeeze3A_458 = vector.extract %slice3A_457[0] : i32 from vector<1xi32>
          %broadcast_in_dim3A_459 = vector.broadcast %squeeze3A : f32 to vector<16xf32>
          %add3A_460 = arith.addi %mul3A_421, %scan3A_450 : i32
          %get3A_461 = arith.index_cast %add3A_460 : i32 to index
          %get3A_462 = arith.constant 0 : index
          %get3A_463 = tpu.vector_load %arg16[%get3A_461, %get3A_462] {strides = array<i32>} : memref<64x256xf32, #tpu.memory_space<vmem>>, vector<16xf32>,
          %add3A_464 = arith.addi %mul3A_421, %scan3A_450 : i32
          %get3A_465 = arith.index_cast %add3A_464 : i32 to index
          %get3A_466 = arith.constant 0 : index
          %get3A_467 = tpu.vector_load %arg17[%get3A_465, %get3A_466] {strides = array<i32>} : memref<64x256xf32, #tpu.memory_space<vmem>>, vector<16xf32>,
          %sub3A_468 = arith.subf %get3A_463, %get3A_467 : vector<16xf32>
          %mul3A_469 = arith.mulf %sub3A_468, %broadcast_in_dim3A_459 : vector<16xf32>
          %swap3A_470 = arith.index_cast %squeeze3A_458 : i32 to index
          %swap3A_471 = arith.constant 0 : index
          %swap3A_472 = tpu.vector_load %arg18[%swap3A_470, %swap3A_471] {strides = array<i32>} : memref<336x256xf32, #tpu.memory_space<vmem>>, vector<16xf32>,
          tpu.vector_store %arg18[%swap3A_470, %swap3A_471], %mul3A_469 {add = true, strides = array<i32>} : memref<336x256xf32, #tpu.memory_space<vmem>>, vector<16xf32>,
          %add3A_473 = arith.addi %mul3A_421, %scan3A_450 : i32
          %get3A_474 = arith.index_cast %add3A_473 : i32 to index
          %get3A_475 = arith.constant 16 : index
          %get3A_476 = tpu.vector_load %arg16[%get3A_474, %get3A_475] {strides = array<i32>} : memref<64x256xf32, #tpu.memory_space<vmem>>, vector<16xf32>,
          %add3A_477 = arith.addi %mul3A_421, %scan3A_450 : i32
          %get3A_478 = arith.index_cast %add3A_477 : i32 to index
          %get3A_479 = arith.constant 16 : index
          %get3A_480 = tpu.vector_load %arg17[%get3A_478, %get3A_479] {strides = array<i32>} : memref<64x256xf32, #tpu.memory_space<vmem>>, vector<16xf32>,
          %sub3A_481 = arith.subf %get3A_476, %get3A_480 : vector<16xf32>
          %mul3A_482 = arith.mulf %sub3A_481, %broadcast_in_dim3A_459 : vector<16xf32>
          %swap3A_483 = arith.index_cast %squeeze3A_458 : i32 to index
          %swap3A_484 = arith.constant 16 : index
          %swap3A_485 = tpu.vector_load %arg18[%swap3A_483, %swap3A_484] {strides = array<i32>} : memref<336x256xf32, #tpu.memory_space<vmem>>, vector<16xf32>,
          tpu.vector_store %arg18[%swap3A_483, %swap3A_484], %mul3A_482 {add = true, strides = array<i32>} : memref<336x256xf32, #tpu.memory_space<vmem>>, vector<16xf32>,
          %add3A_486 = arith.addi %mul3A_421, %scan3A_450 : i32
          %get3A_487 = arith.index_cast %add3A_486 : i32 to index
          %get3A_488 = arith.constant 32 : index
          %get3A_489 = tpu.vector_load %arg16[%get3A_487, %get3A_488] {strides = array<i32>} : memref<64x256xf32, #tpu.memory_space<vmem>>, vector<16xf32>,
          %add3A_490 = arith.addi %mul3A_421, %scan3A_450 : i32
          %get3A_491 = arith.index_cast %add3A_490 : i32 to index
          %get3A_492 = arith.constant 32 : index
          %get3A_493 = tpu.vector_load %arg17[%get3A_491, %get3A_492] {strides = array<i32>} : memref<64x256xf32, #tpu.memory_space<vmem>>, vector<16xf32>,
          %sub3A_494 = arith.subf %get3A_489, %get3A_493 : vector<16xf32>
          %mul3A_495 = arith.mulf %sub3A_494, %broadcast_in_dim3A_459 : vector<16xf32>
          %swap3A_496 = arith.index_cast %squeeze3A_458 : i32 to index
          %swap3A_497 = arith.constant 32 : index
          %swap3A_498 = tpu.vector_load %arg18[%swap3A_496, %swap3A_497] {strides = array<i32>} : memref<336x256xf32, #tpu.memory_space<vmem>>, vector<16xf32>,
          tpu.vector_store %arg18[%swap3A_496, %swap3A_497], %mul3A_495 {add = true, strides = array<i32>} : memref<336x256xf32, #tpu.memory_space<vmem>>, vector<16xf32>,
          %add3A_499 = arith.addi %mul3A_421, %scan3A_450 : i32
          %get3A_500 = arith.index_cast %add3A_499 : i32 to index
          %get3A_501 = arith.constant 48 : index
          %get3A_502 = tpu.vector_load %arg16[%get3A_500, %get3A_501] {strides = array<i32>} : memref<64x256xf32, #tpu.memory_space<vmem>>, vector<16xf32>,
          %add3A_503 = arith.addi %mul3A_421, %scan3A_450 : i32
          %get3A_504 = arith.index_cast %add3A_503 : i32 to index
          %get3A_505 = arith.constant 48 : index
          %get3A_506 = tpu.vector_load %arg17[%get3A_504, %get3A_505] {strides = array<i32>} : memref<64x256xf32, #tpu.memory_space<vmem>>, vector<16xf32>,
          %sub3A_507 = arith.subf %get3A_502, %get3A_506 : vector<16xf32>
          %mul3A_508 = arith.mulf %sub3A_507, %broadcast_in_dim3A_459 : vector<16xf32>
          %swap3A_509 = arith.index_cast %squeeze3A_458 : i32 to index
          %swap3A_510 = arith.constant 48 : index
          %swap3A_511 = tpu.vector_load %arg18[%swap3A_509, %swap3A_510] {strides = array<i32>} : memref<336x256xf32, #tpu.memory_space<vmem>>, vector<16xf32>,
          tpu.vector_store %arg18[%swap3A_509, %swap3A_510], %mul3A_508 {add = true, strides = array<i32>} : memref<336x256xf32, #tpu.memory_space<vmem>>, vector<16xf32>,
          %add3A_512 = arith.addi %mul3A_421, %scan3A_450 : i32
          %get3A_513 = arith.index_cast %add3A_512 : i32 to index
          %get3A_514 = arith.constant 64 : index
          %get3A_515 = tpu.vector_load %arg16[%get3A_513, %get3A_514] {strides = array<i32>} : memref<64x256xf32, #tpu.memory_space<vmem>>, vector<16xf32>,
          %add3A_516 = arith.addi %mul3A_421, %scan3A_450 : i32
          %get3A_517 = arith.index_cast %add3A_516 : i32 to index
          %get3A_518 = arith.constant 64 : index
          %get3A_519 = tpu.vector_load %arg17[%get3A_517, %get3A_518] {strides = array<i32>} : memref<64x256xf32, #tpu.memory_space<vmem>>, vector<16xf32>,
          %sub3A_520 = arith.subf %get3A_515, %get3A_519 : vector<16xf32>
          %mul3A_521 = arith.mulf %sub3A_520, %broadcast_in_dim3A_459 : vector<16xf32>
          %swap3A_522 = arith.index_cast %squeeze3A_458 : i32 to index
          %swap3A_523 = arith.constant 64 : index
          %swap3A_524 = tpu.vector_load %arg18[%swap3A_522, %swap3A_523] {strides = array<i32>} : memref<336x256xf32, #tpu.memory_space<vmem>>, vector<16xf32>,
          tpu.vector_store %arg18[%swap3A_522, %swap3A_523], %mul3A_521 {add = true, strides = array<i32>} : memref<336x256xf32, #tpu.memory_space<vmem>>, vector<16xf32>,
          %add3A_525 = arith.addi %mul3A_421, %scan3A_450 : i32
          %get3A_526 = arith.index_cast %add3A_525 : i32 to index
          %get3A_527 = arith.constant 80 : index
          %get3A_528 = tpu.vector_load %arg16[%get3A_526, %get3A_527] {strides = array<i32>} : memref<64x256xf32, #tpu.memory_space<vmem>>, vector<16xf32>,
          %add3A_529 = arith.addi %mul3A_421, %scan3A_450 : i32
          %get3A_530 = arith.index_cast %add3A_529 : i32 to index
          %get3A_531 = arith.constant 80 : index
          %get3A_532 = tpu.vector_load %arg17[%get3A_530, %get3A_531] {strides = array<i32>} : memref<64x256xf32, #tpu.memory_space<vmem>>, vector<16xf32>,
          %sub3A_533 = arith.subf %get3A_528, %get3A_532 : vector<16xf32>
          %mul3A_534 = arith.mulf %sub3A_533, %broadcast_in_dim3A_459 : vector<16xf32>
          %swap3A_535 = arith.index_cast %squeeze3A_458 : i32 to index
          %swap3A_536 = arith.constant 80 : index
          %swap3A_537 = tpu.vector_load %arg18[%swap3A_535, %swap3A_536] {strides = array<i32>} : memref<336x256xf32, #tpu.memory_space<vmem>>, vector<16xf32>,
          tpu.vector_store %arg18[%swap3A_535, %swap3A_536], %mul3A_534 {add = true, strides = array<i32>} : memref<336x256xf32, #tpu.memory_space<vmem>>, vector<16xf32>,
          %add3A_538 = arith.addi %mul3A_421, %scan3A_450 : i32
          %get3A_539 = arith.index_cast %add3A_538 : i32 to index
          %get3A_540 = arith.constant 96 : index
          %get3A_541 = tpu.vector_load %arg16[%get3A_539, %get3A_540] {strides = array<i32>} : memref<64x256xf32, #tpu.memory_space<vmem>>, vector<16xf32>,
          %add3A_542 = arith.addi %mul3A_421, %scan3A_450 : i32
          %get3A_543 = arith.index_cast %add3A_542 : i32 to index
          %get3A_544 = arith.constant 96 : index
          %get3A_545 = tpu.vector_load %arg17[%get3A_543, %get3A_544] {strides = array<i32>} : memref<64x256xf32, #tpu.memory_space<vmem>>, vector<16xf32>,
          %sub3A_546 = arith.subf %get3A_541, %get3A_545 : vector<16xf32>
          %mul3A_547 = arith.mulf %sub3A_546, %broadcast_in_dim3A_459 : vector<16xf32>
          %swap3A_548 = arith.index_cast %squeeze3A_458 : i32 to index
          %swap3A_549 = arith.constant 96 : index
          %swap3A_550 = tpu.vector_load %arg18[%swap3A_548, %swap3A_549] {strides = array<i32>} : memref<336x256xf32, #tpu.memory_space<vmem>>, vector<16xf32>,
          tpu.vector_store %arg18[%swap3A_548, %swap3A_549], %mul3A_547 {add = true, strides = array<i32>} : memref<336x256xf32, #tpu.memory_space<vmem>>, vector<16xf32>,
          %add3A_551 = arith.addi %mul3A_421, %scan3A_450 : i32
          %get3A_552 = arith.index_cast %add3A_551 : i32 to index
          %get3A_553 = arith.constant 112 : index
          %get3A_554 = tpu.vector_load %arg16[%get3A_552, %get3A_553] {strides = array<i32>} : memref<64x256xf32, #tpu.memory_space<vmem>>, vector<16xf32>,
          %add3A_555 = arith.addi %mul3A_421, %scan3A_450 : i32
          %get3A_556 = arith.index_cast %add3A_555 : i32 to index
          %get3A_557 = arith.constant 112 : index
          %get3A_558 = tpu.vector_load %arg17[%get3A_556, %get3A_557] {strides = array<i32>} : memref<64x256xf32, #tpu.memory_space<vmem>>, vector<16xf32>,
          %sub3A_559 = arith.subf %get3A_554, %get3A_558 : vector<16xf32>
          %mul3A_560 = arith.mulf %sub3A_559, %broadcast_in_dim3A_459 : vector<16xf32>
          %swap3A_561 = arith.index_cast %squeeze3A_458 : i32 to index
          %swap3A_562 = arith.constant 112 : index
          %swap3A_563 = tpu.vector_load %arg18[%swap3A_561, %swap3A_562] {strides = array<i32>} : memref<336x256xf32, #tpu.memory_space<vmem>>, vector<16xf32>,
          tpu.vector_store %arg18[%swap3A_561, %swap3A_562], %mul3A_560 {add = true, strides = array<i32>} : memref<336x256xf32, #tpu.memory_space<vmem>>, vector<16xf32>,
          %add3A_564 = arith.addi %mul3A_421, %scan3A_450 : i32
          %get3A_565 = arith.index_cast %add3A_564 : i32 to index
          %get3A_566 = arith.constant 128 : index
          %get3A_567 = tpu.vector_load %arg16[%get3A_565, %get3A_566] {strides = array<i32>} : memref<64x256xf32, #tpu.memory_space<vmem>>, vector<16xf32>,
          %add3A_568 = arith.addi %mul3A_421, %scan3A_450 : i32
          %get3A_569 = arith.index_cast %add3A_568 : i32 to index
          %get3A_570 = arith.constant 128 : index
          %get3A_571 = tpu.vector_load %arg17[%get3A_569, %get3A_570] {strides = array<i32>} : memref<64x256xf32, #tpu.memory_space<vmem>>, vector<16xf32>,
          %sub3A_572 = arith.subf %get3A_567, %get3A_571 : vector<16xf32>
          %mul3A_573 = arith.mulf %sub3A_572, %broadcast_in_dim3A_459 : vector<16xf32>
          %swap3A_574 = arith.index_cast %squeeze3A_458 : i32 to index
          %swap3A_575 = arith.constant 128 : index
          %swap3A_576 = tpu.vector_load %arg18[%swap3A_574, %swap3A_575] {strides = array<i32>} : memref<336x256xf32, #tpu.memory_space<vmem>>, vector<16xf32>,
          tpu.vector_store %arg18[%swap3A_574, %swap3A_575], %mul3A_573 {add = true, strides = array<i32>} : memref<336x256xf32, #tpu.memory_space<vmem>>, vector<16xf32>,
          %add3A_577 = arith.addi %mul3A_421, %scan3A_450 : i32
          %get3A_578 = arith.index_cast %add3A_577 : i32 to index
          %get3A_579 = arith.constant 144 : index
          %get3A_580 = tpu.vector_load %arg16[%get3A_578, %get3A_579] {strides = array<i32>} : memref<64x256xf32, #tpu.memory_space<vmem>>, vector<16xf32>,
          %add3A_581 = arith.addi %mul3A_421, %scan3A_450 : i32
          %get3A_582 = arith.index_cast %add3A_581 : i32 to index
          %get3A_583 = arith.constant 144 : index
          %get3A_584 = tpu.vector_load %arg17[%get3A_582, %get3A_583] {strides = array<i32>} : memref<64x256xf32, #tpu.memory_space<vmem>>, vector<16xf32>,
          %sub3A_585 = arith.subf %get3A_580, %get3A_584 : vector<16xf32>
          %mul3A_586 = arith.mulf %sub3A_585, %broadcast_in_dim3A_459 : vector<16xf32>
          %swap3A_587 = arith.index_cast %squeeze3A_458 : i32 to index
          %swap3A_588 = arith.constant 144 : index
          %swap3A_589 = tpu.vector_load %arg18[%swap3A_587, %swap3A_588] {strides = array<i32>} : memref<336x256xf32, #tpu.memory_space<vmem>>, vector<16xf32>,
          tpu.vector_store %arg18[%swap3A_587, %swap3A_588], %mul3A_586 {add = true, strides = array<i32>} : memref<336x256xf32, #tpu.memory_space<vmem>>, vector<16xf32>,
          %add3A_590 = arith.addi %mul3A_421, %scan3A_450 : i32
          %get3A_591 = arith.index_cast %add3A_590 : i32 to index
          %get3A_592 = arith.constant 160 : index
          %get3A_593 = tpu.vector_load %arg16[%get3A_591, %get3A_592] {strides = array<i32>} : memref<64x256xf32, #tpu.memory_space<vmem>>, vector<16xf32>,
          %add3A_594 = arith.addi %mul3A_421, %scan3A_450 : i32
          %get3A_595 = arith.index_cast %add3A_594 : i32 to index
          %get3A_596 = arith.constant 160 : index
          %get3A_597 = tpu.vector_load %arg17[%get3A_595, %get3A_596] {strides = array<i32>} : memref<64x256xf32, #tpu.memory_space<vmem>>, vector<16xf32>,
          %sub3A_598 = arith.subf %get3A_593, %get3A_597 : vector<16xf32>
          %mul3A_599 = arith.mulf %sub3A_598, %broadcast_in_dim3A_459 : vector<16xf32>
          %swap3A_600 = arith.index_cast %squeeze3A_458 : i32 to index
          %swap3A_601 = arith.constant 160 : index
          %swap3A_602 = tpu.vector_load %arg18[%swap3A_600, %swap3A_601] {strides = array<i32>} : memref<336x256xf32, #tpu.memory_space<vmem>>, vector<16xf32>,
          tpu.vector_store %arg18[%swap3A_600, %swap3A_601], %mul3A_599 {add = true, strides = array<i32>} : memref<336x256xf32, #tpu.memory_space<vmem>>, vector<16xf32>,
          %add3A_603 = arith.addi %mul3A_421, %scan3A_450 : i32
          %get3A_604 = arith.index_cast %add3A_603 : i32 to index
          %get3A_605 = arith.constant 176 : index
          %get3A_606 = tpu.vector_load %arg16[%get3A_604, %get3A_605] {strides = array<i32>} : memref<64x256xf32, #tpu.memory_space<vmem>>, vector<16xf32>,
          %add3A_607 = arith.addi %mul3A_421, %scan3A_450 : i32
          %get3A_608 = arith.index_cast %add3A_607 : i32 to index
          %get3A_609 = arith.constant 176 : index
          %get3A_610 = tpu.vector_load %arg17[%get3A_608, %get3A_609] {strides = array<i32>} : memref<64x256xf32, #tpu.memory_space<vmem>>, vector<16xf32>,
          %sub3A_611 = arith.subf %get3A_606, %get3A_610 : vector<16xf32>
          %mul3A_612 = arith.mulf %sub3A_611, %broadcast_in_dim3A_459 : vector<16xf32>
          %swap3A_613 = arith.index_cast %squeeze3A_458 : i32 to index
          %swap3A_614 = arith.constant 176 : index
          %swap3A_615 = tpu.vector_load %arg18[%swap3A_613, %swap3A_614] {strides = array<i32>} : memref<336x256xf32, #tpu.memory_space<vmem>>, vector<16xf32>,
          tpu.vector_store %arg18[%swap3A_613, %swap3A_614], %mul3A_612 {add = true, strides = array<i32>} : memref<336x256xf32, #tpu.memory_space<vmem>>, vector<16xf32>,
          %add3A_616 = arith.addi %mul3A_421, %scan3A_450 : i32
          %get3A_617 = arith.index_cast %add3A_616 : i32 to index
          %get3A_618 = arith.constant 192 : index
          %get3A_619 = tpu.vector_load %arg16[%get3A_617, %get3A_618] {strides = array<i32>} : memref<64x256xf32, #tpu.memory_space<vmem>>, vector<16xf32>,
          %add3A_620 = arith.addi %mul3A_421, %scan3A_450 : i32
          %get3A_621 = arith.index_cast %add3A_620 : i32 to index
          %get3A_622 = arith.constant 192 : index
          %get3A_623 = tpu.vector_load %arg17[%get3A_621, %get3A_622] {strides = array<i32>} : memref<64x256xf32, #tpu.memory_space<vmem>>, vector<16xf32>,
          %sub3A_624 = arith.subf %get3A_619, %get3A_623 : vector<16xf32>
          %mul3A_625 = arith.mulf %sub3A_624, %broadcast_in_dim3A_459 : vector<16xf32>
          %swap3A_626 = arith.index_cast %squeeze3A_458 : i32 to index
          %swap3A_627 = arith.constant 192 : index
          %swap3A_628 = tpu.vector_load %arg18[%swap3A_626, %swap3A_627] {strides = array<i32>} : memref<336x256xf32, #tpu.memory_space<vmem>>, vector<16xf32>,
          tpu.vector_store %arg18[%swap3A_626, %swap3A_627], %mul3A_625 {add = true, strides = array<i32>} : memref<336x256xf32, #tpu.memory_space<vmem>>, vector<16xf32>,
          %add3A_629 = arith.addi %mul3A_421, %scan3A_450 : i32
          %get3A_630 = arith.index_cast %add3A_629 : i32 to index
          %get3A_631 = arith.constant 208 : index
          %get3A_632 = tpu.vector_load %arg16[%get3A_630, %get3A_631] {strides = array<i32>} : memref<64x256xf32, #tpu.memory_space<vmem>>, vector<16xf32>,
          %add3A_633 = arith.addi %mul3A_421, %scan3A_450 : i32
          %get3A_634 = arith.index_cast %add3A_633 : i32 to index
          %get3A_635 = arith.constant 208 : index
          %get3A_636 = tpu.vector_load %arg17[%get3A_634, %get3A_635] {strides = array<i32>} : memref<64x256xf32, #tpu.memory_space<vmem>>, vector<16xf32>,
          %sub3A_637 = arith.subf %get3A_632, %get3A_636 : vector<16xf32>
          %mul3A_638 = arith.mulf %sub3A_637, %broadcast_in_dim3A_459 : vector<16xf32>
          %swap3A_639 = arith.index_cast %squeeze3A_458 : i32 to index
          %swap3A_640 = arith.constant 208 : index
          %swap3A_641 = tpu.vector_load %arg18[%swap3A_639, %swap3A_640] {strides = array<i32>} : memref<336x256xf32, #tpu.memory_space<vmem>>, vector<16xf32>,
          tpu.vector_store %arg18[%swap3A_639, %swap3A_640], %mul3A_638 {add = true, strides = array<i32>} : memref<336x256xf32, #tpu.memory_space<vmem>>, vector<16xf32>,
          %add3A_642 = arith.addi %mul3A_421, %scan3A_450 : i32
          %get3A_643 = arith.index_cast %add3A_642 : i32 to index
          %get3A_644 = arith.constant 224 : index
          %get3A_645 = tpu.vector_load %arg16[%get3A_643, %get3A_644] {strides = array<i32>} : memref<64x256xf32, #tpu.memory_space<vmem>>, vector<16xf32>,
          %add3A_646 = arith.addi %mul3A_421, %scan3A_450 : i32
          %get3A_647 = arith.index_cast %add3A_646 : i32 to index
          %get3A_648 = arith.constant 224 : index
          %get3A_649 = tpu.vector_load %arg17[%get3A_647, %get3A_648] {strides = array<i32>} : memref<64x256xf32, #tpu.memory_space<vmem>>, vector<16xf32>,
          %sub3A_650 = arith.subf %get3A_645, %get3A_649 : vector<16xf32>
          %mul3A_651 = arith.mulf %sub3A_650, %broadcast_in_dim3A_459 : vector<16xf32>
          %swap3A_652 = arith.index_cast %squeeze3A_458 : i32 to index
          %swap3A_653 = arith.constant 224 : index
          %swap3A_654 = tpu.vector_load %arg18[%swap3A_652, %swap3A_653] {strides = array<i32>} : memref<336x256xf32, #tpu.memory_space<vmem>>, vector<16xf32>,
          tpu.vector_store %arg18[%swap3A_652, %swap3A_653], %mul3A_651 {add = true, strides = array<i32>} : memref<336x256xf32, #tpu.memory_space<vmem>>, vector<16xf32>,
          %add3A_655 = arith.addi %mul3A_421, %scan3A_450 : i32
          %get3A_656 = arith.index_cast %add3A_655 : i32 to index
          %get3A_657 = arith.constant 240 : index
          %get3A_658 = tpu.vector_load %arg16[%get3A_656, %get3A_657] {strides = array<i32>} : memref<64x256xf32, #tpu.memory_space<vmem>>, vector<16xf32>,
          %add3A_659 = arith.addi %mul3A_421, %scan3A_450 : i32
          %get3A_660 = arith.index_cast %add3A_659 : i32 to index
          %get3A_661 = arith.constant 240 : index
          %get3A_662 = tpu.vector_load %arg17[%get3A_660, %get3A_661] {strides = array<i32>} : memref<64x256xf32, #tpu.memory_space<vmem>>, vector<16xf32>,
          %sub3A_663 = arith.subf %get3A_658, %get3A_662 : vector<16xf32>
          %mul3A_664 = arith.mulf %sub3A_663, %broadcast_in_dim3A_459 : vector<16xf32>
          %swap3A_665 = arith.index_cast %squeeze3A_458 : i32 to index
          %swap3A_666 = arith.constant 240 : index
          %swap3A_667 = tpu.vector_load %arg18[%swap3A_665, %swap3A_666] {strides = array<i32>} : memref<336x256xf32, #tpu.memory_space<vmem>>, vector<16xf32>,
          tpu.vector_store %arg18[%swap3A_665, %swap3A_666], %mul3A_664 {add = true, strides = array<i32>} : memref<336x256xf32, #tpu.memory_space<vmem>>, vector<16xf32>,
        }
        %scan3A_427 = arith.constant 32 : i32
        %sub3A_428 = arith.constant 32 : i32
        %sub3A_429 = arith.subi %while3A_332, %sub3A_428 : i32
        %add3A_430 = arith.constant 16 : i32
        %add3A_431 = arith.addi %sub3A_429, %add3A_430 : i32
        %sub3A_432 = arith.constant 1 : i32
        %sub3A_433 = arith.subi %add3A_431, %sub3A_432 : i32
        %shift_right_logical3A_434 = arith.constant 4 : i32
        %shift_right_logical3A_435 = arith.shrui %sub3A_433, %shift_right_logical3A_434 : i32
        %while3A_436 = arith.constant 0 : i32
        %while3A_437 = arith.constant 0 : i32
        %while3A_438 = arith.subi %shift_right_logical3A_435, %while3A_437 : i32
        %while3A_439 = arith.addi %while3A_437, %while3A_438 : i32
        %while3A_440 = arith.constant 1 : i32
        %while3A_441 = arith.divsi %while3A_438, %while3A_440 : i32
        %while3A_442 = arith.muli %while3A_441, %while3A_440 : i32
        %while3A_443 = arith.addi %while3A_437, %while3A_442 : i32
        %while3A_444 = arith.constant 1 : i32
        scf.for %while3A_450 = %while3A_437 to %while3A_443 step %while3A_444  : i32 {
          %mul3A_451 = arith.constant 16 : i32
          %mul3A_452 = arith.muli %while3A_450, %mul3A_451 : i32
          %add3A_453 = arith.constant 32 : i32
          %add3A_454 = arith.addi %add3A_453, %mul3A_452 : i32
          %mul3A_455 = arith.constant 16 : i32
          %mul3A_456 = arith.muli %while3A_450, %mul3A_455 : i32
          %get3A_457 = arith.index_cast %add3A_454 : i32 to index
          %get3A_458 = tpu.vector_load %arg8[%get3A_457] {strides = array<i32>} : memref<704xi32, #tpu.memory_space<vmem>>, vector<16xi32>,
          %swap3A_459 = arith.index_cast %mul3A_456 : i32 to index
          %swap3A_460 = tpu.vector_load %arg8[%swap3A_459] {strides = array<i32>} : memref<704xi32, #tpu.memory_space<vmem>>, vector<16xi32>,
          tpu.vector_store %arg8[%swap3A_459], %get3A_458 {strides = array<i32>} : memref<704xi32, #tpu.memory_space<vmem>>, vector<16xi32>,
          %get3A_461 = arith.index_cast %add3A_454 : i32 to index
          %get3A_462 = tpu.vector_load %arg9[%get3A_461] {strides = array<i32>} : memref<704xi32, #tpu.memory_space<vmem>>, vector<16xi32>,
          %swap3A_463 = arith.index_cast %mul3A_456 : i32 to index
          %swap3A_464 = tpu.vector_load %arg9[%swap3A_463] {strides = array<i32>} : memref<704xi32, #tpu.memory_space<vmem>>, vector<16xi32>,
          tpu.vector_store %arg9[%swap3A_463], %get3A_462 {strides = array<i32>} : memref<704xi32, #tpu.memory_space<vmem>>, vector<16xi32>,
          %get3A_465 = arith.index_cast %add3A_454 : i32 to index
          %get3A_466 = tpu.vector_load %arg10[%get3A_465] {strides = array<i32>} : memref<704xi32, #tpu.memory_space<vmem>>, vector<16xi32>,
          %swap3A_467 = arith.index_cast %mul3A_456 : i32 to index
          %swap3A_468 = tpu.vector_load %arg10[%swap3A_467] {strides = array<i32>} : memref<704xi32, #tpu.memory_space<vmem>>, vector<16xi32>,
          tpu.vector_store %arg10[%swap3A_467], %get3A_466 {strides = array<i32>} : memref<704xi32, #tpu.memory_space<vmem>>, vector<16xi32>,
          %get3A_469 = arith.index_cast %add3A_454 : i32 to index
          %get3A_470 = tpu.vector_load %arg11[%get3A_469] {strides = array<i32>} : memref<704xf32, #tpu.memory_space<vmem>>, vector<16xf32>,
          %swap3A_471 = arith.index_cast %mul3A_456 : i32 to index
          %swap3A_472 = tpu.vector_load %arg11[%swap3A_471] {strides = array<i32>} : memref<704xf32, #tpu.memory_space<vmem>>, vector<16xf32>,
          tpu.vector_store %arg11[%swap3A_471], %get3A_470 {strides = array<i32>} : memref<704xf32, #tpu.memory_space<vmem>>, vector<16xf32>,
        }
        %while3A_445 = arith.constant 1 : i32
        scf.for %while3A_450 = %while3A_443 to %while3A_439 step %while3A_445  : i32 {
          %mul3A_451 = arith.constant 16 : i32
          %mul3A_452 = arith.muli %while3A_450, %mul3A_451 : i32
          %add3A_453 = arith.constant 32 : i32
          %add3A_454 = arith.addi %add3A_453, %mul3A_452 : i32
          %mul3A_455 = arith.constant 16 : i32
          %mul3A_456 = arith.muli %while3A_450, %mul3A_455 : i32
          %get3A_457 = arith.index_cast %add3A_454 : i32 to index
          %get3A_458 = tpu.vector_load %arg8[%get3A_457] {strides = array<i32>} : memref<704xi32, #tpu.memory_space<vmem>>, vector<16xi32>,
          %swap3A_459 = arith.index_cast %mul3A_456 : i32 to index
          %swap3A_460 = tpu.vector_load %arg8[%swap3A_459] {strides = array<i32>} : memref<704xi32, #tpu.memory_space<vmem>>, vector<16xi32>,
          tpu.vector_store %arg8[%swap3A_459], %get3A_458 {strides = array<i32>} : memref<704xi32, #tpu.memory_space<vmem>>, vector<16xi32>,
          %get3A_461 = arith.index_cast %add3A_454 : i32 to index
          %get3A_462 = tpu.vector_load %arg9[%get3A_461] {strides = array<i32>} : memref<704xi32, #tpu.memory_space<vmem>>, vector<16xi32>,
          %swap3A_463 = arith.index_cast %mul3A_456 : i32 to index
          %swap3A_464 = tpu.vector_load %arg9[%swap3A_463] {strides = array<i32>} : memref<704xi32, #tpu.memory_space<vmem>>, vector<16xi32>,
          tpu.vector_store %arg9[%swap3A_463], %get3A_462 {strides = array<i32>} : memref<704xi32, #tpu.memory_space<vmem>>, vector<16xi32>,
          %get3A_465 = arith.index_cast %add3A_454 : i32 to index
          %get3A_466 = tpu.vector_load %arg10[%get3A_465] {strides = array<i32>} : memref<704xi32, #tpu.memory_space<vmem>>, vector<16xi32>,
          %swap3A_467 = arith.index_cast %mul3A_456 : i32 to index
          %swap3A_468 = tpu.vector_load %arg10[%swap3A_467] {strides = array<i32>} : memref<704xi32, #tpu.memory_space<vmem>>, vector<16xi32>,
          tpu.vector_store %arg10[%swap3A_467], %get3A_466 {strides = array<i32>} : memref<704xi32, #tpu.memory_space<vmem>>, vector<16xi32>,
          %get3A_469 = arith.index_cast %add3A_454 : i32 to index
          %get3A_470 = tpu.vector_load %arg11[%get3A_469] {strides = array<i32>} : memref<704xf32, #tpu.memory_space<vmem>>, vector<16xf32>,
          %swap3A_471 = arith.index_cast %mul3A_456 : i32 to index
          %swap3A_472 = tpu.vector_load %arg11[%swap3A_471] {strides = array<i32>} : memref<704xf32, #tpu.memory_space<vmem>>, vector<16xf32>,
          tpu.vector_store %arg11[%swap3A_471], %get3A_470 {strides = array<i32>} : memref<704xf32, #tpu.memory_space<vmem>>, vector<16xf32>,
        }
        %sub3A_446 = arith.constant 32 : i32
        %sub3A_447 = arith.subi %while3A_332, %sub3A_446 : i32
        %sub3A_448 = arith.constant 1 : i32
        %sub3A_449 = arith.subi %sub3A_448, %while3A_333 : i32
        scf.yield %sub3A_447, %sub3A_449 : i32, i32
      }
      %dma_wait3A_308 = arith.constant 0 : i32
      %dma_wait3A_309 = arith.constant 0 : i32
      %dma_wait3A_310 = tpu.memref_slice %arg4[%dma_wait3A_308, %dma_wait3A_309] : memref<4x160000xi32, #tpu.memory_space<hbm>> -> memref<4x640xi32, #tpu.memory_space<hbm>>
      %dma_wait3A_311 = arith.constant 0 : i32
      %dma_wait3A_312 = arith.constant 0 : i32
      %dma_wait3A_313 = tpu.memref_slice %arg4[%dma_wait3A_311, %dma_wait3A_312] : memref<4x160000xi32, #tpu.memory_space<hbm>> -> memref<4x640xi32, #tpu.memory_space<hbm>>
      tpu.wait_dma2 semaphore(%arg20 : memref<!tpu.dma_semaphore, #tpu.memory_space<semaphore_mem>>) src(%dma_wait3A_313 : memref<4x640xi32, #tpu.memory_space<hbm>>) dst(%arg7 : memref<4x640xi32, #tpu.memory_space<vmem>>)
      %mul3A_314 = arith.constant 2 : i32
      %mul3A_315 = arith.muli %mul3A_314, %scan3A_282 : i32
      %add3A_316 = arith.constant 2 : i32
      %add3A_317 = arith.addi %mul3A_315, %add3A_316 : i32
      %min3A = arith.constant 249 : i32
      %min3A_318 = arith.minsi %add3A_317, %min3A : i32
      %mul3A_319 = arith.constant 640 : i32
      %mul3A_320 = arith.muli %min3A_318, %mul3A_319 : i32
      %dma_start3A_321 = arith.constant 0 : i32
      %dma_start3A_322 = tpu.memref_slice %arg4[%dma_start3A_321, %mul3A_320] : memref<4x160000xi32, #tpu.memory_space<hbm>> -> memref<4x640xi32, #tpu.memory_space<hbm>>
      %dma_start3A_323 = arith.constant 0 : i32
      %dma_start3A_324 = tpu.memref_slice %arg4[%dma_start3A_323, %mul3A_320] : memref<4x160000xi32, #tpu.memory_space<hbm>> -> memref<4x640xi32, #tpu.memory_space<hbm>>
      tpu.enqueue_dma source(%dma_start3A_324 : memref<4x640xi32, #tpu.memory_space<hbm>>) target(%arg6 : memref<4x640xi32, #tpu.memory_space<vmem>>) target_semaphore(%arg19 : memref<!tpu.dma_semaphore, #tpu.memory_space<semaphore_mem>>)
      %scan3A_325 = arith.constant 0 : i32
      %scan3A_326 = arith.constant 40 : i32
      %scan3A_327 = arith.addi %scan3A_325, %scan3A_326 : i32
      %scan3A_328 = arith.constant 1 : i32
      %scan3A_329 = scf.for %scan3A_332 = %scan3A_325 to %scan3A_327 step %scan3A_328 iter_args(%scan3A_333 = %while3A_307#0) -> (i32)  : i32 {
        %mul3A_334 = arith.constant 16 : i32
        %mul3A_335 = arith.muli %scan3A_332, %mul3A_334 : i32
        %get3A_336 = arith.constant 0 : i32
        %get3A_337 = arith.index_cast %get3A_336 : i32 to index
        %get3A_338 = arith.index_cast %mul3A_335 : i32 to index
        %get3A_339 = tpu.vector_load %arg7[%get3A_337, %get3A_338] {strides = array<i32>} : memref<4x640xi32, #tpu.memory_space<vmem>>, vector<16xi32>,
        %rem3A = arith.constant 10000 : i32
        %rem3A_340 = vector.broadcast %rem3A : i32 to vector<16xi32>
        %rem3A_341 = arith.remsi %get3A_339, %rem3A_340 : vector<16xi32>
        %ge3A = vector.broadcast %mul3A_2 : i32 to vector<16xi32>
        %ge3A_342 = arith.cmpi sge, %rem3A_341, %ge3A : vector<16xi32>
        %add3A_343 = arith.constant 312 : i32
        %add3A_344 = arith.addi %mul3A_2, %add3A_343 : i32
        %lt3A_345 = vector.broadcast %add3A_344 : i32 to vector<16xi32>
        %lt3A_346 = arith.cmpi slt, %rem3A_341, %lt3A_345 : vector<16xi32>
        %and3A = arith.andi %ge3A_342, %lt3A_346 : vector<16xi1>
        %broadcast_in_dim3A_347 = vector.broadcast %add3A : i32 to vector<16xi32>
        %eq3A_348 = arith.constant 31 : i32
        %eq3A_349 = vector.broadcast %eq3A_348 : i32 to vector<16xi32>
        %eq3A_350 = arith.cmpi eq, %broadcast_in_dim3A_347, %eq3A_349 : vector<16xi32>
        %ge3A_351 = arith.constant 9984 : i32
        %ge3A_352 = vector.broadcast %ge3A_351 : i32 to vector<16xi32>
        %ge3A_353 = arith.cmpi sge, %rem3A_341, %ge3A_352 : vector<16xi32>
        %and3A_354 = arith.andi %eq3A_350, %ge3A_353 : vector<16xi1>
        %or3A = arith.ori %and3A, %and3A_354 : vector<16xi1>
        %sub3A_355 = vector.broadcast %mul3A_2 : i32 to vector<16xi32>
        %sub3A_356 = arith.subi %rem3A_341, %sub3A_355 : vector<16xi32>
        %sub3A_357 = arith.constant 9984 : i32
        %sub3A_358 = vector.broadcast %sub3A_357 : i32 to vector<16xi32>
        %sub3A_359 = arith.subi %rem3A_341, %sub3A_358 : vector<16xi32>
        %add3A_360 = arith.constant 312 : i32
        %add3A_361 = vector.broadcast %add3A_360 : i32 to vector<16xi32>
        %add3A_362 = arith.addi %sub3A_359, %add3A_361 : vector<16xi32>
        %select_n3A_363 = arith.select %and3A, %sub3A_356, %add3A_362 : vector<16xi1>, vector<16xi32>
        %jit3A_364 = arith.constant 1 : i32
        %jit3A_365 = arith.constant 0 : i32
        %broadcast_in_dim3A_366 = vector.broadcast %jit3A_364 : i32 to vector<16xi32>
        %broadcast_in_dim3A_367 = vector.broadcast %jit3A_365 : i32 to vector<16xi32>
        %select_n3A_368 = arith.select %or3A, %broadcast_in_dim3A_366, %broadcast_in_dim3A_367 : vector<16xi1>, vector<16xi32>
        %broadcast_in_dim3A_369 = arith.constant true
        %broadcast_in_dim3A_370 = vector.broadcast %broadcast_in_dim3A_369 : i1 to vector<16xi1>
        %masked_cumsum3A = tpu.scan <sum>, %select_n3A_368 masked %broadcast_in_dim3A_370 : vector<16xi32>, vector<16xi1> -> vector<16xi32>
        %add3A_371 = vector.broadcast %scan3A_333 : i32 to vector<16xi32>
        %add3A_372 = arith.addi %add3A_371, %masked_cumsum3A : vector<16xi32>
        %sub3A_373 = arith.constant 1 : i32
        %sub3A_374 = vector.broadcast %sub3A_373 : i32 to vector<16xi32>
        %sub3A_375 = arith.subi %add3A_372, %sub3A_374 : vector<16xi32>
        %jit3A_376 = arith.constant 703 : i32
        %broadcast_in_dim3A_377 = vector.broadcast %jit3A_376 : i32 to vector<16xi32>
        %select_n3A_378 = arith.select %or3A, %sub3A_375, %broadcast_in_dim3A_377 : vector<16xi1>, vector<16xi32>
        tpu.vector_store_idx %arg8[%select_n3A_378], %select_n3A_363 : memref<704xi32, #tpu.memory_space<vmem>>[vector<16xi32>], vector<16xi32>,
        %get3A_379 = arith.constant 1 : i32
        %get3A_380 = arith.index_cast %get3A_379 : i32 to index
        %get3A_381 = arith.index_cast %mul3A_335 : i32 to index
        %get3A_382 = tpu.vector_load %arg7[%get3A_380, %get3A_381] {strides = array<i32>} : memref<4x640xi32, #tpu.memory_space<vmem>>, vector<16xi32>,
        tpu.vector_store_idx %arg9[%select_n3A_378], %get3A_382 : memref<704xi32, #tpu.memory_space<vmem>>[vector<16xi32>], vector<16xi32>,
        %get3A_383 = arith.constant 2 : i32
        %get3A_384 = arith.index_cast %get3A_383 : i32 to index
        %get3A_385 = arith.index_cast %mul3A_335 : i32 to index
        %get3A_386 = tpu.vector_load %arg7[%get3A_384, %get3A_385] {strides = array<i32>} : memref<4x640xi32, #tpu.memory_space<vmem>>, vector<16xi32>,
        tpu.vector_store_idx %arg10[%select_n3A_378], %get3A_386 : memref<704xi32, #tpu.memory_space<vmem>>[vector<16xi32>], vector<16xi32>,
        %get3A_387 = arith.constant 3 : i32
        %get3A_388 = arith.index_cast %get3A_387 : i32 to index
        %get3A_389 = arith.index_cast %mul3A_335 : i32 to index
        %get3A_390 = tpu.vector_load %arg7[%get3A_388, %get3A_389] {strides = array<i32>} : memref<4x640xi32, #tpu.memory_space<vmem>>, vector<16xi32>,
        %bitcast3A = vector.bitcast %get3A_390 : vector<16xi32> to vector<16xf32>
        tpu.vector_store_idx %arg11[%select_n3A_378], %bitcast3A : memref<704xf32, #tpu.memory_space<vmem>>[vector<16xi32>], vector<16xf32>,
        %all_reduce_population_count3A = tpu.all_reduce %or3A {dim = 0 : i64, kind = #tpu.reduction_kind<sum>} : vector<16xi1> -> vector<16xi32>
        %slice3A = vector.extract_strided_slice %all_reduce_population_count3A {offsets = [0], sizes = [1], strides = [1]} : vector<16xi32> to vector<1xi32>
        %squeeze3A = vector.extract %slice3A[0] : i32 from vector<1xi32>
        %add3A_391 = arith.addi %scan3A_333, %squeeze3A : i32
        scf.yield %add3A_391 : i32
      }
      %scan3A_330 = arith.constant 40 : i32
      %while3A_331:2 = scf.while (%while3A_332 = %scan3A_329, %while3A_333 = %while3A_307#1) : (i32, i32) -> (i32, i32) {
        %ge3A = arith.constant 32 : i32
        %ge3A_334 = arith.cmpi sge, %while3A_332, %ge3A : i32
        scf.condition(%ge3A_334) %while3A_332, %while3A_333 : i32, i32
      } do {
      ^bb0(%while3A_332: i32, %while3A_333: i32):
        %dma_wait3A_334 = arith.constant 0 : i32
        %dma_wait3A_335 = arith.constant 0 : i32
        %dma_wait3A_336 = tpu.memref_slice %arg16[%dma_wait3A_334, %dma_wait3A_335] : memref<64x256xf32, #tpu.memory_space<vmem>> -> memref<32x256xf32, #tpu.memory_space<vmem>>
        %dma_wait3A_337 = arith.constant 0 : i32
        %dma_wait3A_338 = arith.constant 0 : i32
        %dma_wait3A_339 = tpu.memref_slice %arg2[%dma_wait3A_337, %dma_wait3A_338] : memref<10000x256xf32, #tpu.memory_space<hbm>> -> memref<32x256xf32, #tpu.memory_space<hbm>>
        %dma_wait3A_340 = arith.constant 0 : i32
        %dma_wait3A_341 = arith.constant 0 : i32
        %dma_wait3A_342 = tpu.memref_slice %arg16[%dma_wait3A_340, %dma_wait3A_341] : memref<64x256xf32, #tpu.memory_space<vmem>> -> memref<32x256xf32, #tpu.memory_space<vmem>>
        %dma_wait3A_343 = arith.constant 0 : i32
        %dma_wait3A_344 = arith.constant 0 : i32
        %dma_wait3A_345 = tpu.memref_slice %arg2[%dma_wait3A_343, %dma_wait3A_344] : memref<10000x256xf32, #tpu.memory_space<hbm>> -> memref<32x256xf32, #tpu.memory_space<hbm>>
        tpu.wait_dma2 semaphore(%arg21 : memref<!tpu.dma_semaphore, #tpu.memory_space<semaphore_mem>>) src(%dma_wait3A_345 : memref<32x256xf32, #tpu.memory_space<hbm>>) dst(%dma_wait3A_342 : memref<32x256xf32, #tpu.memory_space<vmem>>)
        %dma_wait3A_346 = arith.constant 0 : i32
        %dma_wait3A_347 = arith.constant 0 : i32
        %dma_wait3A_348 = tpu.memref_slice %arg17[%dma_wait3A_346, %dma_wait3A_347] : memref<64x256xf32, #tpu.memory_space<vmem>> -> memref<32x256xf32, #tpu.memory_space<vmem>>
        %dma_wait3A_349 = arith.constant 0 : i32
        %dma_wait3A_350 = arith.constant 0 : i32
        %dma_wait3A_351 = tpu.memref_slice %arg3[%dma_wait3A_349, %dma_wait3A_350] : memref<200x256xf32, #tpu.memory_space<hbm>> -> memref<32x256xf32, #tpu.memory_space<hbm>>
        %dma_wait3A_352 = arith.constant 0 : i32
        %dma_wait3A_353 = arith.constant 0 : i32
        %dma_wait3A_354 = tpu.memref_slice %arg17[%dma_wait3A_352, %dma_wait3A_353] : memref<64x256xf32, #tpu.memory_space<vmem>> -> memref<32x256xf32, #tpu.memory_space<vmem>>
        %dma_wait3A_355 = arith.constant 0 : i32
        %dma_wait3A_356 = arith.constant 0 : i32
        %dma_wait3A_357 = tpu.memref_slice %arg3[%dma_wait3A_355, %dma_wait3A_356] : memref<200x256xf32, #tpu.memory_space<hbm>> -> memref<32x256xf32, #tpu.memory_space<hbm>>
        tpu.wait_dma2 semaphore(%arg22 : memref<!tpu.dma_semaphore, #tpu.memory_space<semaphore_mem>>) src(%dma_wait3A_357 : memref<32x256xf32, #tpu.memory_space<hbm>>) dst(%dma_wait3A_354 : memref<32x256xf32, #tpu.memory_space<vmem>>)
        %get3A_358 = arith.constant 0 : index
        %get3A_359 = tpu.vector_load %arg9[%get3A_358] {strides = array<i32>} : memref<704xi32, #tpu.memory_space<vmem>>, vector<16xi32>,
        %swap3A_360 = arith.constant 0 : index
        %swap3A_361 = tpu.vector_load %arg12[%swap3A_360] {strides = array<i32>} : memref<32xi32, #tpu.memory_space<vmem>>, vector<16xi32>,
        tpu.vector_store %arg12[%swap3A_360], %get3A_359 {strides = array<i32>} : memref<32xi32, #tpu.memory_space<vmem>>, vector<16xi32>,
        %get3A_362 = arith.constant 0 : index
        %get3A_363 = tpu.vector_load %arg10[%get3A_362] {strides = array<i32>} : memref<704xi32, #tpu.memory_space<vmem>>, vector<16xi32>,
        %swap3A_364 = arith.constant 0 : index
        %swap3A_365 = tpu.vector_load %arg13[%swap3A_364] {strides = array<i32>} : memref<32xi32, #tpu.memory_space<vmem>>, vector<16xi32>,
        tpu.vector_store %arg13[%swap3A_364], %get3A_363 {strides = array<i32>} : memref<32xi32, #tpu.memory_space<vmem>>, vector<16xi32>,
        %get3A_366 = arith.constant 0 : index
        %get3A_367 = tpu.vector_load %arg8[%get3A_366] {strides = array<i32>} : memref<704xi32, #tpu.memory_space<vmem>>, vector<16xi32>,
        %mul3A_368 = arith.constant 32 : i32
        %mul3A_369 = arith.muli %while3A_333, %mul3A_368 : i32
        %add3A_370 = arith.constant 0 : i32
        %add3A_371 = arith.addi %mul3A_369, %add3A_370 : i32
        %swap3A_372 = arith.index_cast %add3A_371 : i32 to index
        %swap3A_373 = tpu.vector_load %arg14[%swap3A_372] {strides = array<i32>} : memref<80xi32, #tpu.memory_space<vmem>>, vector<16xi32>,
        tpu.vector_store %arg14[%swap3A_372], %get3A_367 {strides = array<i32>} : memref<80xi32, #tpu.memory_space<vmem>>, vector<16xi32>,
        %get3A_374 = arith.constant 0 : index
        %get3A_375 = tpu.vector_load %arg11[%get3A_374] {strides = array<i32>} : memref<704xf32, #tpu.memory_space<vmem>>, vector<16xf32>,
        %mul3A_376 = arith.constant 32 : i32
        %mul3A_377 = arith.muli %while3A_333, %mul3A_376 : i32
        %add3A_378 = arith.constant 0 : i32
        %add3A_379 = arith.addi %mul3A_377, %add3A_378 : i32
        %swap3A_380 = arith.index_cast %add3A_379 : i32 to index
        %swap3A_381 = tpu.vector_load %arg15[%swap3A_380] {strides = array<i32>} : memref<80xf32, #tpu.memory_space<vmem>>, vector<16xf32>,
        tpu.vector_store %arg15[%swap3A_380], %get3A_375 {strides = array<i32>} : memref<80xf32, #tpu.memory_space<vmem>>, vector<16xf32>,
        %get3A_382 = arith.constant 16 : index
        %get3A_383 = tpu.vector_load %arg9[%get3A_382] {strides = array<i32>} : memref<704xi32, #tpu.memory_space<vmem>>, vector<16xi32>,
        %swap3A_384 = arith.constant 16 : index
        %swap3A_385 = tpu.vector_load %arg12[%swap3A_384] {strides = array<i32>} : memref<32xi32, #tpu.memory_space<vmem>>, vector<16xi32>,
        tpu.vector_store %arg12[%swap3A_384], %get3A_383 {strides = array<i32>} : memref<32xi32, #tpu.memory_space<vmem>>, vector<16xi32>,
        %get3A_386 = arith.constant 16 : index
        %get3A_387 = tpu.vector_load %arg10[%get3A_386] {strides = array<i32>} : memref<704xi32, #tpu.memory_space<vmem>>, vector<16xi32>,
        %swap3A_388 = arith.constant 16 : index
        %swap3A_389 = tpu.vector_load %arg13[%swap3A_388] {strides = array<i32>} : memref<32xi32, #tpu.memory_space<vmem>>, vector<16xi32>,
        tpu.vector_store %arg13[%swap3A_388], %get3A_387 {strides = array<i32>} : memref<32xi32, #tpu.memory_space<vmem>>, vector<16xi32>,
        %get3A_390 = arith.constant 16 : index
        %get3A_391 = tpu.vector_load %arg8[%get3A_390] {strides = array<i32>} : memref<704xi32, #tpu.memory_space<vmem>>, vector<16xi32>,
        %mul3A_392 = arith.constant 32 : i32
        %mul3A_393 = arith.muli %while3A_333, %mul3A_392 : i32
        %add3A_394 = arith.constant 16 : i32
        %add3A_395 = arith.addi %mul3A_393, %add3A_394 : i32
        %swap3A_396 = arith.index_cast %add3A_395 : i32 to index
        %swap3A_397 = tpu.vector_load %arg14[%swap3A_396] {strides = array<i32>} : memref<80xi32, #tpu.memory_space<vmem>>, vector<16xi32>,
        tpu.vector_store %arg14[%swap3A_396], %get3A_391 {strides = array<i32>} : memref<80xi32, #tpu.memory_space<vmem>>, vector<16xi32>,
        %get3A_398 = arith.constant 16 : index
        %get3A_399 = tpu.vector_load %arg11[%get3A_398] {strides = array<i32>} : memref<704xf32, #tpu.memory_space<vmem>>, vector<16xf32>,
        %mul3A_400 = arith.constant 32 : i32
        %mul3A_401 = arith.muli %while3A_333, %mul3A_400 : i32
        %add3A_402 = arith.constant 16 : i32
        %add3A_403 = arith.addi %mul3A_401, %add3A_402 : i32
        %swap3A_404 = arith.index_cast %add3A_403 : i32 to index
        %swap3A_405 = tpu.vector_load %arg15[%swap3A_404] {strides = array<i32>} : memref<80xf32, #tpu.memory_space<vmem>>, vector<16xf32>,
        tpu.vector_store %arg15[%swap3A_404], %get3A_399 {strides = array<i32>} : memref<80xf32, #tpu.memory_space<vmem>>, vector<16xf32>,
        %mul3A_406 = arith.constant 32 : i32
        %mul3A_407 = arith.muli %while3A_333, %mul3A_406 : i32
        %dma_start3A_408 = arith.constant 0 : i32
        %dma_start3A_409 = tpu.memref_slice %arg16[%mul3A_407, %dma_start3A_408] : memref<64x256xf32, #tpu.memory_space<vmem>> -> memref<32x256xf32, #tpu.memory_space<vmem>>
        %dma_start3A_410 = arith.constant 0 : i32
        %dma_start3A_411 = arith.constant 0 : i32
        %dma_start3A_412 = tpu.memref_slice %arg2[%dma_start3A_410, %dma_start3A_411] : memref<10000x256xf32, #tpu.memory_space<hbm>> -> memref<10000x256xf32, #tpu.memory_space<hbm>>
        tpu.enqueue_indirect_dma source(%dma_start3A_412 : memref<10000x256xf32, #tpu.memory_space<hbm>>) target(%dma_start3A_409 : memref<32x256xf32, #tpu.memory_space<vmem>>) offsets(%arg12 : memref<32xi32, #tpu.memory_space<vmem>>) semaphore(%arg21 : memref<!tpu.dma_semaphore, #tpu.memory_space<semaphore_mem>>)
        %dma_start3A_413 = arith.constant 0 : i32
        %dma_start3A_414 = tpu.memref_slice %arg17[%mul3A_407, %dma_start3A_413] : memref<64x256xf32, #tpu.memory_space<vmem>> -> memref<32x256xf32, #tpu.memory_space<vmem>>
        %dma_start3A_415 = arith.constant 0 : i32
        %dma_start3A_416 = arith.constant 0 : i32
        %dma_start3A_417 = tpu.memref_slice %arg3[%dma_start3A_415, %dma_start3A_416] : memref<200x256xf32, #tpu.memory_space<hbm>> -> memref<200x256xf32, #tpu.memory_space<hbm>>
        tpu.enqueue_indirect_dma source(%dma_start3A_417 : memref<200x256xf32, #tpu.memory_space<hbm>>) target(%dma_start3A_414 : memref<32x256xf32, #tpu.memory_space<vmem>>) offsets(%arg13 : memref<32xi32, #tpu.memory_space<vmem>>) semaphore(%arg22 : memref<!tpu.dma_semaphore, #tpu.memory_space<semaphore_mem>>)
        %sub3A_418 = arith.constant 1 : i32
        %sub3A_419 = arith.subi %sub3A_418, %while3A_333 : i32
        %mul3A_420 = arith.constant 32 : i32
        %mul3A_421 = arith.muli %sub3A_419, %mul3A_420 : i32
        %scan3A_422 = arith.constant 0 : i32
        %scan3A_423 = arith.constant 0 : i32
        %scan3A_424 = arith.constant 32 : i32
        %scan3A_425 = arith.addi %scan3A_423, %scan3A_424 : i32
        %scan3A_426 = arith.constant 1 : i32
        scf.for %scan3A_450 = %scan3A_423 to %scan3A_425 step %scan3A_426  : i32 {
          %add3A_451 = arith.addi %mul3A_421, %scan3A_450 : i32
          %get3A_452 = arith.index_cast %add3A_451 : i32 to index
          %get3A_453 = tpu.vector_load %arg15[%get3A_452] {strides = array<i32>} : memref<80xf32, #tpu.memory_space<vmem>>, vector<16xf32>,
          %slice3A = vector.extract_strided_slice %get3A_453 {offsets = [0], sizes = [1], strides = [1]} : vector<16xf32> to vector<1xf32>
          %squeeze3A = vector.extract %slice3A[0] : f32 from vector<1xf32>
          %add3A_454 = arith.addi %mul3A_421, %scan3A_450 : i32
          %get3A_455 = arith.index_cast %add3A_454 : i32 to index
          %get3A_456 = tpu.vector_load %arg14[%get3A_455] {strides = array<i32>} : memref<80xi32, #tpu.memory_space<vmem>>, vector<16xi32>,
          %slice3A_457 = vector.extract_strided_slice %get3A_456 {offsets = [0], sizes = [1], strides = [1]} : vector<16xi32> to vector<1xi32>
          %squeeze3A_458 = vector.extract %slice3A_457[0] : i32 from vector<1xi32>
          %broadcast_in_dim3A_459 = vector.broadcast %squeeze3A : f32 to vector<16xf32>
          %add3A_460 = arith.addi %mul3A_421, %scan3A_450 : i32
          %get3A_461 = arith.index_cast %add3A_460 : i32 to index
          %get3A_462 = arith.constant 0 : index
          %get3A_463 = tpu.vector_load %arg16[%get3A_461, %get3A_462] {strides = array<i32>} : memref<64x256xf32, #tpu.memory_space<vmem>>, vector<16xf32>,
          %add3A_464 = arith.addi %mul3A_421, %scan3A_450 : i32
          %get3A_465 = arith.index_cast %add3A_464 : i32 to index
          %get3A_466 = arith.constant 0 : index
          %get3A_467 = tpu.vector_load %arg17[%get3A_465, %get3A_466] {strides = array<i32>} : memref<64x256xf32, #tpu.memory_space<vmem>>, vector<16xf32>,
          %sub3A_468 = arith.subf %get3A_463, %get3A_467 : vector<16xf32>
          %mul3A_469 = arith.mulf %sub3A_468, %broadcast_in_dim3A_459 : vector<16xf32>
          %swap3A_470 = arith.index_cast %squeeze3A_458 : i32 to index
          %swap3A_471 = arith.constant 0 : index
          %swap3A_472 = tpu.vector_load %arg18[%swap3A_470, %swap3A_471] {strides = array<i32>} : memref<336x256xf32, #tpu.memory_space<vmem>>, vector<16xf32>,
          tpu.vector_store %arg18[%swap3A_470, %swap3A_471], %mul3A_469 {add = true, strides = array<i32>} : memref<336x256xf32, #tpu.memory_space<vmem>>, vector<16xf32>,
          %add3A_473 = arith.addi %mul3A_421, %scan3A_450 : i32
          %get3A_474 = arith.index_cast %add3A_473 : i32 to index
          %get3A_475 = arith.constant 16 : index
          %get3A_476 = tpu.vector_load %arg16[%get3A_474, %get3A_475] {strides = array<i32>} : memref<64x256xf32, #tpu.memory_space<vmem>>, vector<16xf32>,
          %add3A_477 = arith.addi %mul3A_421, %scan3A_450 : i32
          %get3A_478 = arith.index_cast %add3A_477 : i32 to index
          %get3A_479 = arith.constant 16 : index
          %get3A_480 = tpu.vector_load %arg17[%get3A_478, %get3A_479] {strides = array<i32>} : memref<64x256xf32, #tpu.memory_space<vmem>>, vector<16xf32>,
          %sub3A_481 = arith.subf %get3A_476, %get3A_480 : vector<16xf32>
          %mul3A_482 = arith.mulf %sub3A_481, %broadcast_in_dim3A_459 : vector<16xf32>
          %swap3A_483 = arith.index_cast %squeeze3A_458 : i32 to index
          %swap3A_484 = arith.constant 16 : index
          %swap3A_485 = tpu.vector_load %arg18[%swap3A_483, %swap3A_484] {strides = array<i32>} : memref<336x256xf32, #tpu.memory_space<vmem>>, vector<16xf32>,
          tpu.vector_store %arg18[%swap3A_483, %swap3A_484], %mul3A_482 {add = true, strides = array<i32>} : memref<336x256xf32, #tpu.memory_space<vmem>>, vector<16xf32>,
          %add3A_486 = arith.addi %mul3A_421, %scan3A_450 : i32
          %get3A_487 = arith.index_cast %add3A_486 : i32 to index
          %get3A_488 = arith.constant 32 : index
          %get3A_489 = tpu.vector_load %arg16[%get3A_487, %get3A_488] {strides = array<i32>} : memref<64x256xf32, #tpu.memory_space<vmem>>, vector<16xf32>,
          %add3A_490 = arith.addi %mul3A_421, %scan3A_450 : i32
          %get3A_491 = arith.index_cast %add3A_490 : i32 to index
          %get3A_492 = arith.constant 32 : index
          %get3A_493 = tpu.vector_load %arg17[%get3A_491, %get3A_492] {strides = array<i32>} : memref<64x256xf32, #tpu.memory_space<vmem>>, vector<16xf32>,
          %sub3A_494 = arith.subf %get3A_489, %get3A_493 : vector<16xf32>
          %mul3A_495 = arith.mulf %sub3A_494, %broadcast_in_dim3A_459 : vector<16xf32>
          %swap3A_496 = arith.index_cast %squeeze3A_458 : i32 to index
          %swap3A_497 = arith.constant 32 : index
          %swap3A_498 = tpu.vector_load %arg18[%swap3A_496, %swap3A_497] {strides = array<i32>} : memref<336x256xf32, #tpu.memory_space<vmem>>, vector<16xf32>,
          tpu.vector_store %arg18[%swap3A_496, %swap3A_497], %mul3A_495 {add = true, strides = array<i32>} : memref<336x256xf32, #tpu.memory_space<vmem>>, vector<16xf32>,
          %add3A_499 = arith.addi %mul3A_421, %scan3A_450 : i32
          %get3A_500 = arith.index_cast %add3A_499 : i32 to index
          %get3A_501 = arith.constant 48 : index
          %get3A_502 = tpu.vector_load %arg16[%get3A_500, %get3A_501] {strides = array<i32>} : memref<64x256xf32, #tpu.memory_space<vmem>>, vector<16xf32>,
          %add3A_503 = arith.addi %mul3A_421, %scan3A_450 : i32
          %get3A_504 = arith.index_cast %add3A_503 : i32 to index
          %get3A_505 = arith.constant 48 : index
          %get3A_506 = tpu.vector_load %arg17[%get3A_504, %get3A_505] {strides = array<i32>} : memref<64x256xf32, #tpu.memory_space<vmem>>, vector<16xf32>,
          %sub3A_507 = arith.subf %get3A_502, %get3A_506 : vector<16xf32>
          %mul3A_508 = arith.mulf %sub3A_507, %broadcast_in_dim3A_459 : vector<16xf32>
          %swap3A_509 = arith.index_cast %squeeze3A_458 : i32 to index
          %swap3A_510 = arith.constant 48 : index
          %swap3A_511 = tpu.vector_load %arg18[%swap3A_509, %swap3A_510] {strides = array<i32>} : memref<336x256xf32, #tpu.memory_space<vmem>>, vector<16xf32>,
          tpu.vector_store %arg18[%swap3A_509, %swap3A_510], %mul3A_508 {add = true, strides = array<i32>} : memref<336x256xf32, #tpu.memory_space<vmem>>, vector<16xf32>,
          %add3A_512 = arith.addi %mul3A_421, %scan3A_450 : i32
          %get3A_513 = arith.index_cast %add3A_512 : i32 to index
          %get3A_514 = arith.constant 64 : index
          %get3A_515 = tpu.vector_load %arg16[%get3A_513, %get3A_514] {strides = array<i32>} : memref<64x256xf32, #tpu.memory_space<vmem>>, vector<16xf32>,
          %add3A_516 = arith.addi %mul3A_421, %scan3A_450 : i32
          %get3A_517 = arith.index_cast %add3A_516 : i32 to index
          %get3A_518 = arith.constant 64 : index
          %get3A_519 = tpu.vector_load %arg17[%get3A_517, %get3A_518] {strides = array<i32>} : memref<64x256xf32, #tpu.memory_space<vmem>>, vector<16xf32>,
          %sub3A_520 = arith.subf %get3A_515, %get3A_519 : vector<16xf32>
          %mul3A_521 = arith.mulf %sub3A_520, %broadcast_in_dim3A_459 : vector<16xf32>
          %swap3A_522 = arith.index_cast %squeeze3A_458 : i32 to index
          %swap3A_523 = arith.constant 64 : index
          %swap3A_524 = tpu.vector_load %arg18[%swap3A_522, %swap3A_523] {strides = array<i32>} : memref<336x256xf32, #tpu.memory_space<vmem>>, vector<16xf32>,
          tpu.vector_store %arg18[%swap3A_522, %swap3A_523], %mul3A_521 {add = true, strides = array<i32>} : memref<336x256xf32, #tpu.memory_space<vmem>>, vector<16xf32>,
          %add3A_525 = arith.addi %mul3A_421, %scan3A_450 : i32
          %get3A_526 = arith.index_cast %add3A_525 : i32 to index
          %get3A_527 = arith.constant 80 : index
          %get3A_528 = tpu.vector_load %arg16[%get3A_526, %get3A_527] {strides = array<i32>} : memref<64x256xf32, #tpu.memory_space<vmem>>, vector<16xf32>,
          %add3A_529 = arith.addi %mul3A_421, %scan3A_450 : i32
          %get3A_530 = arith.index_cast %add3A_529 : i32 to index
          %get3A_531 = arith.constant 80 : index
          %get3A_532 = tpu.vector_load %arg17[%get3A_530, %get3A_531] {strides = array<i32>} : memref<64x256xf32, #tpu.memory_space<vmem>>, vector<16xf32>,
          %sub3A_533 = arith.subf %get3A_528, %get3A_532 : vector<16xf32>
          %mul3A_534 = arith.mulf %sub3A_533, %broadcast_in_dim3A_459 : vector<16xf32>
          %swap3A_535 = arith.index_cast %squeeze3A_458 : i32 to index
          %swap3A_536 = arith.constant 80 : index
          %swap3A_537 = tpu.vector_load %arg18[%swap3A_535, %swap3A_536] {strides = array<i32>} : memref<336x256xf32, #tpu.memory_space<vmem>>, vector<16xf32>,
          tpu.vector_store %arg18[%swap3A_535, %swap3A_536], %mul3A_534 {add = true, strides = array<i32>} : memref<336x256xf32, #tpu.memory_space<vmem>>, vector<16xf32>,
          %add3A_538 = arith.addi %mul3A_421, %scan3A_450 : i32
          %get3A_539 = arith.index_cast %add3A_538 : i32 to index
          %get3A_540 = arith.constant 96 : index
          %get3A_541 = tpu.vector_load %arg16[%get3A_539, %get3A_540] {strides = array<i32>} : memref<64x256xf32, #tpu.memory_space<vmem>>, vector<16xf32>,
          %add3A_542 = arith.addi %mul3A_421, %scan3A_450 : i32
          %get3A_543 = arith.index_cast %add3A_542 : i32 to index
          %get3A_544 = arith.constant 96 : index
          %get3A_545 = tpu.vector_load %arg17[%get3A_543, %get3A_544] {strides = array<i32>} : memref<64x256xf32, #tpu.memory_space<vmem>>, vector<16xf32>,
          %sub3A_546 = arith.subf %get3A_541, %get3A_545 : vector<16xf32>
          %mul3A_547 = arith.mulf %sub3A_546, %broadcast_in_dim3A_459 : vector<16xf32>
          %swap3A_548 = arith.index_cast %squeeze3A_458 : i32 to index
          %swap3A_549 = arith.constant 96 : index
          %swap3A_550 = tpu.vector_load %arg18[%swap3A_548, %swap3A_549] {strides = array<i32>} : memref<336x256xf32, #tpu.memory_space<vmem>>, vector<16xf32>,
          tpu.vector_store %arg18[%swap3A_548, %swap3A_549], %mul3A_547 {add = true, strides = array<i32>} : memref<336x256xf32, #tpu.memory_space<vmem>>, vector<16xf32>,
          %add3A_551 = arith.addi %mul3A_421, %scan3A_450 : i32
          %get3A_552 = arith.index_cast %add3A_551 : i32 to index
          %get3A_553 = arith.constant 112 : index
          %get3A_554 = tpu.vector_load %arg16[%get3A_552, %get3A_553] {strides = array<i32>} : memref<64x256xf32, #tpu.memory_space<vmem>>, vector<16xf32>,
          %add3A_555 = arith.addi %mul3A_421, %scan3A_450 : i32
          %get3A_556 = arith.index_cast %add3A_555 : i32 to index
          %get3A_557 = arith.constant 112 : index
          %get3A_558 = tpu.vector_load %arg17[%get3A_556, %get3A_557] {strides = array<i32>} : memref<64x256xf32, #tpu.memory_space<vmem>>, vector<16xf32>,
          %sub3A_559 = arith.subf %get3A_554, %get3A_558 : vector<16xf32>
          %mul3A_560 = arith.mulf %sub3A_559, %broadcast_in_dim3A_459 : vector<16xf32>
          %swap3A_561 = arith.index_cast %squeeze3A_458 : i32 to index
          %swap3A_562 = arith.constant 112 : index
          %swap3A_563 = tpu.vector_load %arg18[%swap3A_561, %swap3A_562] {strides = array<i32>} : memref<336x256xf32, #tpu.memory_space<vmem>>, vector<16xf32>,
          tpu.vector_store %arg18[%swap3A_561, %swap3A_562], %mul3A_560 {add = true, strides = array<i32>} : memref<336x256xf32, #tpu.memory_space<vmem>>, vector<16xf32>,
          %add3A_564 = arith.addi %mul3A_421, %scan3A_450 : i32
          %get3A_565 = arith.index_cast %add3A_564 : i32 to index
          %get3A_566 = arith.constant 128 : index
          %get3A_567 = tpu.vector_load %arg16[%get3A_565, %get3A_566] {strides = array<i32>} : memref<64x256xf32, #tpu.memory_space<vmem>>, vector<16xf32>,
          %add3A_568 = arith.addi %mul3A_421, %scan3A_450 : i32
          %get3A_569 = arith.index_cast %add3A_568 : i32 to index
          %get3A_570 = arith.constant 128 : index
          %get3A_571 = tpu.vector_load %arg17[%get3A_569, %get3A_570] {strides = array<i32>} : memref<64x256xf32, #tpu.memory_space<vmem>>, vector<16xf32>,
          %sub3A_572 = arith.subf %get3A_567, %get3A_571 : vector<16xf32>
          %mul3A_573 = arith.mulf %sub3A_572, %broadcast_in_dim3A_459 : vector<16xf32>
          %swap3A_574 = arith.index_cast %squeeze3A_458 : i32 to index
          %swap3A_575 = arith.constant 128 : index
          %swap3A_576 = tpu.vector_load %arg18[%swap3A_574, %swap3A_575] {strides = array<i32>} : memref<336x256xf32, #tpu.memory_space<vmem>>, vector<16xf32>,
          tpu.vector_store %arg18[%swap3A_574, %swap3A_575], %mul3A_573 {add = true, strides = array<i32>} : memref<336x256xf32, #tpu.memory_space<vmem>>, vector<16xf32>,
          %add3A_577 = arith.addi %mul3A_421, %scan3A_450 : i32
          %get3A_578 = arith.index_cast %add3A_577 : i32 to index
          %get3A_579 = arith.constant 144 : index
          %get3A_580 = tpu.vector_load %arg16[%get3A_578, %get3A_579] {strides = array<i32>} : memref<64x256xf32, #tpu.memory_space<vmem>>, vector<16xf32>,
          %add3A_581 = arith.addi %mul3A_421, %scan3A_450 : i32
          %get3A_582 = arith.index_cast %add3A_581 : i32 to index
          %get3A_583 = arith.constant 144 : index
          %get3A_584 = tpu.vector_load %arg17[%get3A_582, %get3A_583] {strides = array<i32>} : memref<64x256xf32, #tpu.memory_space<vmem>>, vector<16xf32>,
          %sub3A_585 = arith.subf %get3A_580, %get3A_584 : vector<16xf32>
          %mul3A_586 = arith.mulf %sub3A_585, %broadcast_in_dim3A_459 : vector<16xf32>
          %swap3A_587 = arith.index_cast %squeeze3A_458 : i32 to index
          %swap3A_588 = arith.constant 144 : index
          %swap3A_589 = tpu.vector_load %arg18[%swap3A_587, %swap3A_588] {strides = array<i32>} : memref<336x256xf32, #tpu.memory_space<vmem>>, vector<16xf32>,
          tpu.vector_store %arg18[%swap3A_587, %swap3A_588], %mul3A_586 {add = true, strides = array<i32>} : memref<336x256xf32, #tpu.memory_space<vmem>>, vector<16xf32>,
          %add3A_590 = arith.addi %mul3A_421, %scan3A_450 : i32
          %get3A_591 = arith.index_cast %add3A_590 : i32 to index
          %get3A_592 = arith.constant 160 : index
          %get3A_593 = tpu.vector_load %arg16[%get3A_591, %get3A_592] {strides = array<i32>} : memref<64x256xf32, #tpu.memory_space<vmem>>, vector<16xf32>,
          %add3A_594 = arith.addi %mul3A_421, %scan3A_450 : i32
          %get3A_595 = arith.index_cast %add3A_594 : i32 to index
          %get3A_596 = arith.constant 160 : index
          %get3A_597 = tpu.vector_load %arg17[%get3A_595, %get3A_596] {strides = array<i32>} : memref<64x256xf32, #tpu.memory_space<vmem>>, vector<16xf32>,
          %sub3A_598 = arith.subf %get3A_593, %get3A_597 : vector<16xf32>
          %mul3A_599 = arith.mulf %sub3A_598, %broadcast_in_dim3A_459 : vector<16xf32>
          %swap3A_600 = arith.index_cast %squeeze3A_458 : i32 to index
          %swap3A_601 = arith.constant 160 : index
          %swap3A_602 = tpu.vector_load %arg18[%swap3A_600, %swap3A_601] {strides = array<i32>} : memref<336x256xf32, #tpu.memory_space<vmem>>, vector<16xf32>,
          tpu.vector_store %arg18[%swap3A_600, %swap3A_601], %mul3A_599 {add = true, strides = array<i32>} : memref<336x256xf32, #tpu.memory_space<vmem>>, vector<16xf32>,
          %add3A_603 = arith.addi %mul3A_421, %scan3A_450 : i32
          %get3A_604 = arith.index_cast %add3A_603 : i32 to index
          %get3A_605 = arith.constant 176 : index
          %get3A_606 = tpu.vector_load %arg16[%get3A_604, %get3A_605] {strides = array<i32>} : memref<64x256xf32, #tpu.memory_space<vmem>>, vector<16xf32>,
          %add3A_607 = arith.addi %mul3A_421, %scan3A_450 : i32
          %get3A_608 = arith.index_cast %add3A_607 : i32 to index
          %get3A_609 = arith.constant 176 : index
          %get3A_610 = tpu.vector_load %arg17[%get3A_608, %get3A_609] {strides = array<i32>} : memref<64x256xf32, #tpu.memory_space<vmem>>, vector<16xf32>,
          %sub3A_611 = arith.subf %get3A_606, %get3A_610 : vector<16xf32>
          %mul3A_612 = arith.mulf %sub3A_611, %broadcast_in_dim3A_459 : vector<16xf32>
          %swap3A_613 = arith.index_cast %squeeze3A_458 : i32 to index
          %swap3A_614 = arith.constant 176 : index
          %swap3A_615 = tpu.vector_load %arg18[%swap3A_613, %swap3A_614] {strides = array<i32>} : memref<336x256xf32, #tpu.memory_space<vmem>>, vector<16xf32>,
          tpu.vector_store %arg18[%swap3A_613, %swap3A_614], %mul3A_612 {add = true, strides = array<i32>} : memref<336x256xf32, #tpu.memory_space<vmem>>, vector<16xf32>,
          %add3A_616 = arith.addi %mul3A_421, %scan3A_450 : i32
          %get3A_617 = arith.index_cast %add3A_616 : i32 to index
          %get3A_618 = arith.constant 192 : index
          %get3A_619 = tpu.vector_load %arg16[%get3A_617, %get3A_618] {strides = array<i32>} : memref<64x256xf32, #tpu.memory_space<vmem>>, vector<16xf32>,
          %add3A_620 = arith.addi %mul3A_421, %scan3A_450 : i32
          %get3A_621 = arith.index_cast %add3A_620 : i32 to index
          %get3A_622 = arith.constant 192 : index
          %get3A_623 = tpu.vector_load %arg17[%get3A_621, %get3A_622] {strides = array<i32>} : memref<64x256xf32, #tpu.memory_space<vmem>>, vector<16xf32>,
          %sub3A_624 = arith.subf %get3A_619, %get3A_623 : vector<16xf32>
          %mul3A_625 = arith.mulf %sub3A_624, %broadcast_in_dim3A_459 : vector<16xf32>
          %swap3A_626 = arith.index_cast %squeeze3A_458 : i32 to index
          %swap3A_627 = arith.constant 192 : index
          %swap3A_628 = tpu.vector_load %arg18[%swap3A_626, %swap3A_627] {strides = array<i32>} : memref<336x256xf32, #tpu.memory_space<vmem>>, vector<16xf32>,
          tpu.vector_store %arg18[%swap3A_626, %swap3A_627], %mul3A_625 {add = true, strides = array<i32>} : memref<336x256xf32, #tpu.memory_space<vmem>>, vector<16xf32>,
          %add3A_629 = arith.addi %mul3A_421, %scan3A_450 : i32
          %get3A_630 = arith.index_cast %add3A_629 : i32 to index
          %get3A_631 = arith.constant 208 : index
          %get3A_632 = tpu.vector_load %arg16[%get3A_630, %get3A_631] {strides = array<i32>} : memref<64x256xf32, #tpu.memory_space<vmem>>, vector<16xf32>,
          %add3A_633 = arith.addi %mul3A_421, %scan3A_450 : i32
          %get3A_634 = arith.index_cast %add3A_633 : i32 to index
          %get3A_635 = arith.constant 208 : index
          %get3A_636 = tpu.vector_load %arg17[%get3A_634, %get3A_635] {strides = array<i32>} : memref<64x256xf32, #tpu.memory_space<vmem>>, vector<16xf32>,
          %sub3A_637 = arith.subf %get3A_632, %get3A_636 : vector<16xf32>
          %mul3A_638 = arith.mulf %sub3A_637, %broadcast_in_dim3A_459 : vector<16xf32>
          %swap3A_639 = arith.index_cast %squeeze3A_458 : i32 to index
          %swap3A_640 = arith.constant 208 : index
          %swap3A_641 = tpu.vector_load %arg18[%swap3A_639, %swap3A_640] {strides = array<i32>} : memref<336x256xf32, #tpu.memory_space<vmem>>, vector<16xf32>,
          tpu.vector_store %arg18[%swap3A_639, %swap3A_640], %mul3A_638 {add = true, strides = array<i32>} : memref<336x256xf32, #tpu.memory_space<vmem>>, vector<16xf32>,
          %add3A_642 = arith.addi %mul3A_421, %scan3A_450 : i32
          %get3A_643 = arith.index_cast %add3A_642 : i32 to index
          %get3A_644 = arith.constant 224 : index
          %get3A_645 = tpu.vector_load %arg16[%get3A_643, %get3A_644] {strides = array<i32>} : memref<64x256xf32, #tpu.memory_space<vmem>>, vector<16xf32>,
          %add3A_646 = arith.addi %mul3A_421, %scan3A_450 : i32
          %get3A_647 = arith.index_cast %add3A_646 : i32 to index
          %get3A_648 = arith.constant 224 : index
          %get3A_649 = tpu.vector_load %arg17[%get3A_647, %get3A_648] {strides = array<i32>} : memref<64x256xf32, #tpu.memory_space<vmem>>, vector<16xf32>,
          %sub3A_650 = arith.subf %get3A_645, %get3A_649 : vector<16xf32>
          %mul3A_651 = arith.mulf %sub3A_650, %broadcast_in_dim3A_459 : vector<16xf32>
          %swap3A_652 = arith.index_cast %squeeze3A_458 : i32 to index
          %swap3A_653 = arith.constant 224 : index
          %swap3A_654 = tpu.vector_load %arg18[%swap3A_652, %swap3A_653] {strides = array<i32>} : memref<336x256xf32, #tpu.memory_space<vmem>>, vector<16xf32>,
          tpu.vector_store %arg18[%swap3A_652, %swap3A_653], %mul3A_651 {add = true, strides = array<i32>} : memref<336x256xf32, #tpu.memory_space<vmem>>, vector<16xf32>,
          %add3A_655 = arith.addi %mul3A_421, %scan3A_450 : i32
          %get3A_656 = arith.index_cast %add3A_655 : i32 to index
          %get3A_657 = arith.constant 240 : index
          %get3A_658 = tpu.vector_load %arg16[%get3A_656, %get3A_657] {strides = array<i32>} : memref<64x256xf32, #tpu.memory_space<vmem>>, vector<16xf32>,
          %add3A_659 = arith.addi %mul3A_421, %scan3A_450 : i32
          %get3A_660 = arith.index_cast %add3A_659 : i32 to index
          %get3A_661 = arith.constant 240 : index
          %get3A_662 = tpu.vector_load %arg17[%get3A_660, %get3A_661] {strides = array<i32>} : memref<64x256xf32, #tpu.memory_space<vmem>>, vector<16xf32>,
          %sub3A_663 = arith.subf %get3A_658, %get3A_662 : vector<16xf32>
          %mul3A_664 = arith.mulf %sub3A_663, %broadcast_in_dim3A_459 : vector<16xf32>
          %swap3A_665 = arith.index_cast %squeeze3A_458 : i32 to index
          %swap3A_666 = arith.constant 240 : index
          %swap3A_667 = tpu.vector_load %arg18[%swap3A_665, %swap3A_666] {strides = array<i32>} : memref<336x256xf32, #tpu.memory_space<vmem>>, vector<16xf32>,
          tpu.vector_store %arg18[%swap3A_665, %swap3A_666], %mul3A_664 {add = true, strides = array<i32>} : memref<336x256xf32, #tpu.memory_space<vmem>>, vector<16xf32>,
        }
        %scan3A_427 = arith.constant 32 : i32
        %sub3A_428 = arith.constant 32 : i32
        %sub3A_429 = arith.subi %while3A_332, %sub3A_428 : i32
        %add3A_430 = arith.constant 16 : i32
        %add3A_431 = arith.addi %sub3A_429, %add3A_430 : i32
        %sub3A_432 = arith.constant 1 : i32
        %sub3A_433 = arith.subi %add3A_431, %sub3A_432 : i32
        %shift_right_logical3A_434 = arith.constant 4 : i32
        %shift_right_logical3A_435 = arith.shrui %sub3A_433, %shift_right_logical3A_434 : i32
        %while3A_436 = arith.constant 0 : i32
        %while3A_437 = arith.constant 0 : i32
        %while3A_438 = arith.subi %shift_right_logical3A_435, %while3A_437 : i32
        %while3A_439 = arith.addi %while3A_437, %while3A_438 : i32
        %while3A_440 = arith.constant 1 : i32
        %while3A_441 = arith.divsi %while3A_438, %while3A_440 : i32
        %while3A_442 = arith.muli %while3A_441, %while3A_440 : i32
        %while3A_443 = arith.addi %while3A_437, %while3A_442 : i32
        %while3A_444 = arith.constant 1 : i32
        scf.for %while3A_450 = %while3A_437 to %while3A_443 step %while3A_444  : i32 {
          %mul3A_451 = arith.constant 16 : i32
          %mul3A_452 = arith.muli %while3A_450, %mul3A_451 : i32
          %add3A_453 = arith.constant 32 : i32
          %add3A_454 = arith.addi %add3A_453, %mul3A_452 : i32
          %mul3A_455 = arith.constant 16 : i32
          %mul3A_456 = arith.muli %while3A_450, %mul3A_455 : i32
          %get3A_457 = arith.index_cast %add3A_454 : i32 to index
          %get3A_458 = tpu.vector_load %arg8[%get3A_457] {strides = array<i32>} : memref<704xi32, #tpu.memory_space<vmem>>, vector<16xi32>,
          %swap3A_459 = arith.index_cast %mul3A_456 : i32 to index
          %swap3A_460 = tpu.vector_load %arg8[%swap3A_459] {strides = array<i32>} : memref<704xi32, #tpu.memory_space<vmem>>, vector<16xi32>,
          tpu.vector_store %arg8[%swap3A_459], %get3A_458 {strides = array<i32>} : memref<704xi32, #tpu.memory_space<vmem>>, vector<16xi32>,
          %get3A_461 = arith.index_cast %add3A_454 : i32 to index
          %get3A_462 = tpu.vector_load %arg9[%get3A_461] {strides = array<i32>} : memref<704xi32, #tpu.memory_space<vmem>>, vector<16xi32>,
          %swap3A_463 = arith.index_cast %mul3A_456 : i32 to index
          %swap3A_464 = tpu.vector_load %arg9[%swap3A_463] {strides = array<i32>} : memref<704xi32, #tpu.memory_space<vmem>>, vector<16xi32>,
          tpu.vector_store %arg9[%swap3A_463], %get3A_462 {strides = array<i32>} : memref<704xi32, #tpu.memory_space<vmem>>, vector<16xi32>,
          %get3A_465 = arith.index_cast %add3A_454 : i32 to index
          %get3A_466 = tpu.vector_load %arg10[%get3A_465] {strides = array<i32>} : memref<704xi32, #tpu.memory_space<vmem>>, vector<16xi32>,
          %swap3A_467 = arith.index_cast %mul3A_456 : i32 to index
          %swap3A_468 = tpu.vector_load %arg10[%swap3A_467] {strides = array<i32>} : memref<704xi32, #tpu.memory_space<vmem>>, vector<16xi32>,
          tpu.vector_store %arg10[%swap3A_467], %get3A_466 {strides = array<i32>} : memref<704xi32, #tpu.memory_space<vmem>>, vector<16xi32>,
          %get3A_469 = arith.index_cast %add3A_454 : i32 to index
          %get3A_470 = tpu.vector_load %arg11[%get3A_469] {strides = array<i32>} : memref<704xf32, #tpu.memory_space<vmem>>, vector<16xf32>,
          %swap3A_471 = arith.index_cast %mul3A_456 : i32 to index
          %swap3A_472 = tpu.vector_load %arg11[%swap3A_471] {strides = array<i32>} : memref<704xf32, #tpu.memory_space<vmem>>, vector<16xf32>,
          tpu.vector_store %arg11[%swap3A_471], %get3A_470 {strides = array<i32>} : memref<704xf32, #tpu.memory_space<vmem>>, vector<16xf32>,
        }
        %while3A_445 = arith.constant 1 : i32
        scf.for %while3A_450 = %while3A_443 to %while3A_439 step %while3A_445  : i32 {
          %mul3A_451 = arith.constant 16 : i32
          %mul3A_452 = arith.muli %while3A_450, %mul3A_451 : i32
          %add3A_453 = arith.constant 32 : i32
          %add3A_454 = arith.addi %add3A_453, %mul3A_452 : i32
          %mul3A_455 = arith.constant 16 : i32
          %mul3A_456 = arith.muli %while3A_450, %mul3A_455 : i32
          %get3A_457 = arith.index_cast %add3A_454 : i32 to index
          %get3A_458 = tpu.vector_load %arg8[%get3A_457] {strides = array<i32>} : memref<704xi32, #tpu.memory_space<vmem>>, vector<16xi32>,
          %swap3A_459 = arith.index_cast %mul3A_456 : i32 to index
          %swap3A_460 = tpu.vector_load %arg8[%swap3A_459] {strides = array<i32>} : memref<704xi32, #tpu.memory_space<vmem>>, vector<16xi32>,
          tpu.vector_store %arg8[%swap3A_459], %get3A_458 {strides = array<i32>} : memref<704xi32, #tpu.memory_space<vmem>>, vector<16xi32>,
          %get3A_461 = arith.index_cast %add3A_454 : i32 to index
          %get3A_462 = tpu.vector_load %arg9[%get3A_461] {strides = array<i32>} : memref<704xi32, #tpu.memory_space<vmem>>, vector<16xi32>,
          %swap3A_463 = arith.index_cast %mul3A_456 : i32 to index
          %swap3A_464 = tpu.vector_load %arg9[%swap3A_463] {strides = array<i32>} : memref<704xi32, #tpu.memory_space<vmem>>, vector<16xi32>,
          tpu.vector_store %arg9[%swap3A_463], %get3A_462 {strides = array<i32>} : memref<704xi32, #tpu.memory_space<vmem>>, vector<16xi32>,
          %get3A_465 = arith.index_cast %add3A_454 : i32 to index
          %get3A_466 = tpu.vector_load %arg10[%get3A_465] {strides = array<i32>} : memref<704xi32, #tpu.memory_space<vmem>>, vector<16xi32>,
          %swap3A_467 = arith.index_cast %mul3A_456 : i32 to index
          %swap3A_468 = tpu.vector_load %arg10[%swap3A_467] {strides = array<i32>} : memref<704xi32, #tpu.memory_space<vmem>>, vector<16xi32>,
          tpu.vector_store %arg10[%swap3A_467], %get3A_466 {strides = array<i32>} : memref<704xi32, #tpu.memory_space<vmem>>, vector<16xi32>,
          %get3A_469 = arith.index_cast %add3A_454 : i32 to index
          %get3A_470 = tpu.vector_load %arg11[%get3A_469] {strides = array<i32>} : memref<704xf32, #tpu.memory_space<vmem>>, vector<16xf32>,
          %swap3A_471 = arith.index_cast %mul3A_456 : i32 to index
          %swap3A_472 = tpu.vector_load %arg11[%swap3A_471] {strides = array<i32>} : memref<704xf32, #tpu.memory_space<vmem>>, vector<16xf32>,
          tpu.vector_store %arg11[%swap3A_471], %get3A_470 {strides = array<i32>} : memref<704xf32, #tpu.memory_space<vmem>>, vector<16xf32>,
        }
        %sub3A_446 = arith.constant 32 : i32
        %sub3A_447 = arith.subi %while3A_332, %sub3A_446 : i32
        %sub3A_448 = arith.constant 1 : i32
        %sub3A_449 = arith.subi %sub3A_448, %while3A_333 : i32
        scf.yield %sub3A_447, %sub3A_449 : i32, i32
      }
      scf.yield %while3A_331#0, %while3A_331#1 : i32, i32
    }
    %scan3A_64 = arith.constant 125 : i32
    %dma_wait3A = arith.constant 0 : i32
    %dma_wait3A_65 = arith.constant 0 : i32
    %dma_wait3A_66 = tpu.memref_slice %arg4[%dma_wait3A, %dma_wait3A_65] : memref<4x160000xi32, #tpu.memory_space<hbm>> -> memref<4x640xi32, #tpu.memory_space<hbm>>
    %dma_wait3A_67 = arith.constant 0 : i32
    %dma_wait3A_68 = arith.constant 0 : i32
    %dma_wait3A_69 = tpu.memref_slice %arg4[%dma_wait3A_67, %dma_wait3A_68] : memref<4x160000xi32, #tpu.memory_space<hbm>> -> memref<4x640xi32, #tpu.memory_space<hbm>>
    tpu.wait_dma2 semaphore(%arg19 : memref<!tpu.dma_semaphore, #tpu.memory_space<semaphore_mem>>) src(%dma_wait3A_69 : memref<4x640xi32, #tpu.memory_space<hbm>>) dst(%arg6 : memref<4x640xi32, #tpu.memory_space<vmem>>)
    %broadcast_in_dim3A_70 = vector.broadcast %scan3A_63#0 : i32 to vector<16xi32>
    %add3A_71 = arith.constant 0 : i32
    %add3A_72 = vector.broadcast %add3A_71 : i32 to vector<16xi32>
    %add3A_73 = arith.addi %iota3A, %add3A_72 : vector<16xi32>
    %lt3A = arith.cmpi slt, %add3A_73, %broadcast_in_dim3A_70 : vector<16xi32>
    %get3A = arith.constant 0 : index
    %get3A_74 = tpu.vector_load %arg8[%get3A] {strides = array<i32>} : memref<704xi32, #tpu.memory_space<vmem>>, vector<16xi32>,
    %jit3A = arith.constant 328 : i32
    %broadcast_in_dim3A_75 = vector.broadcast %jit3A : i32 to vector<16xi32>
    %select_n3A = arith.select %lt3A, %get3A_74, %broadcast_in_dim3A_75 : vector<16xi1>, vector<16xi32>
    %swap3A_76 = arith.constant 0 : index
    %swap3A_77 = tpu.vector_load %arg8[%swap3A_76] {strides = array<i32>} : memref<704xi32, #tpu.memory_space<vmem>>, vector<16xi32>,
    tpu.vector_store %arg8[%swap3A_76], %select_n3A {strides = array<i32>} : memref<704xi32, #tpu.memory_space<vmem>>, vector<16xi32>,
    %get3A_78 = arith.constant 0 : index
    %get3A_79 = tpu.vector_load %arg9[%get3A_78] {strides = array<i32>} : memref<704xi32, #tpu.memory_space<vmem>>, vector<16xi32>,
    %jit3A_80 = arith.constant 0 : i32
    %broadcast_in_dim3A_81 = vector.broadcast %jit3A_80 : i32 to vector<16xi32>
    %select_n3A_82 = arith.select %lt3A, %get3A_79, %broadcast_in_dim3A_81 : vector<16xi1>, vector<16xi32>
    %swap3A_83 = arith.constant 0 : index
    %swap3A_84 = tpu.vector_load %arg9[%swap3A_83] {strides = array<i32>} : memref<704xi32, #tpu.memory_space<vmem>>, vector<16xi32>,
    tpu.vector_store %arg9[%swap3A_83], %select_n3A_82 {strides = array<i32>} : memref<704xi32, #tpu.memory_space<vmem>>, vector<16xi32>,
    %get3A_85 = arith.constant 0 : index
    %get3A_86 = tpu.vector_load %arg10[%get3A_85] {strides = array<i32>} : memref<704xi32, #tpu.memory_space<vmem>>, vector<16xi32>,
    %jit3A_87 = arith.constant 0 : i32
    %broadcast_in_dim3A_88 = vector.broadcast %jit3A_87 : i32 to vector<16xi32>
    %select_n3A_89 = arith.select %lt3A, %get3A_86, %broadcast_in_dim3A_88 : vector<16xi1>, vector<16xi32>
    %swap3A_90 = arith.constant 0 : index
    %swap3A_91 = tpu.vector_load %arg10[%swap3A_90] {strides = array<i32>} : memref<704xi32, #tpu.memory_space<vmem>>, vector<16xi32>,
    tpu.vector_store %arg10[%swap3A_90], %select_n3A_89 {strides = array<i32>} : memref<704xi32, #tpu.memory_space<vmem>>, vector<16xi32>,
    %get3A_92 = arith.constant 0 : index
    %get3A_93 = tpu.vector_load %arg11[%get3A_92] {strides = array<i32>} : memref<704xf32, #tpu.memory_space<vmem>>, vector<16xf32>,
    %jit3A_94 = arith.constant 0.000000e+00 : f32
    %broadcast_in_dim3A_95 = vector.broadcast %jit3A_94 : f32 to vector<16xf32>
    %select_n3A_96 = arith.select %lt3A, %get3A_93, %broadcast_in_dim3A_95 : vector<16xi1>, vector<16xf32>
    %swap3A_97 = arith.constant 0 : index
    %swap3A_98 = tpu.vector_load %arg11[%swap3A_97] {strides = array<i32>} : memref<704xf32, #tpu.memory_space<vmem>>, vector<16xf32>,
    tpu.vector_store %arg11[%swap3A_97], %select_n3A_96 {strides = array<i32>} : memref<704xf32, #tpu.memory_space<vmem>>, vector<16xf32>,
    %add3A_99 = arith.constant 16 : i32
    %add3A_100 = vector.broadcast %add3A_99 : i32 to vector<16xi32>
    %add3A_101 = arith.addi %iota3A, %add3A_100 : vector<16xi32>
    %lt3A_102 = arith.cmpi slt, %add3A_101, %broadcast_in_dim3A_70 : vector<16xi32>
    %get3A_103 = arith.constant 16 : index
    %get3A_104 = tpu.vector_load %arg8[%get3A_103] {strides = array<i32>} : memref<704xi32, #tpu.memory_space<vmem>>, vector<16xi32>,
    %jit3A_105 = arith.constant 328 : i32
    %broadcast_in_dim3A_106 = vector.broadcast %jit3A_105 : i32 to vector<16xi32>
    %select_n3A_107 = arith.select %lt3A_102, %get3A_104, %broadcast_in_dim3A_106 : vector<16xi1>, vector<16xi32>
    %swap3A_108 = arith.constant 16 : index
    %swap3A_109 = tpu.vector_load %arg8[%swap3A_108] {strides = array<i32>} : memref<704xi32, #tpu.memory_space<vmem>>, vector<16xi32>,
    tpu.vector_store %arg8[%swap3A_108], %select_n3A_107 {strides = array<i32>} : memref<704xi32, #tpu.memory_space<vmem>>, vector<16xi32>,
    %get3A_110 = arith.constant 16 : index
    %get3A_111 = tpu.vector_load %arg9[%get3A_110] {strides = array<i32>} : memref<704xi32, #tpu.memory_space<vmem>>, vector<16xi32>,
    %jit3A_112 = arith.constant 0 : i32
    %broadcast_in_dim3A_113 = vector.broadcast %jit3A_112 : i32 to vector<16xi32>
    %select_n3A_114 = arith.select %lt3A_102, %get3A_111, %broadcast_in_dim3A_113 : vector<16xi1>, vector<16xi32>
    %swap3A_115 = arith.constant 16 : index
    %swap3A_116 = tpu.vector_load %arg9[%swap3A_115] {strides = array<i32>} : memref<704xi32, #tpu.memory_space<vmem>>, vector<16xi32>,
    tpu.vector_store %arg9[%swap3A_115], %select_n3A_114 {strides = array<i32>} : memref<704xi32, #tpu.memory_space<vmem>>, vector<16xi32>,
    %get3A_117 = arith.constant 16 : index
    %get3A_118 = tpu.vector_load %arg10[%get3A_117] {strides = array<i32>} : memref<704xi32, #tpu.memory_space<vmem>>, vector<16xi32>,
    %jit3A_119 = arith.constant 0 : i32
    %broadcast_in_dim3A_120 = vector.broadcast %jit3A_119 : i32 to vector<16xi32>
    %select_n3A_121 = arith.select %lt3A_102, %get3A_118, %broadcast_in_dim3A_120 : vector<16xi1>, vector<16xi32>
    %swap3A_122 = arith.constant 16 : index
    %swap3A_123 = tpu.vector_load %arg10[%swap3A_122] {strides = array<i32>} : memref<704xi32, #tpu.memory_space<vmem>>, vector<16xi32>,
    tpu.vector_store %arg10[%swap3A_122], %select_n3A_121 {strides = array<i32>} : memref<704xi32, #tpu.memory_space<vmem>>, vector<16xi32>,
    %get3A_124 = arith.constant 16 : index
    %get3A_125 = tpu.vector_load %arg11[%get3A_124] {strides = array<i32>} : memref<704xf32, #tpu.memory_space<vmem>>, vector<16xf32>,
    %jit3A_126 = arith.constant 0.000000e+00 : f32
    %broadcast_in_dim3A_127 = vector.broadcast %jit3A_126 : f32 to vector<16xf32>
    %select_n3A_128 = arith.select %lt3A_102, %get3A_125, %broadcast_in_dim3A_127 : vector<16xi1>, vector<16xf32>
    %swap3A_129 = arith.constant 16 : index
    %swap3A_130 = tpu.vector_load %arg11[%swap3A_129] {strides = array<i32>} : memref<704xf32, #tpu.memory_space<vmem>>, vector<16xf32>,
    tpu.vector_store %arg11[%swap3A_129], %select_n3A_128 {strides = array<i32>} : memref<704xf32, #tpu.memory_space<vmem>>, vector<16xf32>,
    %dma_wait3A_131 = arith.constant 0 : i32
    %dma_wait3A_132 = arith.constant 0 : i32
    %dma_wait3A_133 = tpu.memref_slice %arg16[%dma_wait3A_131, %dma_wait3A_132] : memref<64x256xf32, #tpu.memory_space<vmem>> -> memref<32x256xf32, #tpu.memory_space<vmem>>
    %dma_wait3A_134 = arith.constant 0 : i32
    %dma_wait3A_135 = arith.constant 0 : i32
    %dma_wait3A_136 = tpu.memref_slice %arg2[%dma_wait3A_134, %dma_wait3A_135] : memref<10000x256xf32, #tpu.memory_space<hbm>> -> memref<32x256xf32, #tpu.memory_space<hbm>>
    %dma_wait3A_137 = arith.constant 0 : i32
    %dma_wait3A_138 = arith.constant 0 : i32
    %dma_wait3A_139 = tpu.memref_slice %arg16[%dma_wait3A_137, %dma_wait3A_138] : memref<64x256xf32, #tpu.memory_space<vmem>> -> memref<32x256xf32, #tpu.memory_space<vmem>>
    %dma_wait3A_140 = arith.constant 0 : i32
    %dma_wait3A_141 = arith.constant 0 : i32
    %dma_wait3A_142 = tpu.memref_slice %arg2[%dma_wait3A_140, %dma_wait3A_141] : memref<10000x256xf32, #tpu.memory_space<hbm>> -> memref<32x256xf32, #tpu.memory_space<hbm>>
    tpu.wait_dma2 semaphore(%arg21 : memref<!tpu.dma_semaphore, #tpu.memory_space<semaphore_mem>>) src(%dma_wait3A_142 : memref<32x256xf32, #tpu.memory_space<hbm>>) dst(%dma_wait3A_139 : memref<32x256xf32, #tpu.memory_space<vmem>>)
    %dma_wait3A_143 = arith.constant 0 : i32
    %dma_wait3A_144 = arith.constant 0 : i32
    %dma_wait3A_145 = tpu.memref_slice %arg17[%dma_wait3A_143, %dma_wait3A_144] : memref<64x256xf32, #tpu.memory_space<vmem>> -> memref<32x256xf32, #tpu.memory_space<vmem>>
    %dma_wait3A_146 = arith.constant 0 : i32
    %dma_wait3A_147 = arith.constant 0 : i32
    %dma_wait3A_148 = tpu.memref_slice %arg3[%dma_wait3A_146, %dma_wait3A_147] : memref<200x256xf32, #tpu.memory_space<hbm>> -> memref<32x256xf32, #tpu.memory_space<hbm>>
    %dma_wait3A_149 = arith.constant 0 : i32
    %dma_wait3A_150 = arith.constant 0 : i32
    %dma_wait3A_151 = tpu.memref_slice %arg17[%dma_wait3A_149, %dma_wait3A_150] : memref<64x256xf32, #tpu.memory_space<vmem>> -> memref<32x256xf32, #tpu.memory_space<vmem>>
    %dma_wait3A_152 = arith.constant 0 : i32
    %dma_wait3A_153 = arith.constant 0 : i32
    %dma_wait3A_154 = tpu.memref_slice %arg3[%dma_wait3A_152, %dma_wait3A_153] : memref<200x256xf32, #tpu.memory_space<hbm>> -> memref<32x256xf32, #tpu.memory_space<hbm>>
    tpu.wait_dma2 semaphore(%arg22 : memref<!tpu.dma_semaphore, #tpu.memory_space<semaphore_mem>>) src(%dma_wait3A_154 : memref<32x256xf32, #tpu.memory_space<hbm>>) dst(%dma_wait3A_151 : memref<32x256xf32, #tpu.memory_space<vmem>>)
    %get3A_155 = arith.constant 0 : index
    %get3A_156 = tpu.vector_load %arg9[%get3A_155] {strides = array<i32>} : memref<704xi32, #tpu.memory_space<vmem>>, vector<16xi32>,
    %swap3A_157 = arith.constant 0 : index
    %swap3A_158 = tpu.vector_load %arg12[%swap3A_157] {strides = array<i32>} : memref<32xi32, #tpu.memory_space<vmem>>, vector<16xi32>,
    tpu.vector_store %arg12[%swap3A_157], %get3A_156 {strides = array<i32>} : memref<32xi32, #tpu.memory_space<vmem>>, vector<16xi32>,
    %get3A_159 = arith.constant 0 : index
    %get3A_160 = tpu.vector_load %arg10[%get3A_159] {strides = array<i32>} : memref<704xi32, #tpu.memory_space<vmem>>, vector<16xi32>,
    %swap3A_161 = arith.constant 0 : index
    %swap3A_162 = tpu.vector_load %arg13[%swap3A_161] {strides = array<i32>} : memref<32xi32, #tpu.memory_space<vmem>>, vector<16xi32>,
    tpu.vector_store %arg13[%swap3A_161], %get3A_160 {strides = array<i32>} : memref<32xi32, #tpu.memory_space<vmem>>, vector<16xi32>,
    %get3A_163 = arith.constant 0 : index
    %get3A_164 = tpu.vector_load %arg8[%get3A_163] {strides = array<i32>} : memref<704xi32, #tpu.memory_space<vmem>>, vector<16xi32>,
    %mul3A_165 = arith.constant 32 : i32
    %mul3A_166 = arith.muli %scan3A_63#1, %mul3A_165 : i32
    %add3A_167 = arith.constant 0 : i32
    %add3A_168 = arith.addi %mul3A_166, %add3A_167 : i32
    %swap3A_169 = arith.index_cast %add3A_168 : i32 to index
    %swap3A_170 = tpu.vector_load %arg14[%swap3A_169] {strides = array<i32>} : memref<80xi32, #tpu.memory_space<vmem>>, vector<16xi32>,
    tpu.vector_store %arg14[%swap3A_169], %get3A_164 {strides = array<i32>} : memref<80xi32, #tpu.memory_space<vmem>>, vector<16xi32>,
    %get3A_171 = arith.constant 0 : index
    %get3A_172 = tpu.vector_load %arg11[%get3A_171] {strides = array<i32>} : memref<704xf32, #tpu.memory_space<vmem>>, vector<16xf32>,
    %mul3A_173 = arith.constant 32 : i32
    %mul3A_174 = arith.muli %scan3A_63#1, %mul3A_173 : i32
    %add3A_175 = arith.constant 0 : i32
    %add3A_176 = arith.addi %mul3A_174, %add3A_175 : i32
    %swap3A_177 = arith.index_cast %add3A_176 : i32 to index
    %swap3A_178 = tpu.vector_load %arg15[%swap3A_177] {strides = array<i32>} : memref<80xf32, #tpu.memory_space<vmem>>, vector<16xf32>,
    tpu.vector_store %arg15[%swap3A_177], %get3A_172 {strides = array<i32>} : memref<80xf32, #tpu.memory_space<vmem>>, vector<16xf32>,
    %get3A_179 = arith.constant 16 : index
    %get3A_180 = tpu.vector_load %arg9[%get3A_179] {strides = array<i32>} : memref<704xi32, #tpu.memory_space<vmem>>, vector<16xi32>,
    %swap3A_181 = arith.constant 16 : index
    %swap3A_182 = tpu.vector_load %arg12[%swap3A_181] {strides = array<i32>} : memref<32xi32, #tpu.memory_space<vmem>>, vector<16xi32>,
    tpu.vector_store %arg12[%swap3A_181], %get3A_180 {strides = array<i32>} : memref<32xi32, #tpu.memory_space<vmem>>, vector<16xi32>,
    %get3A_183 = arith.constant 16 : index
    %get3A_184 = tpu.vector_load %arg10[%get3A_183] {strides = array<i32>} : memref<704xi32, #tpu.memory_space<vmem>>, vector<16xi32>,
    %swap3A_185 = arith.constant 16 : index
    %swap3A_186 = tpu.vector_load %arg13[%swap3A_185] {strides = array<i32>} : memref<32xi32, #tpu.memory_space<vmem>>, vector<16xi32>,
    tpu.vector_store %arg13[%swap3A_185], %get3A_184 {strides = array<i32>} : memref<32xi32, #tpu.memory_space<vmem>>, vector<16xi32>,
    %get3A_187 = arith.constant 16 : index
    %get3A_188 = tpu.vector_load %arg8[%get3A_187] {strides = array<i32>} : memref<704xi32, #tpu.memory_space<vmem>>, vector<16xi32>,
    %mul3A_189 = arith.constant 32 : i32
    %mul3A_190 = arith.muli %scan3A_63#1, %mul3A_189 : i32
    %add3A_191 = arith.constant 16 : i32
    %add3A_192 = arith.addi %mul3A_190, %add3A_191 : i32
    %swap3A_193 = arith.index_cast %add3A_192 : i32 to index
    %swap3A_194 = tpu.vector_load %arg14[%swap3A_193] {strides = array<i32>} : memref<80xi32, #tpu.memory_space<vmem>>, vector<16xi32>,
    tpu.vector_store %arg14[%swap3A_193], %get3A_188 {strides = array<i32>} : memref<80xi32, #tpu.memory_space<vmem>>, vector<16xi32>,
    %get3A_195 = arith.constant 16 : index
    %get3A_196 = tpu.vector_load %arg11[%get3A_195] {strides = array<i32>} : memref<704xf32, #tpu.memory_space<vmem>>, vector<16xf32>,
    %mul3A_197 = arith.constant 32 : i32
    %mul3A_198 = arith.muli %scan3A_63#1, %mul3A_197 : i32
    %add3A_199 = arith.constant 16 : i32
    %add3A_200 = arith.addi %mul3A_198, %add3A_199 : i32
    %swap3A_201 = arith.index_cast %add3A_200 : i32 to index
    %swap3A_202 = tpu.vector_load %arg15[%swap3A_201] {strides = array<i32>} : memref<80xf32, #tpu.memory_space<vmem>>, vector<16xf32>,
    tpu.vector_store %arg15[%swap3A_201], %get3A_196 {strides = array<i32>} : memref<80xf32, #tpu.memory_space<vmem>>, vector<16xf32>,
    %mul3A_203 = arith.constant 32 : i32
    %mul3A_204 = arith.muli %scan3A_63#1, %mul3A_203 : i32
    %dma_start3A_205 = arith.constant 0 : i32
    %dma_start3A_206 = tpu.memref_slice %arg16[%mul3A_204, %dma_start3A_205] : memref<64x256xf32, #tpu.memory_space<vmem>> -> memref<32x256xf32, #tpu.memory_space<vmem>>
    %dma_start3A_207 = arith.constant 0 : i32
    %dma_start3A_208 = arith.constant 0 : i32
    %dma_start3A_209 = tpu.memref_slice %arg2[%dma_start3A_207, %dma_start3A_208] : memref<10000x256xf32, #tpu.memory_space<hbm>> -> memref<10000x256xf32, #tpu.memory_space<hbm>>
    tpu.enqueue_indirect_dma source(%dma_start3A_209 : memref<10000x256xf32, #tpu.memory_space<hbm>>) target(%dma_start3A_206 : memref<32x256xf32, #tpu.memory_space<vmem>>) offsets(%arg12 : memref<32xi32, #tpu.memory_space<vmem>>) semaphore(%arg21 : memref<!tpu.dma_semaphore, #tpu.memory_space<semaphore_mem>>)
    %dma_start3A_210 = arith.constant 0 : i32
    %dma_start3A_211 = tpu.memref_slice %arg17[%mul3A_204, %dma_start3A_210] : memref<64x256xf32, #tpu.memory_space<vmem>> -> memref<32x256xf32, #tpu.memory_space<vmem>>
    %dma_start3A_212 = arith.constant 0 : i32
    %dma_start3A_213 = arith.constant 0 : i32
    %dma_start3A_214 = tpu.memref_slice %arg3[%dma_start3A_212, %dma_start3A_213] : memref<200x256xf32, #tpu.memory_space<hbm>> -> memref<200x256xf32, #tpu.memory_space<hbm>>
    tpu.enqueue_indirect_dma source(%dma_start3A_214 : memref<200x256xf32, #tpu.memory_space<hbm>>) target(%dma_start3A_211 : memref<32x256xf32, #tpu.memory_space<vmem>>) offsets(%arg13 : memref<32xi32, #tpu.memory_space<vmem>>) semaphore(%arg22 : memref<!tpu.dma_semaphore, #tpu.memory_space<semaphore_mem>>)
    %sub3A = arith.constant 1 : i32
    %sub3A_215 = arith.subi %sub3A, %scan3A_63#1 : i32
    %mul3A_216 = arith.constant 32 : i32
    %mul3A_217 = arith.muli %sub3A_215, %mul3A_216 : i32
    %scan3A_218 = arith.constant 0 : i32
    %scan3A_219 = arith.constant 0 : i32
    %scan3A_220 = arith.constant 32 : i32
    %scan3A_221 = arith.addi %scan3A_219, %scan3A_220 : i32
    %scan3A_222 = arith.constant 1 : i32
    scf.for %scan3A_282 = %scan3A_219 to %scan3A_221 step %scan3A_222  : i32 {
      %add3A_283 = arith.addi %mul3A_217, %scan3A_282 : i32
      %get3A_284 = arith.index_cast %add3A_283 : i32 to index
      %get3A_285 = tpu.vector_load %arg15[%get3A_284] {strides = array<i32>} : memref<80xf32, #tpu.memory_space<vmem>>, vector<16xf32>,
      %slice3A = vector.extract_strided_slice %get3A_285 {offsets = [0], sizes = [1], strides = [1]} : vector<16xf32> to vector<1xf32>
      %squeeze3A = vector.extract %slice3A[0] : f32 from vector<1xf32>
      %add3A_286 = arith.addi %mul3A_217, %scan3A_282 : i32
      %get3A_287 = arith.index_cast %add3A_286 : i32 to index
      %get3A_288 = tpu.vector_load %arg14[%get3A_287] {strides = array<i32>} : memref<80xi32, #tpu.memory_space<vmem>>, vector<16xi32>,
      %slice3A_289 = vector.extract_strided_slice %get3A_288 {offsets = [0], sizes = [1], strides = [1]} : vector<16xi32> to vector<1xi32>
      %squeeze3A_290 = vector.extract %slice3A_289[0] : i32 from vector<1xi32>
      %broadcast_in_dim3A_291 = vector.broadcast %squeeze3A : f32 to vector<16xf32>
      %add3A_292 = arith.addi %mul3A_217, %scan3A_282 : i32
      %get3A_293 = arith.index_cast %add3A_292 : i32 to index
      %get3A_294 = arith.constant 0 : index
      %get3A_295 = tpu.vector_load %arg16[%get3A_293, %get3A_294] {strides = array<i32>} : memref<64x256xf32, #tpu.memory_space<vmem>>, vector<16xf32>,
      %add3A_296 = arith.addi %mul3A_217, %scan3A_282 : i32
      %get3A_297 = arith.index_cast %add3A_296 : i32 to index
      %get3A_298 = arith.constant 0 : index
      %get3A_299 = tpu.vector_load %arg17[%get3A_297, %get3A_298] {strides = array<i32>} : memref<64x256xf32, #tpu.memory_space<vmem>>, vector<16xf32>,
      %sub3A_300 = arith.subf %get3A_295, %get3A_299 : vector<16xf32>
      %mul3A_301 = arith.mulf %sub3A_300, %broadcast_in_dim3A_291 : vector<16xf32>
      %swap3A_302 = arith.index_cast %squeeze3A_290 : i32 to index
      %swap3A_303 = arith.constant 0 : index
      %swap3A_304 = tpu.vector_load %arg18[%swap3A_302, %swap3A_303] {strides = array<i32>} : memref<336x256xf32, #tpu.memory_space<vmem>>, vector<16xf32>,
      tpu.vector_store %arg18[%swap3A_302, %swap3A_303], %mul3A_301 {add = true, strides = array<i32>} : memref<336x256xf32, #tpu.memory_space<vmem>>, vector<16xf32>,
      %add3A_305 = arith.addi %mul3A_217, %scan3A_282 : i32
      %get3A_306 = arith.index_cast %add3A_305 : i32 to index
      %get3A_307 = arith.constant 16 : index
      %get3A_308 = tpu.vector_load %arg16[%get3A_306, %get3A_307] {strides = array<i32>} : memref<64x256xf32, #tpu.memory_space<vmem>>, vector<16xf32>,
      %add3A_309 = arith.addi %mul3A_217, %scan3A_282 : i32
      %get3A_310 = arith.index_cast %add3A_309 : i32 to index
      %get3A_311 = arith.constant 16 : index
      %get3A_312 = tpu.vector_load %arg17[%get3A_310, %get3A_311] {strides = array<i32>} : memref<64x256xf32, #tpu.memory_space<vmem>>, vector<16xf32>,
      %sub3A_313 = arith.subf %get3A_308, %get3A_312 : vector<16xf32>
      %mul3A_314 = arith.mulf %sub3A_313, %broadcast_in_dim3A_291 : vector<16xf32>
      %swap3A_315 = arith.index_cast %squeeze3A_290 : i32 to index
      %swap3A_316 = arith.constant 16 : index
      %swap3A_317 = tpu.vector_load %arg18[%swap3A_315, %swap3A_316] {strides = array<i32>} : memref<336x256xf32, #tpu.memory_space<vmem>>, vector<16xf32>,
      tpu.vector_store %arg18[%swap3A_315, %swap3A_316], %mul3A_314 {add = true, strides = array<i32>} : memref<336x256xf32, #tpu.memory_space<vmem>>, vector<16xf32>,
      %add3A_318 = arith.addi %mul3A_217, %scan3A_282 : i32
      %get3A_319 = arith.index_cast %add3A_318 : i32 to index
      %get3A_320 = arith.constant 32 : index
      %get3A_321 = tpu.vector_load %arg16[%get3A_319, %get3A_320] {strides = array<i32>} : memref<64x256xf32, #tpu.memory_space<vmem>>, vector<16xf32>,
      %add3A_322 = arith.addi %mul3A_217, %scan3A_282 : i32
      %get3A_323 = arith.index_cast %add3A_322 : i32 to index
      %get3A_324 = arith.constant 32 : index
      %get3A_325 = tpu.vector_load %arg17[%get3A_323, %get3A_324] {strides = array<i32>} : memref<64x256xf32, #tpu.memory_space<vmem>>, vector<16xf32>,
      %sub3A_326 = arith.subf %get3A_321, %get3A_325 : vector<16xf32>
      %mul3A_327 = arith.mulf %sub3A_326, %broadcast_in_dim3A_291 : vector<16xf32>
      %swap3A_328 = arith.index_cast %squeeze3A_290 : i32 to index
      %swap3A_329 = arith.constant 32 : index
      %swap3A_330 = tpu.vector_load %arg18[%swap3A_328, %swap3A_329] {strides = array<i32>} : memref<336x256xf32, #tpu.memory_space<vmem>>, vector<16xf32>,
      tpu.vector_store %arg18[%swap3A_328, %swap3A_329], %mul3A_327 {add = true, strides = array<i32>} : memref<336x256xf32, #tpu.memory_space<vmem>>, vector<16xf32>,
      %add3A_331 = arith.addi %mul3A_217, %scan3A_282 : i32
      %get3A_332 = arith.index_cast %add3A_331 : i32 to index
      %get3A_333 = arith.constant 48 : index
      %get3A_334 = tpu.vector_load %arg16[%get3A_332, %get3A_333] {strides = array<i32>} : memref<64x256xf32, #tpu.memory_space<vmem>>, vector<16xf32>,
      %add3A_335 = arith.addi %mul3A_217, %scan3A_282 : i32
      %get3A_336 = arith.index_cast %add3A_335 : i32 to index
      %get3A_337 = arith.constant 48 : index
      %get3A_338 = tpu.vector_load %arg17[%get3A_336, %get3A_337] {strides = array<i32>} : memref<64x256xf32, #tpu.memory_space<vmem>>, vector<16xf32>,
      %sub3A_339 = arith.subf %get3A_334, %get3A_338 : vector<16xf32>
      %mul3A_340 = arith.mulf %sub3A_339, %broadcast_in_dim3A_291 : vector<16xf32>
      %swap3A_341 = arith.index_cast %squeeze3A_290 : i32 to index
      %swap3A_342 = arith.constant 48 : index
      %swap3A_343 = tpu.vector_load %arg18[%swap3A_341, %swap3A_342] {strides = array<i32>} : memref<336x256xf32, #tpu.memory_space<vmem>>, vector<16xf32>,
      tpu.vector_store %arg18[%swap3A_341, %swap3A_342], %mul3A_340 {add = true, strides = array<i32>} : memref<336x256xf32, #tpu.memory_space<vmem>>, vector<16xf32>,
      %add3A_344 = arith.addi %mul3A_217, %scan3A_282 : i32
      %get3A_345 = arith.index_cast %add3A_344 : i32 to index
      %get3A_346 = arith.constant 64 : index
      %get3A_347 = tpu.vector_load %arg16[%get3A_345, %get3A_346] {strides = array<i32>} : memref<64x256xf32, #tpu.memory_space<vmem>>, vector<16xf32>,
      %add3A_348 = arith.addi %mul3A_217, %scan3A_282 : i32
      %get3A_349 = arith.index_cast %add3A_348 : i32 to index
      %get3A_350 = arith.constant 64 : index
      %get3A_351 = tpu.vector_load %arg17[%get3A_349, %get3A_350] {strides = array<i32>} : memref<64x256xf32, #tpu.memory_space<vmem>>, vector<16xf32>,
      %sub3A_352 = arith.subf %get3A_347, %get3A_351 : vector<16xf32>
      %mul3A_353 = arith.mulf %sub3A_352, %broadcast_in_dim3A_291 : vector<16xf32>
      %swap3A_354 = arith.index_cast %squeeze3A_290 : i32 to index
      %swap3A_355 = arith.constant 64 : index
      %swap3A_356 = tpu.vector_load %arg18[%swap3A_354, %swap3A_355] {strides = array<i32>} : memref<336x256xf32, #tpu.memory_space<vmem>>, vector<16xf32>,
      tpu.vector_store %arg18[%swap3A_354, %swap3A_355], %mul3A_353 {add = true, strides = array<i32>} : memref<336x256xf32, #tpu.memory_space<vmem>>, vector<16xf32>,
      %add3A_357 = arith.addi %mul3A_217, %scan3A_282 : i32
      %get3A_358 = arith.index_cast %add3A_357 : i32 to index
      %get3A_359 = arith.constant 80 : index
      %get3A_360 = tpu.vector_load %arg16[%get3A_358, %get3A_359] {strides = array<i32>} : memref<64x256xf32, #tpu.memory_space<vmem>>, vector<16xf32>,
      %add3A_361 = arith.addi %mul3A_217, %scan3A_282 : i32
      %get3A_362 = arith.index_cast %add3A_361 : i32 to index
      %get3A_363 = arith.constant 80 : index
      %get3A_364 = tpu.vector_load %arg17[%get3A_362, %get3A_363] {strides = array<i32>} : memref<64x256xf32, #tpu.memory_space<vmem>>, vector<16xf32>,
      %sub3A_365 = arith.subf %get3A_360, %get3A_364 : vector<16xf32>
      %mul3A_366 = arith.mulf %sub3A_365, %broadcast_in_dim3A_291 : vector<16xf32>
      %swap3A_367 = arith.index_cast %squeeze3A_290 : i32 to index
      %swap3A_368 = arith.constant 80 : index
      %swap3A_369 = tpu.vector_load %arg18[%swap3A_367, %swap3A_368] {strides = array<i32>} : memref<336x256xf32, #tpu.memory_space<vmem>>, vector<16xf32>,
      tpu.vector_store %arg18[%swap3A_367, %swap3A_368], %mul3A_366 {add = true, strides = array<i32>} : memref<336x256xf32, #tpu.memory_space<vmem>>, vector<16xf32>,
      %add3A_370 = arith.addi %mul3A_217, %scan3A_282 : i32
      %get3A_371 = arith.index_cast %add3A_370 : i32 to index
      %get3A_372 = arith.constant 96 : index
      %get3A_373 = tpu.vector_load %arg16[%get3A_371, %get3A_372] {strides = array<i32>} : memref<64x256xf32, #tpu.memory_space<vmem>>, vector<16xf32>,
      %add3A_374 = arith.addi %mul3A_217, %scan3A_282 : i32
      %get3A_375 = arith.index_cast %add3A_374 : i32 to index
      %get3A_376 = arith.constant 96 : index
      %get3A_377 = tpu.vector_load %arg17[%get3A_375, %get3A_376] {strides = array<i32>} : memref<64x256xf32, #tpu.memory_space<vmem>>, vector<16xf32>,
      %sub3A_378 = arith.subf %get3A_373, %get3A_377 : vector<16xf32>
      %mul3A_379 = arith.mulf %sub3A_378, %broadcast_in_dim3A_291 : vector<16xf32>
      %swap3A_380 = arith.index_cast %squeeze3A_290 : i32 to index
      %swap3A_381 = arith.constant 96 : index
      %swap3A_382 = tpu.vector_load %arg18[%swap3A_380, %swap3A_381] {strides = array<i32>} : memref<336x256xf32, #tpu.memory_space<vmem>>, vector<16xf32>,
      tpu.vector_store %arg18[%swap3A_380, %swap3A_381], %mul3A_379 {add = true, strides = array<i32>} : memref<336x256xf32, #tpu.memory_space<vmem>>, vector<16xf32>,
      %add3A_383 = arith.addi %mul3A_217, %scan3A_282 : i32
      %get3A_384 = arith.index_cast %add3A_383 : i32 to index
      %get3A_385 = arith.constant 112 : index
      %get3A_386 = tpu.vector_load %arg16[%get3A_384, %get3A_385] {strides = array<i32>} : memref<64x256xf32, #tpu.memory_space<vmem>>, vector<16xf32>,
      %add3A_387 = arith.addi %mul3A_217, %scan3A_282 : i32
      %get3A_388 = arith.index_cast %add3A_387 : i32 to index
      %get3A_389 = arith.constant 112 : index
      %get3A_390 = tpu.vector_load %arg17[%get3A_388, %get3A_389] {strides = array<i32>} : memref<64x256xf32, #tpu.memory_space<vmem>>, vector<16xf32>,
      %sub3A_391 = arith.subf %get3A_386, %get3A_390 : vector<16xf32>
      %mul3A_392 = arith.mulf %sub3A_391, %broadcast_in_dim3A_291 : vector<16xf32>
      %swap3A_393 = arith.index_cast %squeeze3A_290 : i32 to index
      %swap3A_394 = arith.constant 112 : index
      %swap3A_395 = tpu.vector_load %arg18[%swap3A_393, %swap3A_394] {strides = array<i32>} : memref<336x256xf32, #tpu.memory_space<vmem>>, vector<16xf32>,
      tpu.vector_store %arg18[%swap3A_393, %swap3A_394], %mul3A_392 {add = true, strides = array<i32>} : memref<336x256xf32, #tpu.memory_space<vmem>>, vector<16xf32>,
      %add3A_396 = arith.addi %mul3A_217, %scan3A_282 : i32
      %get3A_397 = arith.index_cast %add3A_396 : i32 to index
      %get3A_398 = arith.constant 128 : index
      %get3A_399 = tpu.vector_load %arg16[%get3A_397, %get3A_398] {strides = array<i32>} : memref<64x256xf32, #tpu.memory_space<vmem>>, vector<16xf32>,
      %add3A_400 = arith.addi %mul3A_217, %scan3A_282 : i32
      %get3A_401 = arith.index_cast %add3A_400 : i32 to index
      %get3A_402 = arith.constant 128 : index
      %get3A_403 = tpu.vector_load %arg17[%get3A_401, %get3A_402] {strides = array<i32>} : memref<64x256xf32, #tpu.memory_space<vmem>>, vector<16xf32>,
      %sub3A_404 = arith.subf %get3A_399, %get3A_403 : vector<16xf32>
      %mul3A_405 = arith.mulf %sub3A_404, %broadcast_in_dim3A_291 : vector<16xf32>
      %swap3A_406 = arith.index_cast %squeeze3A_290 : i32 to index
      %swap3A_407 = arith.constant 128 : index
      %swap3A_408 = tpu.vector_load %arg18[%swap3A_406, %swap3A_407] {strides = array<i32>} : memref<336x256xf32, #tpu.memory_space<vmem>>, vector<16xf32>,
      tpu.vector_store %arg18[%swap3A_406, %swap3A_407], %mul3A_405 {add = true, strides = array<i32>} : memref<336x256xf32, #tpu.memory_space<vmem>>, vector<16xf32>,
      %add3A_409 = arith.addi %mul3A_217, %scan3A_282 : i32
      %get3A_410 = arith.index_cast %add3A_409 : i32 to index
      %get3A_411 = arith.constant 144 : index
      %get3A_412 = tpu.vector_load %arg16[%get3A_410, %get3A_411] {strides = array<i32>} : memref<64x256xf32, #tpu.memory_space<vmem>>, vector<16xf32>,
      %add3A_413 = arith.addi %mul3A_217, %scan3A_282 : i32
      %get3A_414 = arith.index_cast %add3A_413 : i32 to index
      %get3A_415 = arith.constant 144 : index
      %get3A_416 = tpu.vector_load %arg17[%get3A_414, %get3A_415] {strides = array<i32>} : memref<64x256xf32, #tpu.memory_space<vmem>>, vector<16xf32>,
      %sub3A_417 = arith.subf %get3A_412, %get3A_416 : vector<16xf32>
      %mul3A_418 = arith.mulf %sub3A_417, %broadcast_in_dim3A_291 : vector<16xf32>
      %swap3A_419 = arith.index_cast %squeeze3A_290 : i32 to index
      %swap3A_420 = arith.constant 144 : index
      %swap3A_421 = tpu.vector_load %arg18[%swap3A_419, %swap3A_420] {strides = array<i32>} : memref<336x256xf32, #tpu.memory_space<vmem>>, vector<16xf32>,
      tpu.vector_store %arg18[%swap3A_419, %swap3A_420], %mul3A_418 {add = true, strides = array<i32>} : memref<336x256xf32, #tpu.memory_space<vmem>>, vector<16xf32>,
      %add3A_422 = arith.addi %mul3A_217, %scan3A_282 : i32
      %get3A_423 = arith.index_cast %add3A_422 : i32 to index
      %get3A_424 = arith.constant 160 : index
      %get3A_425 = tpu.vector_load %arg16[%get3A_423, %get3A_424] {strides = array<i32>} : memref<64x256xf32, #tpu.memory_space<vmem>>, vector<16xf32>,
      %add3A_426 = arith.addi %mul3A_217, %scan3A_282 : i32
      %get3A_427 = arith.index_cast %add3A_426 : i32 to index
      %get3A_428 = arith.constant 160 : index
      %get3A_429 = tpu.vector_load %arg17[%get3A_427, %get3A_428] {strides = array<i32>} : memref<64x256xf32, #tpu.memory_space<vmem>>, vector<16xf32>,
      %sub3A_430 = arith.subf %get3A_425, %get3A_429 : vector<16xf32>
      %mul3A_431 = arith.mulf %sub3A_430, %broadcast_in_dim3A_291 : vector<16xf32>
      %swap3A_432 = arith.index_cast %squeeze3A_290 : i32 to index
      %swap3A_433 = arith.constant 160 : index
      %swap3A_434 = tpu.vector_load %arg18[%swap3A_432, %swap3A_433] {strides = array<i32>} : memref<336x256xf32, #tpu.memory_space<vmem>>, vector<16xf32>,
      tpu.vector_store %arg18[%swap3A_432, %swap3A_433], %mul3A_431 {add = true, strides = array<i32>} : memref<336x256xf32, #tpu.memory_space<vmem>>, vector<16xf32>,
      %add3A_435 = arith.addi %mul3A_217, %scan3A_282 : i32
      %get3A_436 = arith.index_cast %add3A_435 : i32 to index
      %get3A_437 = arith.constant 176 : index
      %get3A_438 = tpu.vector_load %arg16[%get3A_436, %get3A_437] {strides = array<i32>} : memref<64x256xf32, #tpu.memory_space<vmem>>, vector<16xf32>,
      %add3A_439 = arith.addi %mul3A_217, %scan3A_282 : i32
      %get3A_440 = arith.index_cast %add3A_439 : i32 to index
      %get3A_441 = arith.constant 176 : index
      %get3A_442 = tpu.vector_load %arg17[%get3A_440, %get3A_441] {strides = array<i32>} : memref<64x256xf32, #tpu.memory_space<vmem>>, vector<16xf32>,
      %sub3A_443 = arith.subf %get3A_438, %get3A_442 : vector<16xf32>
      %mul3A_444 = arith.mulf %sub3A_443, %broadcast_in_dim3A_291 : vector<16xf32>
      %swap3A_445 = arith.index_cast %squeeze3A_290 : i32 to index
      %swap3A_446 = arith.constant 176 : index
      %swap3A_447 = tpu.vector_load %arg18[%swap3A_445, %swap3A_446] {strides = array<i32>} : memref<336x256xf32, #tpu.memory_space<vmem>>, vector<16xf32>,
      tpu.vector_store %arg18[%swap3A_445, %swap3A_446], %mul3A_444 {add = true, strides = array<i32>} : memref<336x256xf32, #tpu.memory_space<vmem>>, vector<16xf32>,
      %add3A_448 = arith.addi %mul3A_217, %scan3A_282 : i32
      %get3A_449 = arith.index_cast %add3A_448 : i32 to index
      %get3A_450 = arith.constant 192 : index
      %get3A_451 = tpu.vector_load %arg16[%get3A_449, %get3A_450] {strides = array<i32>} : memref<64x256xf32, #tpu.memory_space<vmem>>, vector<16xf32>,
      %add3A_452 = arith.addi %mul3A_217, %scan3A_282 : i32
      %get3A_453 = arith.index_cast %add3A_452 : i32 to index
      %get3A_454 = arith.constant 192 : index
      %get3A_455 = tpu.vector_load %arg17[%get3A_453, %get3A_454] {strides = array<i32>} : memref<64x256xf32, #tpu.memory_space<vmem>>, vector<16xf32>,
      %sub3A_456 = arith.subf %get3A_451, %get3A_455 : vector<16xf32>
      %mul3A_457 = arith.mulf %sub3A_456, %broadcast_in_dim3A_291 : vector<16xf32>
      %swap3A_458 = arith.index_cast %squeeze3A_290 : i32 to index
      %swap3A_459 = arith.constant 192 : index
      %swap3A_460 = tpu.vector_load %arg18[%swap3A_458, %swap3A_459] {strides = array<i32>} : memref<336x256xf32, #tpu.memory_space<vmem>>, vector<16xf32>,
      tpu.vector_store %arg18[%swap3A_458, %swap3A_459], %mul3A_457 {add = true, strides = array<i32>} : memref<336x256xf32, #tpu.memory_space<vmem>>, vector<16xf32>,
      %add3A_461 = arith.addi %mul3A_217, %scan3A_282 : i32
      %get3A_462 = arith.index_cast %add3A_461 : i32 to index
      %get3A_463 = arith.constant 208 : index
      %get3A_464 = tpu.vector_load %arg16[%get3A_462, %get3A_463] {strides = array<i32>} : memref<64x256xf32, #tpu.memory_space<vmem>>, vector<16xf32>,
      %add3A_465 = arith.addi %mul3A_217, %scan3A_282 : i32
      %get3A_466 = arith.index_cast %add3A_465 : i32 to index
      %get3A_467 = arith.constant 208 : index
      %get3A_468 = tpu.vector_load %arg17[%get3A_466, %get3A_467] {strides = array<i32>} : memref<64x256xf32, #tpu.memory_space<vmem>>, vector<16xf32>,
      %sub3A_469 = arith.subf %get3A_464, %get3A_468 : vector<16xf32>
      %mul3A_470 = arith.mulf %sub3A_469, %broadcast_in_dim3A_291 : vector<16xf32>
      %swap3A_471 = arith.index_cast %squeeze3A_290 : i32 to index
      %swap3A_472 = arith.constant 208 : index
      %swap3A_473 = tpu.vector_load %arg18[%swap3A_471, %swap3A_472] {strides = array<i32>} : memref<336x256xf32, #tpu.memory_space<vmem>>, vector<16xf32>,
      tpu.vector_store %arg18[%swap3A_471, %swap3A_472], %mul3A_470 {add = true, strides = array<i32>} : memref<336x256xf32, #tpu.memory_space<vmem>>, vector<16xf32>,
      %add3A_474 = arith.addi %mul3A_217, %scan3A_282 : i32
      %get3A_475 = arith.index_cast %add3A_474 : i32 to index
      %get3A_476 = arith.constant 224 : index
      %get3A_477 = tpu.vector_load %arg16[%get3A_475, %get3A_476] {strides = array<i32>} : memref<64x256xf32, #tpu.memory_space<vmem>>, vector<16xf32>,
      %add3A_478 = arith.addi %mul3A_217, %scan3A_282 : i32
      %get3A_479 = arith.index_cast %add3A_478 : i32 to index
      %get3A_480 = arith.constant 224 : index
      %get3A_481 = tpu.vector_load %arg17[%get3A_479, %get3A_480] {strides = array<i32>} : memref<64x256xf32, #tpu.memory_space<vmem>>, vector<16xf32>,
      %sub3A_482 = arith.subf %get3A_477, %get3A_481 : vector<16xf32>
      %mul3A_483 = arith.mulf %sub3A_482, %broadcast_in_dim3A_291 : vector<16xf32>
      %swap3A_484 = arith.index_cast %squeeze3A_290 : i32 to index
      %swap3A_485 = arith.constant 224 : index
      %swap3A_486 = tpu.vector_load %arg18[%swap3A_484, %swap3A_485] {strides = array<i32>} : memref<336x256xf32, #tpu.memory_space<vmem>>, vector<16xf32>,
      tpu.vector_store %arg18[%swap3A_484, %swap3A_485], %mul3A_483 {add = true, strides = array<i32>} : memref<336x256xf32, #tpu.memory_space<vmem>>, vector<16xf32>,
      %add3A_487 = arith.addi %mul3A_217, %scan3A_282 : i32
      %get3A_488 = arith.index_cast %add3A_487 : i32 to index
      %get3A_489 = arith.constant 240 : index
      %get3A_490 = tpu.vector_load %arg16[%get3A_488, %get3A_489] {strides = array<i32>} : memref<64x256xf32, #tpu.memory_space<vmem>>, vector<16xf32>,
      %add3A_491 = arith.addi %mul3A_217, %scan3A_282 : i32
      %get3A_492 = arith.index_cast %add3A_491 : i32 to index
      %get3A_493 = arith.constant 240 : index
      %get3A_494 = tpu.vector_load %arg17[%get3A_492, %get3A_493] {strides = array<i32>} : memref<64x256xf32, #tpu.memory_space<vmem>>, vector<16xf32>,
      %sub3A_495 = arith.subf %get3A_490, %get3A_494 : vector<16xf32>
      %mul3A_496 = arith.mulf %sub3A_495, %broadcast_in_dim3A_291 : vector<16xf32>
      %swap3A_497 = arith.index_cast %squeeze3A_290 : i32 to index
      %swap3A_498 = arith.constant 240 : index
      %swap3A_499 = tpu.vector_load %arg18[%swap3A_497, %swap3A_498] {strides = array<i32>} : memref<336x256xf32, #tpu.memory_space<vmem>>, vector<16xf32>,
      tpu.vector_store %arg18[%swap3A_497, %swap3A_498], %mul3A_496 {add = true, strides = array<i32>} : memref<336x256xf32, #tpu.memory_space<vmem>>, vector<16xf32>,
    }
    %scan3A_223 = arith.constant 32 : i32
    %sub3A_224 = arith.constant 32 : i32
    %sub3A_225 = arith.constant 32 : i32
    %sub3A_226 = arith.subi %sub3A_224, %sub3A_225 : i32
    %add3A_227 = arith.constant 16 : i32
    %add3A_228 = arith.addi %sub3A_226, %add3A_227 : i32
    %sub3A_229 = arith.constant 1 : i32
    %sub3A_230 = arith.subi %add3A_228, %sub3A_229 : i32
    %shift_right_logical3A = arith.constant 4 : i32
    %shift_right_logical3A_231 = arith.shrui %sub3A_230, %shift_right_logical3A : i32
    %while3A = arith.constant 0 : i32
    %while3A_232 = arith.constant 0 : i32
    %while3A_233 = arith.subi %shift_right_logical3A_231, %while3A_232 : i32
    %while3A_234 = arith.addi %while3A_232, %while3A_233 : i32
    %while3A_235 = arith.constant 1 : i32
    %while3A_236 = arith.divsi %while3A_233, %while3A_235 : i32
    %while3A_237 = arith.muli %while3A_236, %while3A_235 : i32
    %while3A_238 = arith.addi %while3A_232, %while3A_237 : i32
    %while3A_239 = arith.constant 1 : i32
    scf.for %while3A_282 = %while3A_232 to %while3A_238 step %while3A_239  : i32 {
      %mul3A_283 = arith.constant 16 : i32
      %mul3A_284 = arith.muli %while3A_282, %mul3A_283 : i32
      %add3A_285 = arith.constant 32 : i32
      %add3A_286 = arith.addi %add3A_285, %mul3A_284 : i32
      %mul3A_287 = arith.constant 16 : i32
      %mul3A_288 = arith.muli %while3A_282, %mul3A_287 : i32
      %get3A_289 = arith.index_cast %add3A_286 : i32 to index
      %get3A_290 = tpu.vector_load %arg8[%get3A_289] {strides = array<i32>} : memref<704xi32, #tpu.memory_space<vmem>>, vector<16xi32>,
      %swap3A_291 = arith.index_cast %mul3A_288 : i32 to index
      %swap3A_292 = tpu.vector_load %arg8[%swap3A_291] {strides = array<i32>} : memref<704xi32, #tpu.memory_space<vmem>>, vector<16xi32>,
      tpu.vector_store %arg8[%swap3A_291], %get3A_290 {strides = array<i32>} : memref<704xi32, #tpu.memory_space<vmem>>, vector<16xi32>,
      %get3A_293 = arith.index_cast %add3A_286 : i32 to index
      %get3A_294 = tpu.vector_load %arg9[%get3A_293] {strides = array<i32>} : memref<704xi32, #tpu.memory_space<vmem>>, vector<16xi32>,
      %swap3A_295 = arith.index_cast %mul3A_288 : i32 to index
      %swap3A_296 = tpu.vector_load %arg9[%swap3A_295] {strides = array<i32>} : memref<704xi32, #tpu.memory_space<vmem>>, vector<16xi32>,
      tpu.vector_store %arg9[%swap3A_295], %get3A_294 {strides = array<i32>} : memref<704xi32, #tpu.memory_space<vmem>>, vector<16xi32>,
      %get3A_297 = arith.index_cast %add3A_286 : i32 to index
      %get3A_298 = tpu.vector_load %arg10[%get3A_297] {strides = array<i32>} : memref<704xi32, #tpu.memory_space<vmem>>, vector<16xi32>,
      %swap3A_299 = arith.index_cast %mul3A_288 : i32 to index
      %swap3A_300 = tpu.vector_load %arg10[%swap3A_299] {strides = array<i32>} : memref<704xi32, #tpu.memory_space<vmem>>, vector<16xi32>,
      tpu.vector_store %arg10[%swap3A_299], %get3A_298 {strides = array<i32>} : memref<704xi32, #tpu.memory_space<vmem>>, vector<16xi32>,
      %get3A_301 = arith.index_cast %add3A_286 : i32 to index
      %get3A_302 = tpu.vector_load %arg11[%get3A_301] {strides = array<i32>} : memref<704xf32, #tpu.memory_space<vmem>>, vector<16xf32>,
      %swap3A_303 = arith.index_cast %mul3A_288 : i32 to index
      %swap3A_304 = tpu.vector_load %arg11[%swap3A_303] {strides = array<i32>} : memref<704xf32, #tpu.memory_space<vmem>>, vector<16xf32>,
      tpu.vector_store %arg11[%swap3A_303], %get3A_302 {strides = array<i32>} : memref<704xf32, #tpu.memory_space<vmem>>, vector<16xf32>,
    }
    %while3A_240 = arith.constant 1 : i32
    scf.for %while3A_282 = %while3A_238 to %while3A_234 step %while3A_240  : i32 {
      %mul3A_283 = arith.constant 16 : i32
      %mul3A_284 = arith.muli %while3A_282, %mul3A_283 : i32
      %add3A_285 = arith.constant 32 : i32
      %add3A_286 = arith.addi %add3A_285, %mul3A_284 : i32
      %mul3A_287 = arith.constant 16 : i32
      %mul3A_288 = arith.muli %while3A_282, %mul3A_287 : i32
      %get3A_289 = arith.index_cast %add3A_286 : i32 to index
      %get3A_290 = tpu.vector_load %arg8[%get3A_289] {strides = array<i32>} : memref<704xi32, #tpu.memory_space<vmem>>, vector<16xi32>,
      %swap3A_291 = arith.index_cast %mul3A_288 : i32 to index
      %swap3A_292 = tpu.vector_load %arg8[%swap3A_291] {strides = array<i32>} : memref<704xi32, #tpu.memory_space<vmem>>, vector<16xi32>,
      tpu.vector_store %arg8[%swap3A_291], %get3A_290 {strides = array<i32>} : memref<704xi32, #tpu.memory_space<vmem>>, vector<16xi32>,
      %get3A_293 = arith.index_cast %add3A_286 : i32 to index
      %get3A_294 = tpu.vector_load %arg9[%get3A_293] {strides = array<i32>} : memref<704xi32, #tpu.memory_space<vmem>>, vector<16xi32>,
      %swap3A_295 = arith.index_cast %mul3A_288 : i32 to index
      %swap3A_296 = tpu.vector_load %arg9[%swap3A_295] {strides = array<i32>} : memref<704xi32, #tpu.memory_space<vmem>>, vector<16xi32>,
      tpu.vector_store %arg9[%swap3A_295], %get3A_294 {strides = array<i32>} : memref<704xi32, #tpu.memory_space<vmem>>, vector<16xi32>,
      %get3A_297 = arith.index_cast %add3A_286 : i32 to index
      %get3A_298 = tpu.vector_load %arg10[%get3A_297] {strides = array<i32>} : memref<704xi32, #tpu.memory_space<vmem>>, vector<16xi32>,
      %swap3A_299 = arith.index_cast %mul3A_288 : i32 to index
      %swap3A_300 = tpu.vector_load %arg10[%swap3A_299] {strides = array<i32>} : memref<704xi32, #tpu.memory_space<vmem>>, vector<16xi32>,
      tpu.vector_store %arg10[%swap3A_299], %get3A_298 {strides = array<i32>} : memref<704xi32, #tpu.memory_space<vmem>>, vector<16xi32>,
      %get3A_301 = arith.index_cast %add3A_286 : i32 to index
      %get3A_302 = tpu.vector_load %arg11[%get3A_301] {strides = array<i32>} : memref<704xf32, #tpu.memory_space<vmem>>, vector<16xf32>,
      %swap3A_303 = arith.index_cast %mul3A_288 : i32 to index
      %swap3A_304 = tpu.vector_load %arg11[%swap3A_303] {strides = array<i32>} : memref<704xf32, #tpu.memory_space<vmem>>, vector<16xf32>,
      tpu.vector_store %arg11[%swap3A_303], %get3A_302 {strides = array<i32>} : memref<704xf32, #tpu.memory_space<vmem>>, vector<16xf32>,
    }
    %sub3A_241 = arith.constant 32 : i32
    %sub3A_242 = arith.constant 32 : i32
    %sub3A_243 = arith.subi %sub3A_241, %sub3A_242 : i32
    %sub3A_244 = arith.constant 1 : i32
    %sub3A_245 = arith.subi %sub3A_244, %scan3A_63#1 : i32
    %dma_wait3A_246 = arith.constant 0 : i32
    %dma_wait3A_247 = arith.constant 0 : i32
    %dma_wait3A_248 = tpu.memref_slice %arg16[%dma_wait3A_246, %dma_wait3A_247] : memref<64x256xf32, #tpu.memory_space<vmem>> -> memref<32x256xf32, #tpu.memory_space<vmem>>
    %dma_wait3A_249 = arith.constant 0 : i32
    %dma_wait3A_250 = arith.constant 0 : i32
    %dma_wait3A_251 = tpu.memref_slice %arg2[%dma_wait3A_249, %dma_wait3A_250] : memref<10000x256xf32, #tpu.memory_space<hbm>> -> memref<32x256xf32, #tpu.memory_space<hbm>>
    %dma_wait3A_252 = arith.constant 0 : i32
    %dma_wait3A_253 = arith.constant 0 : i32
    %dma_wait3A_254 = tpu.memref_slice %arg16[%dma_wait3A_252, %dma_wait3A_253] : memref<64x256xf32, #tpu.memory_space<vmem>> -> memref<32x256xf32, #tpu.memory_space<vmem>>
    %dma_wait3A_255 = arith.constant 0 : i32
    %dma_wait3A_256 = arith.constant 0 : i32
    %dma_wait3A_257 = tpu.memref_slice %arg2[%dma_wait3A_255, %dma_wait3A_256] : memref<10000x256xf32, #tpu.memory_space<hbm>> -> memref<32x256xf32, #tpu.memory_space<hbm>>
    tpu.wait_dma2 semaphore(%arg21 : memref<!tpu.dma_semaphore, #tpu.memory_space<semaphore_mem>>) src(%dma_wait3A_257 : memref<32x256xf32, #tpu.memory_space<hbm>>) dst(%dma_wait3A_254 : memref<32x256xf32, #tpu.memory_space<vmem>>)
    %dma_wait3A_258 = arith.constant 0 : i32
    %dma_wait3A_259 = arith.constant 0 : i32
    %dma_wait3A_260 = tpu.memref_slice %arg17[%dma_wait3A_258, %dma_wait3A_259] : memref<64x256xf32, #tpu.memory_space<vmem>> -> memref<32x256xf32, #tpu.memory_space<vmem>>
    %dma_wait3A_261 = arith.constant 0 : i32
    %dma_wait3A_262 = arith.constant 0 : i32
    %dma_wait3A_263 = tpu.memref_slice %arg3[%dma_wait3A_261, %dma_wait3A_262] : memref<200x256xf32, #tpu.memory_space<hbm>> -> memref<32x256xf32, #tpu.memory_space<hbm>>
    %dma_wait3A_264 = arith.constant 0 : i32
    %dma_wait3A_265 = arith.constant 0 : i32
    %dma_wait3A_266 = tpu.memref_slice %arg17[%dma_wait3A_264, %dma_wait3A_265] : memref<64x256xf32, #tpu.memory_space<vmem>> -> memref<32x256xf32, #tpu.memory_space<vmem>>
    %dma_wait3A_267 = arith.constant 0 : i32
    %dma_wait3A_268 = arith.constant 0 : i32
    %dma_wait3A_269 = tpu.memref_slice %arg3[%dma_wait3A_267, %dma_wait3A_268] : memref<200x256xf32, #tpu.memory_space<hbm>> -> memref<32x256xf32, #tpu.memory_space<hbm>>
    tpu.wait_dma2 semaphore(%arg22 : memref<!tpu.dma_semaphore, #tpu.memory_space<semaphore_mem>>) src(%dma_wait3A_269 : memref<32x256xf32, #tpu.memory_space<hbm>>) dst(%dma_wait3A_266 : memref<32x256xf32, #tpu.memory_space<vmem>>)
    %sub3A_270 = arith.constant 1 : i32
    %sub3A_271 = arith.subi %sub3A_270, %sub3A_245 : i32
    %mul3A_272 = arith.constant 32 : i32
    %mul3A_273 = arith.muli %sub3A_271, %mul3A_272 : i32
    %scan3A_274 = arith.constant 0 : i32
    %scan3A_275 = arith.constant 0 : i32
    %scan3A_276 = arith.constant 32 : i32
    %scan3A_277 = arith.addi %scan3A_275, %scan3A_276 : i32
    %scan3A_278 = arith.constant 1 : i32
    scf.for %scan3A_282 = %scan3A_275 to %scan3A_277 step %scan3A_278  : i32 {
      %add3A_283 = arith.addi %mul3A_273, %scan3A_282 : i32
      %get3A_284 = arith.index_cast %add3A_283 : i32 to index
      %get3A_285 = tpu.vector_load %arg15[%get3A_284] {strides = array<i32>} : memref<80xf32, #tpu.memory_space<vmem>>, vector<16xf32>,
      %slice3A = vector.extract_strided_slice %get3A_285 {offsets = [0], sizes = [1], strides = [1]} : vector<16xf32> to vector<1xf32>
      %squeeze3A = vector.extract %slice3A[0] : f32 from vector<1xf32>
      %add3A_286 = arith.addi %mul3A_273, %scan3A_282 : i32
      %get3A_287 = arith.index_cast %add3A_286 : i32 to index
      %get3A_288 = tpu.vector_load %arg14[%get3A_287] {strides = array<i32>} : memref<80xi32, #tpu.memory_space<vmem>>, vector<16xi32>,
      %slice3A_289 = vector.extract_strided_slice %get3A_288 {offsets = [0], sizes = [1], strides = [1]} : vector<16xi32> to vector<1xi32>
      %squeeze3A_290 = vector.extract %slice3A_289[0] : i32 from vector<1xi32>
      %broadcast_in_dim3A_291 = vector.broadcast %squeeze3A : f32 to vector<16xf32>
      %add3A_292 = arith.addi %mul3A_273, %scan3A_282 : i32
      %get3A_293 = arith.index_cast %add3A_292 : i32 to index
      %get3A_294 = arith.constant 0 : index
      %get3A_295 = tpu.vector_load %arg16[%get3A_293, %get3A_294] {strides = array<i32>} : memref<64x256xf32, #tpu.memory_space<vmem>>, vector<16xf32>,
      %add3A_296 = arith.addi %mul3A_273, %scan3A_282 : i32
      %get3A_297 = arith.index_cast %add3A_296 : i32 to index
      %get3A_298 = arith.constant 0 : index
      %get3A_299 = tpu.vector_load %arg17[%get3A_297, %get3A_298] {strides = array<i32>} : memref<64x256xf32, #tpu.memory_space<vmem>>, vector<16xf32>,
      %sub3A_300 = arith.subf %get3A_295, %get3A_299 : vector<16xf32>
      %mul3A_301 = arith.mulf %sub3A_300, %broadcast_in_dim3A_291 : vector<16xf32>
      %swap3A_302 = arith.index_cast %squeeze3A_290 : i32 to index
      %swap3A_303 = arith.constant 0 : index
      %swap3A_304 = tpu.vector_load %arg18[%swap3A_302, %swap3A_303] {strides = array<i32>} : memref<336x256xf32, #tpu.memory_space<vmem>>, vector<16xf32>,
      tpu.vector_store %arg18[%swap3A_302, %swap3A_303], %mul3A_301 {add = true, strides = array<i32>} : memref<336x256xf32, #tpu.memory_space<vmem>>, vector<16xf32>,
      %add3A_305 = arith.addi %mul3A_273, %scan3A_282 : i32
      %get3A_306 = arith.index_cast %add3A_305 : i32 to index
      %get3A_307 = arith.constant 16 : index
      %get3A_308 = tpu.vector_load %arg16[%get3A_306, %get3A_307] {strides = array<i32>} : memref<64x256xf32, #tpu.memory_space<vmem>>, vector<16xf32>,
      %add3A_309 = arith.addi %mul3A_273, %scan3A_282 : i32
      %get3A_310 = arith.index_cast %add3A_309 : i32 to index
      %get3A_311 = arith.constant 16 : index
      %get3A_312 = tpu.vector_load %arg17[%get3A_310, %get3A_311] {strides = array<i32>} : memref<64x256xf32, #tpu.memory_space<vmem>>, vector<16xf32>,
      %sub3A_313 = arith.subf %get3A_308, %get3A_312 : vector<16xf32>
      %mul3A_314 = arith.mulf %sub3A_313, %broadcast_in_dim3A_291 : vector<16xf32>
      %swap3A_315 = arith.index_cast %squeeze3A_290 : i32 to index
      %swap3A_316 = arith.constant 16 : index
      %swap3A_317 = tpu.vector_load %arg18[%swap3A_315, %swap3A_316] {strides = array<i32>} : memref<336x256xf32, #tpu.memory_space<vmem>>, vector<16xf32>,
      tpu.vector_store %arg18[%swap3A_315, %swap3A_316], %mul3A_314 {add = true, strides = array<i32>} : memref<336x256xf32, #tpu.memory_space<vmem>>, vector<16xf32>,
      %add3A_318 = arith.addi %mul3A_273, %scan3A_282 : i32
      %get3A_319 = arith.index_cast %add3A_318 : i32 to index
      %get3A_320 = arith.constant 32 : index
      %get3A_321 = tpu.vector_load %arg16[%get3A_319, %get3A_320] {strides = array<i32>} : memref<64x256xf32, #tpu.memory_space<vmem>>, vector<16xf32>,
      %add3A_322 = arith.addi %mul3A_273, %scan3A_282 : i32
      %get3A_323 = arith.index_cast %add3A_322 : i32 to index
      %get3A_324 = arith.constant 32 : index
      %get3A_325 = tpu.vector_load %arg17[%get3A_323, %get3A_324] {strides = array<i32>} : memref<64x256xf32, #tpu.memory_space<vmem>>, vector<16xf32>,
      %sub3A_326 = arith.subf %get3A_321, %get3A_325 : vector<16xf32>
      %mul3A_327 = arith.mulf %sub3A_326, %broadcast_in_dim3A_291 : vector<16xf32>
      %swap3A_328 = arith.index_cast %squeeze3A_290 : i32 to index
      %swap3A_329 = arith.constant 32 : index
      %swap3A_330 = tpu.vector_load %arg18[%swap3A_328, %swap3A_329] {strides = array<i32>} : memref<336x256xf32, #tpu.memory_space<vmem>>, vector<16xf32>,
      tpu.vector_store %arg18[%swap3A_328, %swap3A_329], %mul3A_327 {add = true, strides = array<i32>} : memref<336x256xf32, #tpu.memory_space<vmem>>, vector<16xf32>,
      %add3A_331 = arith.addi %mul3A_273, %scan3A_282 : i32
      %get3A_332 = arith.index_cast %add3A_331 : i32 to index
      %get3A_333 = arith.constant 48 : index
      %get3A_334 = tpu.vector_load %arg16[%get3A_332, %get3A_333] {strides = array<i32>} : memref<64x256xf32, #tpu.memory_space<vmem>>, vector<16xf32>,
      %add3A_335 = arith.addi %mul3A_273, %scan3A_282 : i32
      %get3A_336 = arith.index_cast %add3A_335 : i32 to index
      %get3A_337 = arith.constant 48 : index
      %get3A_338 = tpu.vector_load %arg17[%get3A_336, %get3A_337] {strides = array<i32>} : memref<64x256xf32, #tpu.memory_space<vmem>>, vector<16xf32>,
      %sub3A_339 = arith.subf %get3A_334, %get3A_338 : vector<16xf32>
      %mul3A_340 = arith.mulf %sub3A_339, %broadcast_in_dim3A_291 : vector<16xf32>
      %swap3A_341 = arith.index_cast %squeeze3A_290 : i32 to index
      %swap3A_342 = arith.constant 48 : index
      %swap3A_343 = tpu.vector_load %arg18[%swap3A_341, %swap3A_342] {strides = array<i32>} : memref<336x256xf32, #tpu.memory_space<vmem>>, vector<16xf32>,
      tpu.vector_store %arg18[%swap3A_341, %swap3A_342], %mul3A_340 {add = true, strides = array<i32>} : memref<336x256xf32, #tpu.memory_space<vmem>>, vector<16xf32>,
      %add3A_344 = arith.addi %mul3A_273, %scan3A_282 : i32
      %get3A_345 = arith.index_cast %add3A_344 : i32 to index
      %get3A_346 = arith.constant 64 : index
      %get3A_347 = tpu.vector_load %arg16[%get3A_345, %get3A_346] {strides = array<i32>} : memref<64x256xf32, #tpu.memory_space<vmem>>, vector<16xf32>,
      %add3A_348 = arith.addi %mul3A_273, %scan3A_282 : i32
      %get3A_349 = arith.index_cast %add3A_348 : i32 to index
      %get3A_350 = arith.constant 64 : index
      %get3A_351 = tpu.vector_load %arg17[%get3A_349, %get3A_350] {strides = array<i32>} : memref<64x256xf32, #tpu.memory_space<vmem>>, vector<16xf32>,
      %sub3A_352 = arith.subf %get3A_347, %get3A_351 : vector<16xf32>
      %mul3A_353 = arith.mulf %sub3A_352, %broadcast_in_dim3A_291 : vector<16xf32>
      %swap3A_354 = arith.index_cast %squeeze3A_290 : i32 to index
      %swap3A_355 = arith.constant 64 : index
      %swap3A_356 = tpu.vector_load %arg18[%swap3A_354, %swap3A_355] {strides = array<i32>} : memref<336x256xf32, #tpu.memory_space<vmem>>, vector<16xf32>,
      tpu.vector_store %arg18[%swap3A_354, %swap3A_355], %mul3A_353 {add = true, strides = array<i32>} : memref<336x256xf32, #tpu.memory_space<vmem>>, vector<16xf32>,
      %add3A_357 = arith.addi %mul3A_273, %scan3A_282 : i32
      %get3A_358 = arith.index_cast %add3A_357 : i32 to index
      %get3A_359 = arith.constant 80 : index
      %get3A_360 = tpu.vector_load %arg16[%get3A_358, %get3A_359] {strides = array<i32>} : memref<64x256xf32, #tpu.memory_space<vmem>>, vector<16xf32>,
      %add3A_361 = arith.addi %mul3A_273, %scan3A_282 : i32
      %get3A_362 = arith.index_cast %add3A_361 : i32 to index
      %get3A_363 = arith.constant 80 : index
      %get3A_364 = tpu.vector_load %arg17[%get3A_362, %get3A_363] {strides = array<i32>} : memref<64x256xf32, #tpu.memory_space<vmem>>, vector<16xf32>,
      %sub3A_365 = arith.subf %get3A_360, %get3A_364 : vector<16xf32>
      %mul3A_366 = arith.mulf %sub3A_365, %broadcast_in_dim3A_291 : vector<16xf32>
      %swap3A_367 = arith.index_cast %squeeze3A_290 : i32 to index
      %swap3A_368 = arith.constant 80 : index
      %swap3A_369 = tpu.vector_load %arg18[%swap3A_367, %swap3A_368] {strides = array<i32>} : memref<336x256xf32, #tpu.memory_space<vmem>>, vector<16xf32>,
      tpu.vector_store %arg18[%swap3A_367, %swap3A_368], %mul3A_366 {add = true, strides = array<i32>} : memref<336x256xf32, #tpu.memory_space<vmem>>, vector<16xf32>,
      %add3A_370 = arith.addi %mul3A_273, %scan3A_282 : i32
      %get3A_371 = arith.index_cast %add3A_370 : i32 to index
      %get3A_372 = arith.constant 96 : index
      %get3A_373 = tpu.vector_load %arg16[%get3A_371, %get3A_372] {strides = array<i32>} : memref<64x256xf32, #tpu.memory_space<vmem>>, vector<16xf32>,
      %add3A_374 = arith.addi %mul3A_273, %scan3A_282 : i32
      %get3A_375 = arith.index_cast %add3A_374 : i32 to index
      %get3A_376 = arith.constant 96 : index
      %get3A_377 = tpu.vector_load %arg17[%get3A_375, %get3A_376] {strides = array<i32>} : memref<64x256xf32, #tpu.memory_space<vmem>>, vector<16xf32>,
      %sub3A_378 = arith.subf %get3A_373, %get3A_377 : vector<16xf32>
      %mul3A_379 = arith.mulf %sub3A_378, %broadcast_in_dim3A_291 : vector<16xf32>
      %swap3A_380 = arith.index_cast %squeeze3A_290 : i32 to index
      %swap3A_381 = arith.constant 96 : index
      %swap3A_382 = tpu.vector_load %arg18[%swap3A_380, %swap3A_381] {strides = array<i32>} : memref<336x256xf32, #tpu.memory_space<vmem>>, vector<16xf32>,
      tpu.vector_store %arg18[%swap3A_380, %swap3A_381], %mul3A_379 {add = true, strides = array<i32>} : memref<336x256xf32, #tpu.memory_space<vmem>>, vector<16xf32>,
      %add3A_383 = arith.addi %mul3A_273, %scan3A_282 : i32
      %get3A_384 = arith.index_cast %add3A_383 : i32 to index
      %get3A_385 = arith.constant 112 : index
      %get3A_386 = tpu.vector_load %arg16[%get3A_384, %get3A_385] {strides = array<i32>} : memref<64x256xf32, #tpu.memory_space<vmem>>, vector<16xf32>,
      %add3A_387 = arith.addi %mul3A_273, %scan3A_282 : i32
      %get3A_388 = arith.index_cast %add3A_387 : i32 to index
      %get3A_389 = arith.constant 112 : index
      %get3A_390 = tpu.vector_load %arg17[%get3A_388, %get3A_389] {strides = array<i32>} : memref<64x256xf32, #tpu.memory_space<vmem>>, vector<16xf32>,
      %sub3A_391 = arith.subf %get3A_386, %get3A_390 : vector<16xf32>
      %mul3A_392 = arith.mulf %sub3A_391, %broadcast_in_dim3A_291 : vector<16xf32>
      %swap3A_393 = arith.index_cast %squeeze3A_290 : i32 to index
      %swap3A_394 = arith.constant 112 : index
      %swap3A_395 = tpu.vector_load %arg18[%swap3A_393, %swap3A_394] {strides = array<i32>} : memref<336x256xf32, #tpu.memory_space<vmem>>, vector<16xf32>,
      tpu.vector_store %arg18[%swap3A_393, %swap3A_394], %mul3A_392 {add = true, strides = array<i32>} : memref<336x256xf32, #tpu.memory_space<vmem>>, vector<16xf32>,
      %add3A_396 = arith.addi %mul3A_273, %scan3A_282 : i32
      %get3A_397 = arith.index_cast %add3A_396 : i32 to index
      %get3A_398 = arith.constant 128 : index
      %get3A_399 = tpu.vector_load %arg16[%get3A_397, %get3A_398] {strides = array<i32>} : memref<64x256xf32, #tpu.memory_space<vmem>>, vector<16xf32>,
      %add3A_400 = arith.addi %mul3A_273, %scan3A_282 : i32
      %get3A_401 = arith.index_cast %add3A_400 : i32 to index
      %get3A_402 = arith.constant 128 : index
      %get3A_403 = tpu.vector_load %arg17[%get3A_401, %get3A_402] {strides = array<i32>} : memref<64x256xf32, #tpu.memory_space<vmem>>, vector<16xf32>,
      %sub3A_404 = arith.subf %get3A_399, %get3A_403 : vector<16xf32>
      %mul3A_405 = arith.mulf %sub3A_404, %broadcast_in_dim3A_291 : vector<16xf32>
      %swap3A_406 = arith.index_cast %squeeze3A_290 : i32 to index
      %swap3A_407 = arith.constant 128 : index
      %swap3A_408 = tpu.vector_load %arg18[%swap3A_406, %swap3A_407] {strides = array<i32>} : memref<336x256xf32, #tpu.memory_space<vmem>>, vector<16xf32>,
      tpu.vector_store %arg18[%swap3A_406, %swap3A_407], %mul3A_405 {add = true, strides = array<i32>} : memref<336x256xf32, #tpu.memory_space<vmem>>, vector<16xf32>,
      %add3A_409 = arith.addi %mul3A_273, %scan3A_282 : i32
      %get3A_410 = arith.index_cast %add3A_409 : i32 to index
      %get3A_411 = arith.constant 144 : index
      %get3A_412 = tpu.vector_load %arg16[%get3A_410, %get3A_411] {strides = array<i32>} : memref<64x256xf32, #tpu.memory_space<vmem>>, vector<16xf32>,
      %add3A_413 = arith.addi %mul3A_273, %scan3A_282 : i32
      %get3A_414 = arith.index_cast %add3A_413 : i32 to index
      %get3A_415 = arith.constant 144 : index
      %get3A_416 = tpu.vector_load %arg17[%get3A_414, %get3A_415] {strides = array<i32>} : memref<64x256xf32, #tpu.memory_space<vmem>>, vector<16xf32>,
      %sub3A_417 = arith.subf %get3A_412, %get3A_416 : vector<16xf32>
      %mul3A_418 = arith.mulf %sub3A_417, %broadcast_in_dim3A_291 : vector<16xf32>
      %swap3A_419 = arith.index_cast %squeeze3A_290 : i32 to index
      %swap3A_420 = arith.constant 144 : index
      %swap3A_421 = tpu.vector_load %arg18[%swap3A_419, %swap3A_420] {strides = array<i32>} : memref<336x256xf32, #tpu.memory_space<vmem>>, vector<16xf32>,
      tpu.vector_store %arg18[%swap3A_419, %swap3A_420], %mul3A_418 {add = true, strides = array<i32>} : memref<336x256xf32, #tpu.memory_space<vmem>>, vector<16xf32>,
      %add3A_422 = arith.addi %mul3A_273, %scan3A_282 : i32
      %get3A_423 = arith.index_cast %add3A_422 : i32 to index
      %get3A_424 = arith.constant 160 : index
      %get3A_425 = tpu.vector_load %arg16[%get3A_423, %get3A_424] {strides = array<i32>} : memref<64x256xf32, #tpu.memory_space<vmem>>, vector<16xf32>,
      %add3A_426 = arith.addi %mul3A_273, %scan3A_282 : i32
      %get3A_427 = arith.index_cast %add3A_426 : i32 to index
      %get3A_428 = arith.constant 160 : index
      %get3A_429 = tpu.vector_load %arg17[%get3A_427, %get3A_428] {strides = array<i32>} : memref<64x256xf32, #tpu.memory_space<vmem>>, vector<16xf32>,
      %sub3A_430 = arith.subf %get3A_425, %get3A_429 : vector<16xf32>
      %mul3A_431 = arith.mulf %sub3A_430, %broadcast_in_dim3A_291 : vector<16xf32>
      %swap3A_432 = arith.index_cast %squeeze3A_290 : i32 to index
      %swap3A_433 = arith.constant 160 : index
      %swap3A_434 = tpu.vector_load %arg18[%swap3A_432, %swap3A_433] {strides = array<i32>} : memref<336x256xf32, #tpu.memory_space<vmem>>, vector<16xf32>,
      tpu.vector_store %arg18[%swap3A_432, %swap3A_433], %mul3A_431 {add = true, strides = array<i32>} : memref<336x256xf32, #tpu.memory_space<vmem>>, vector<16xf32>,
      %add3A_435 = arith.addi %mul3A_273, %scan3A_282 : i32
      %get3A_436 = arith.index_cast %add3A_435 : i32 to index
      %get3A_437 = arith.constant 176 : index
      %get3A_438 = tpu.vector_load %arg16[%get3A_436, %get3A_437] {strides = array<i32>} : memref<64x256xf32, #tpu.memory_space<vmem>>, vector<16xf32>,
      %add3A_439 = arith.addi %mul3A_273, %scan3A_282 : i32
      %get3A_440 = arith.index_cast %add3A_439 : i32 to index
      %get3A_441 = arith.constant 176 : index
      %get3A_442 = tpu.vector_load %arg17[%get3A_440, %get3A_441] {strides = array<i32>} : memref<64x256xf32, #tpu.memory_space<vmem>>, vector<16xf32>,
      %sub3A_443 = arith.subf %get3A_438, %get3A_442 : vector<16xf32>
      %mul3A_444 = arith.mulf %sub3A_443, %broadcast_in_dim3A_291 : vector<16xf32>
      %swap3A_445 = arith.index_cast %squeeze3A_290 : i32 to index
      %swap3A_446 = arith.constant 176 : index
      %swap3A_447 = tpu.vector_load %arg18[%swap3A_445, %swap3A_446] {strides = array<i32>} : memref<336x256xf32, #tpu.memory_space<vmem>>, vector<16xf32>,
      tpu.vector_store %arg18[%swap3A_445, %swap3A_446], %mul3A_444 {add = true, strides = array<i32>} : memref<336x256xf32, #tpu.memory_space<vmem>>, vector<16xf32>,
      %add3A_448 = arith.addi %mul3A_273, %scan3A_282 : i32
      %get3A_449 = arith.index_cast %add3A_448 : i32 to index
      %get3A_450 = arith.constant 192 : index
      %get3A_451 = tpu.vector_load %arg16[%get3A_449, %get3A_450] {strides = array<i32>} : memref<64x256xf32, #tpu.memory_space<vmem>>, vector<16xf32>,
      %add3A_452 = arith.addi %mul3A_273, %scan3A_282 : i32
      %get3A_453 = arith.index_cast %add3A_452 : i32 to index
      %get3A_454 = arith.constant 192 : index
      %get3A_455 = tpu.vector_load %arg17[%get3A_453, %get3A_454] {strides = array<i32>} : memref<64x256xf32, #tpu.memory_space<vmem>>, vector<16xf32>,
      %sub3A_456 = arith.subf %get3A_451, %get3A_455 : vector<16xf32>
      %mul3A_457 = arith.mulf %sub3A_456, %broadcast_in_dim3A_291 : vector<16xf32>
      %swap3A_458 = arith.index_cast %squeeze3A_290 : i32 to index
      %swap3A_459 = arith.constant 192 : index
      %swap3A_460 = tpu.vector_load %arg18[%swap3A_458, %swap3A_459] {strides = array<i32>} : memref<336x256xf32, #tpu.memory_space<vmem>>, vector<16xf32>,
      tpu.vector_store %arg18[%swap3A_458, %swap3A_459], %mul3A_457 {add = true, strides = array<i32>} : memref<336x256xf32, #tpu.memory_space<vmem>>, vector<16xf32>,
      %add3A_461 = arith.addi %mul3A_273, %scan3A_282 : i32
      %get3A_462 = arith.index_cast %add3A_461 : i32 to index
      %get3A_463 = arith.constant 208 : index
      %get3A_464 = tpu.vector_load %arg16[%get3A_462, %get3A_463] {strides = array<i32>} : memref<64x256xf32, #tpu.memory_space<vmem>>, vector<16xf32>,
      %add3A_465 = arith.addi %mul3A_273, %scan3A_282 : i32
      %get3A_466 = arith.index_cast %add3A_465 : i32 to index
      %get3A_467 = arith.constant 208 : index
      %get3A_468 = tpu.vector_load %arg17[%get3A_466, %get3A_467] {strides = array<i32>} : memref<64x256xf32, #tpu.memory_space<vmem>>, vector<16xf32>,
      %sub3A_469 = arith.subf %get3A_464, %get3A_468 : vector<16xf32>
      %mul3A_470 = arith.mulf %sub3A_469, %broadcast_in_dim3A_291 : vector<16xf32>
      %swap3A_471 = arith.index_cast %squeeze3A_290 : i32 to index
      %swap3A_472 = arith.constant 208 : index
      %swap3A_473 = tpu.vector_load %arg18[%swap3A_471, %swap3A_472] {strides = array<i32>} : memref<336x256xf32, #tpu.memory_space<vmem>>, vector<16xf32>,
      tpu.vector_store %arg18[%swap3A_471, %swap3A_472], %mul3A_470 {add = true, strides = array<i32>} : memref<336x256xf32, #tpu.memory_space<vmem>>, vector<16xf32>,
      %add3A_474 = arith.addi %mul3A_273, %scan3A_282 : i32
      %get3A_475 = arith.index_cast %add3A_474 : i32 to index
      %get3A_476 = arith.constant 224 : index
      %get3A_477 = tpu.vector_load %arg16[%get3A_475, %get3A_476] {strides = array<i32>} : memref<64x256xf32, #tpu.memory_space<vmem>>, vector<16xf32>,
      %add3A_478 = arith.addi %mul3A_273, %scan3A_282 : i32
      %get3A_479 = arith.index_cast %add3A_478 : i32 to index
      %get3A_480 = arith.constant 224 : index
      %get3A_481 = tpu.vector_load %arg17[%get3A_479, %get3A_480] {strides = array<i32>} : memref<64x256xf32, #tpu.memory_space<vmem>>, vector<16xf32>,
      %sub3A_482 = arith.subf %get3A_477, %get3A_481 : vector<16xf32>
      %mul3A_483 = arith.mulf %sub3A_482, %broadcast_in_dim3A_291 : vector<16xf32>
      %swap3A_484 = arith.index_cast %squeeze3A_290 : i32 to index
      %swap3A_485 = arith.constant 224 : index
      %swap3A_486 = tpu.vector_load %arg18[%swap3A_484, %swap3A_485] {strides = array<i32>} : memref<336x256xf32, #tpu.memory_space<vmem>>, vector<16xf32>,
      tpu.vector_store %arg18[%swap3A_484, %swap3A_485], %mul3A_483 {add = true, strides = array<i32>} : memref<336x256xf32, #tpu.memory_space<vmem>>, vector<16xf32>,
      %add3A_487 = arith.addi %mul3A_273, %scan3A_282 : i32
      %get3A_488 = arith.index_cast %add3A_487 : i32 to index
      %get3A_489 = arith.constant 240 : index
      %get3A_490 = tpu.vector_load %arg16[%get3A_488, %get3A_489] {strides = array<i32>} : memref<64x256xf32, #tpu.memory_space<vmem>>, vector<16xf32>,
      %add3A_491 = arith.addi %mul3A_273, %scan3A_282 : i32
      %get3A_492 = arith.index_cast %add3A_491 : i32 to index
      %get3A_493 = arith.constant 240 : index
      %get3A_494 = tpu.vector_load %arg17[%get3A_492, %get3A_493] {strides = array<i32>} : memref<64x256xf32, #tpu.memory_space<vmem>>, vector<16xf32>,
      %sub3A_495 = arith.subf %get3A_490, %get3A_494 : vector<16xf32>
      %mul3A_496 = arith.mulf %sub3A_495, %broadcast_in_dim3A_291 : vector<16xf32>
      %swap3A_497 = arith.index_cast %squeeze3A_290 : i32 to index
      %swap3A_498 = arith.constant 240 : index
      %swap3A_499 = tpu.vector_load %arg18[%swap3A_497, %swap3A_498] {strides = array<i32>} : memref<336x256xf32, #tpu.memory_space<vmem>>, vector<16xf32>,
      tpu.vector_store %arg18[%swap3A_497, %swap3A_498], %mul3A_496 {add = true, strides = array<i32>} : memref<336x256xf32, #tpu.memory_space<vmem>>, vector<16xf32>,
    }
    %scan3A_279 = arith.constant 32 : i32
    "tpu.region"() ({
      %run_scoped3A = tpu.sem_alloc : memref<!tpu.dma_semaphore, #tpu.memory_space<semaphore_mem>>
      %dma_start3A_282 = arith.constant 0 : i32
      %dma_start3A_283 = arith.constant 0 : i32
      %dma_start3A_284 = tpu.memref_slice %arg18[%dma_start3A_282, %dma_start3A_283] : memref<336x256xf32, #tpu.memory_space<vmem>> -> memref<312x256xf32, #tpu.memory_space<vmem>>
      %dma_start3A_285 = arith.constant 0 : i32
      %dma_start3A_286 = tpu.memref_slice %arg5[%mul3A_2, %dma_start3A_285] : memref<10000x256xf32, #tpu.memory_space<hbm>> -> memref<312x256xf32, #tpu.memory_space<hbm>>
      %dma_start3A_287 = arith.constant 0 : i32
      %dma_start3A_288 = tpu.memref_slice %arg5[%mul3A_2, %dma_start3A_287] : memref<10000x256xf32, #tpu.memory_space<hbm>> -> memref<312x256xf32, #tpu.memory_space<hbm>>
      %dma_start3A_289 = arith.constant 0 : i32
      %dma_start3A_290 = arith.constant 0 : i32
      %dma_start3A_291 = tpu.memref_slice %arg18[%dma_start3A_289, %dma_start3A_290] : memref<336x256xf32, #tpu.memory_space<vmem>> -> memref<312x256xf32, #tpu.memory_space<vmem>>
      tpu.enqueue_dma source(%dma_start3A_291 : memref<312x256xf32, #tpu.memory_space<vmem>>) target(%dma_start3A_288 : memref<312x256xf32, #tpu.memory_space<hbm>>) target_semaphore(%run_scoped3A : memref<!tpu.dma_semaphore, #tpu.memory_space<semaphore_mem>>)
      %dma_wait3A_292 = arith.constant 0 : i32
      %dma_wait3A_293 = arith.constant 0 : i32
      %dma_wait3A_294 = tpu.memref_slice %arg18[%dma_wait3A_292, %dma_wait3A_293] : memref<336x256xf32, #tpu.memory_space<vmem>> -> memref<312x256xf32, #tpu.memory_space<vmem>>
      %dma_wait3A_295 = arith.constant 0 : i32
      %dma_wait3A_296 = tpu.memref_slice %arg5[%mul3A_2, %dma_wait3A_295] : memref<10000x256xf32, #tpu.memory_space<hbm>> -> memref<312x256xf32, #tpu.memory_space<hbm>>
      %dma_wait3A_297 = arith.constant 0 : i32
      %dma_wait3A_298 = tpu.memref_slice %arg5[%mul3A_2, %dma_wait3A_297] : memref<10000x256xf32, #tpu.memory_space<hbm>> -> memref<312x256xf32, #tpu.memory_space<hbm>>
      %dma_wait3A_299 = arith.constant 0 : i32
      %dma_wait3A_300 = arith.constant 0 : i32
      %dma_wait3A_301 = tpu.memref_slice %arg18[%dma_wait3A_299, %dma_wait3A_300] : memref<336x256xf32, #tpu.memory_space<vmem>> -> memref<312x256xf32, #tpu.memory_space<vmem>>
      tpu.wait_dma2 semaphore(%run_scoped3A : memref<!tpu.dma_semaphore, #tpu.memory_space<semaphore_mem>>) src(%dma_wait3A_301 : memref<312x256xf32, #tpu.memory_space<vmem>>) dst(%dma_wait3A_298 : memref<312x256xf32, #tpu.memory_space<hbm>>)
      tpu.yield
    }) : () -> ()
    %eq3A = arith.constant 31 : i32
    %eq3A_280 = arith.cmpi eq, %add3A, %eq3A : i32
    %convert_element_type3A = arith.extui %eq3A_280 : i1 to i32
    %cond3A = arith.constant 0 : i32
    %cond3A_281 = arith.cmpi ne, %convert_element_type3A, %cond3A : i32
    scf.if %cond3A_281 {
      "tpu.region"() ({
        %run_scoped3A = tpu.sem_alloc : memref<!tpu.dma_semaphore, #tpu.memory_space<semaphore_mem>>
        %dma_start3A_282 = arith.constant 312 : i32
        %dma_start3A_283 = arith.constant 0 : i32
        %dma_start3A_284 = tpu.memref_slice %arg18[%dma_start3A_282, %dma_start3A_283] : memref<336x256xf32, #tpu.memory_space<vmem>> -> memref<16x256xf32, #tpu.memory_space<vmem>>
        %dma_start3A_285 = arith.constant 9984 : i32
        %dma_start3A_286 = arith.constant 0 : i32
        %dma_start3A_287 = tpu.memref_slice %arg5[%dma_start3A_285, %dma_start3A_286] : memref<10000x256xf32, #tpu.memory_space<hbm>> -> memref<16x256xf32, #tpu.memory_space<hbm>>
        %dma_start3A_288 = arith.constant 9984 : i32
        %dma_start3A_289 = arith.constant 0 : i32
        %dma_start3A_290 = tpu.memref_slice %arg5[%dma_start3A_288, %dma_start3A_289] : memref<10000x256xf32, #tpu.memory_space<hbm>> -> memref<16x256xf32, #tpu.memory_space<hbm>>
        %dma_start3A_291 = arith.constant 312 : i32
        %dma_start3A_292 = arith.constant 0 : i32
        %dma_start3A_293 = tpu.memref_slice %arg18[%dma_start3A_291, %dma_start3A_292] : memref<336x256xf32, #tpu.memory_space<vmem>> -> memref<16x256xf32, #tpu.memory_space<vmem>>
        tpu.enqueue_dma source(%dma_start3A_293 : memref<16x256xf32, #tpu.memory_space<vmem>>) target(%dma_start3A_290 : memref<16x256xf32, #tpu.memory_space<hbm>>) target_semaphore(%run_scoped3A : memref<!tpu.dma_semaphore, #tpu.memory_space<semaphore_mem>>)
        %dma_wait3A_294 = arith.constant 312 : i32
        %dma_wait3A_295 = arith.constant 0 : i32
        %dma_wait3A_296 = tpu.memref_slice %arg18[%dma_wait3A_294, %dma_wait3A_295] : memref<336x256xf32, #tpu.memory_space<vmem>> -> memref<16x256xf32, #tpu.memory_space<vmem>>
        %dma_wait3A_297 = arith.constant 9984 : i32
        %dma_wait3A_298 = arith.constant 0 : i32
        %dma_wait3A_299 = tpu.memref_slice %arg5[%dma_wait3A_297, %dma_wait3A_298] : memref<10000x256xf32, #tpu.memory_space<hbm>> -> memref<16x256xf32, #tpu.memory_space<hbm>>
        %dma_wait3A_300 = arith.constant 9984 : i32
        %dma_wait3A_301 = arith.constant 0 : i32
        %dma_wait3A_302 = tpu.memref_slice %arg5[%dma_wait3A_300, %dma_wait3A_301] : memref<10000x256xf32, #tpu.memory_space<hbm>> -> memref<16x256xf32, #tpu.memory_space<hbm>>
        %dma_wait3A_303 = arith.constant 312 : i32
        %dma_wait3A_304 = arith.constant 0 : i32
        %dma_wait3A_305 = tpu.memref_slice %arg18[%dma_wait3A_303, %dma_wait3A_304] : memref<336x256xf32, #tpu.memory_space<vmem>> -> memref<16x256xf32, #tpu.memory_space<vmem>>
        tpu.wait_dma2 semaphore(%run_scoped3A : memref<!tpu.dma_semaphore, #tpu.memory_space<semaphore_mem>>) src(%dma_wait3A_305 : memref<16x256xf32, #tpu.memory_space<vmem>>) dst(%dma_wait3A_302 : memref<16x256xf32, #tpu.memory_space<hbm>>)
        tpu.yield
      }) : () -> ()
    } else {
    }
    return
  }
}

</mosaic_0001>

<sc_bundles>
// kernel: kernel.3.cloned.1.call-start
scs
__scs_entry_jumppad:
0x0: {  	(pc) =	sbr.rel $0x88, $3  }
0x1: {  	(tag) =	ssettag $0x0;
	lr =	simm.s32 $0x1  }
0x2: {  	[smem:$0x3F9C] =	sst lr;
	_ =	strace $0xD0000000  }
0x3: {  	_ = 	snop  }
0x4: {  	_ = 	snop  }
0x5: {  	_ = 	snop  }
0x6: {  	_ = 	snop  }
0x7: {  	_ = 	snop  }
__scs_overlays_trampoline_lowered:
0x8: {  	[smem:$0x3FAB] =	sst s0  }
0x9: {  	[smem:$0x3FAC] =	sst s1  }
0xa: {  	[smem:$0x3FAD] =	sst s2  }
0xb: {  	[smem:$0x3FAE] =	sst s3  }
0xc: {  	[smem:$0x3FAF] =	sst s4  }
0xd: {  	[smem:$0x3FB0] =	sst s5  }
0xe: {  	[smem:$0x3FB1] =	sst s6  }
0xf: {  	[smem:$0x3FB2] =	sst s7  }
0x10: {  	[smem:$0x3FB3] =	sst s8  }
0x11: {  	[smem:$0x3FB4] =	sst s9;
	s0 =	simm.s32 @!p0 $0x0  }
0x12: {  	s1 =	sld [smem:$0x3F9A];
	s0 =	simm.s32 @p0 $0x1  }
0x13: {  	[smem:$0x3FB5] =	sst s0;
	s0 =	simm.s32 @!p1 $0x0  }
0x14: {  	s2 =	sld [smem:$0x3F99];
	s0 =	simm.s32 @p1 $0x1  }
0x15: {  	[smem:$0x3FB6] =	sst s0;
	s0 =	simm.s32 @!p2 $0x0  }
0x16: {  	s3 =	sld [smem:$0x3FDB];
	s0 =	simm.s32 @p2 $0x1  }
0x17: {  	s4 =	simm.s32 $0x1BF5;
	[smem:$0x3FB8] =	sst s0  }
0x18: {  	s0 =	sld [smem:$0x3F9B];
	_ =	swait.ge [sflag:s4], $0x0  }
0x19: {  	s7 =	sld [smem:$0x3F9C]  }
0x1a: {  	s8 =	sadd.s32 $0xFFFFE003, lr  }
0x1b: {  	s9 =	sadd.s32 $0xFFFFFEF7, lr;
	s5 =	simm.s32 $0xFFFFFFFF;
	p2 =	slt.u32 s8, $0xFFFFF086  }
0x1c: {  	p1 =	slt.u32 s9, $0xF7A;
	s5 =	simm.s32 @!p2 $0x0  }
0x1d: {  	s5 =	simm.s32 @p1 $0x1;
	p0 =	seq.s32 s7, s2  }
0x1e: {  	s7 =	smul.u32 @!p0 $0xF7A, s2;
	p2 =	seq.s32 @!p0 s5, $0x0  }
0x1f: {  	s9 =	smul.u32 $0xF7A, s1;
	s8 =	simm.s32 @!p0 $0x1BF5;
	p2 =	por !p2, p0  }
0x20: {  	[sflag:s8] =	ssyncset.s32 @!p0 $0xFFFFF086;
	s6 =	sadd.s32 @!p0 s3, s7;
	s7 =	simm.s32 @!p0 $0x108  }
0x21: {  	s3 =	sadd.s32 s3, s9;
	s6 =	sadd.s32 @!p0 $0x88, s6;
	s7 =	simm.s32 @p2 $0x1082  }
0x22: {  	[simem:s7], [sflag:s8] =	dma.local @!p0 [hbm:s6], $0xF7A  }
0x23: {  	s9 =	sor.u32 $0xD0000000, s2;
	s6 =	simm.s32 $0x108;
	_ =	swait.ge @!p0 [sflag:s8], $0x0  }
0x24: {  	s3 =	sadd.s32 $0x88, s3;
	s6 =	simm.s32 @!p1 $0x1082;
	[sflag:s4] =	ssyncset.s32 $0xFFFFF086  }
0x25: {  	[simem:s6], [sflag:s4] =	dma.local [hbm:s3], $0xF7A  }
0x26: {  	[smem:$0x3F9C] =	sst s1;
	(tag) =	ssettag s2;
	_ =	strace s9  }
0x27: {  	s1 =	sld [smem:$0x3FAC]  }
0x28: {  	s2 =	sld [smem:$0x3FAD]  }
0x29: {  	s4 =	sld [smem:$0x3FAF]  }
0x2a: {  	p0 =	seq.s32 s5, $0x0;
	s5 =	sld [smem:$0x3FB0]  }
0x2b: {  	s6 =	sld [smem:$0x3FB1]  }
0x2c: {  	s7 =	sld [smem:$0x3FB2]  }
0x2d: {  	s3 =	simm.s32 $0x108;
	s8 =	sld [smem:$0x3FB3]  }
0x2e: {  	s3 =	simm.s32 @!p0 $0x1082;
	s9 =	sld [smem:$0x3FB4]  }
0x2f: {  	lr =	sadd.s32 s0, s3;
	s0 =	sld [smem:$0x3FAB]  }
0x30: {  	s3 =	sld [smem:$0x3FAE]  }
0x31: {  	[smem:$0x3FB7] =	sst s10  }
0x32: {  	s10 =	sld [smem:$0x3FB5];
	_ =	sdelay $0x3  }
0x33: {  	p0 =	seq.s32 s10, $0x1;
	s10 =	sld [smem:$0x3FB7];
	_ =	sdelay $0x3  }
0x34: {  	[smem:$0x3FB7] =	sst s10  }
0x35: {  	s10 =	sld [smem:$0x3FB6];
	_ =	sdelay $0x3  }
0x36: {  	p1 =	seq.s32 s10, $0x1;
	s10 =	sld [smem:$0x3FB7];
	_ =	sdelay $0x3  }
0x37: {  	[smem:$0x3FB7] =	sst s10  }
0x38: {  	s10 =	sld [smem:$0x3FB8]  }
0x39: {  	_ = 	snop;
	(pc) =	sbr.ind lr, $3  }
0x3a: {  	_ = 	snop  }
0x3b: {  	_ = 	snop  }
0x3c: {  	p2 =	seq.s32 s10, $0x1;
	s10 =	sld [smem:$0x3FB7]  }
0x3d: {  	_ =	shalt  }
0x3e: {  	_ =	shalt  }
0x3f: {  	_ =	shalt  }
0x40: {  	_ =	shalt  }
0x41: {  	_ =	shalt  }
0x42: {  	_ =	shalt  }
0x43: {  	_ =	shalt  }
0x44: {  	_ =	shalt  }
0x45: {  	_ =	shalt  }
0x46: {  	_ =	shalt  }
0x47: {  	_ =	shalt  }
0x48: {  	_ =	shalt  }
0x49: {  	_ =	shalt  }
0x4a: {  	_ =	shalt  }
0x4b: {  	_ =	shalt  }
0x4c: {  	_ =	shalt  }
0x4d: {  	_ =	shalt  }
0x4e: {  	_ =	shalt  }
0x4f: {  	_ =	shalt  }
0x50: {  	_ =	shalt  }
0x51: {  	_ =	shalt  }
0x52: {  	_ =	shalt  }
0x53: {  	_ =	shalt  }
0x54: {  	_ =	shalt  }
0x55: {  	_ =	shalt  }
0x56: {  	_ =	shalt  }
0x57: {  	_ =	shalt  }
0x58: {  	_ =	shalt  }
0x59: {  	_ =	shalt  }
0x5a: {  	_ =	shalt  }
0x5b: {  	_ =	shalt  }
0x5c: {  	_ =	shalt  }
0x5d: {  	_ =	shalt  }
0x5e: {  	_ =	shalt  }
0x5f: {  	_ =	shalt  }
0x60: {  	_ =	shalt  }
0x61: {  	_ =	shalt  }
0x62: {  	_ =	shalt  }
0x63: {  	_ =	shalt  }
0x64: {  	_ =	shalt  }
0x65: {  	_ =	shalt  }
0x66: {  	_ =	shalt  }
0x67: {  	_ =	shalt  }
0x68: {  	_ =	shalt  }
0x69: {  	_ =	shalt  }
0x6a: {  	_ =	shalt  }
0x6b: {  	_ =	shalt  }
0x6c: {  	_ =	shalt  }
0x6d: {  	_ =	shalt  }
0x6e: {  	_ =	shalt  }
0x6f: {  	_ =	shalt  }
0x70: {  	_ =	shalt  }
0x71: {  	_ =	shalt  }
0x72: {  	_ =	shalt  }
0x73: {  	_ =	shalt  }
0x74: {  	_ =	shalt  }
0x75: {  	_ =	shalt  }
0x76: {  	_ =	shalt  }
0x77: {  	_ =	shalt  }
0x78: {  	_ =	shalt  }
0x79: {  	_ =	shalt  }
0x7a: {  	_ =	shalt  }
0x7b: {  	_ =	shalt  }
0x7c: {  	_ =	shalt  }
0x7d: {  	_ =	shalt  }
0x7e: {  	_ =	shalt  }
0x7f: {  	_ =	shalt  }
0x80: {  	_ =	shalt  }
0x81: {  	_ =	shalt  }
0x82: {  	_ =	shalt  }
0x83: {  	_ =	shalt  }
0x84: {  	_ =	shalt  }
0x85: {  	_ =	shalt  }
0x86: {  	_ =	shalt  }
0x87: {  	_ =	shalt  }
.Lfunc_end0:
.L_simem_size_0:
called_computation_lowered:
.L_overlay_start_0:
0x88: {  	s2 =	sld [smem:$0x3FD9]  }
0x89: {  	s3 =	sld [smem:$0x3FFE];
	_ =	sdelay $0x1  }
0x8a: {  	s1 =	srdreg.scid  }
0x8b: {  	s0 =	sand.u32 $0x1, s1  }
0x8c: {  	s17 =	sshll.u32 s0, $0xA;
	s2 =	sadd.s32 s3, s2  }
0x8d: {  	s2 =	sadd.s32 s2, s17  }
0x8e: {  	[smem:$0x3FC3] =	sst s2  }
0x8f: {  	_ = 	snop  }
0x90: {  	s2 =	sld [smem:$0x3FC7]  }
0x91: {  	s18 =	sld [smem:$0x3FC6]  }
0x92: {  	s4 =	sld [smem:$0x3FD0];
	(tm) =	ssettm $0x1  }
0x93: {  	s5 =	sld [smem:$0x3FFB];
	_ =	sdelay $0x3  }
0x94: {  	_ =	strace s5  }
0x95: {  	s5 =	sld [smem:$0x3FFC];
	_ =	sdelay $0x3  }
0x96: {  	_ =	strace s5  }
0x97: {  	s5 =	sld [smem:$0x3FFD];
	_ =	sdelay $0x3  }
0x98: {  	_ =	strace s5  }
0x99: {  	_ =	strace $0x8FFFFFFF  }
0x9a: {  	s19 =	sld [smem:$0x3FDB];
	_ =	sdelay $0x1  }
0x9b: {  	s6 =	simm.s32 $_scs_section_size  }
0x9c: {  	s7 =	simm.s32 $_size__tile_overlayer_lowered;
	s8 =	simm.s32 $_tile_overlayer_lowered  }
0x9d: {  	s22 =	simm.s32 $0x1BFF;
	s21 =	sshll.u32 s8, $0x1;
	s5 =	sadd.s32 s6, s19  }
0x9e: {  	s9 =	simm.s32 $0x0;
	s20 =	sshll.u32 s7, $0x1;
	s7 =	sadd.s32 s21, s5  }
0x9f: {  	[timem:s9], [sflag:s22] =	dma.local [hbm:s7], s20  }
0xa0: {  	_ =	swait.ge [sflag:s22], s20  }
0xa1: {  	s6 =	ssub.s32 $0x0, s20;
	[sflag:s22] =	ssyncset.done $0x0  }
0xa2: {  	[sflag:s22] =	ssyncadd.s32 s6;
	_ =	sdelay $0x1  }
0xa3: {  	s23 =	simm.s32 $0x1B8B  }
0xa4: {  	_ =	swait.ge [sflag:s23], $0x1  }
0xa5: {  	[sflag:s23] =	ssyncset.done $0x0  }
0xa6: {  	s25 =	simm.s32 $0x1B8E;
	s24 =	sld [smem:$0x3FFE];
	[sflag:s23] =	ssyncadd.s32 $0xFFFFFFFF  }
0xa7: {  	s26 =	simm.s32 $execute0_lowered;
	[smem:$0x3FD2] =	sst s25  }
0xa8: {  	s7 =	sshll.u32 s26, $0x1;
	_ =	strace $0x80000046;
	[dreg:$0x1] =	wrdreg $0xFFFFFFFF  }
0xa9: {  	s28 =	simm.s32 $_size_execute0_lowered;
	s5 =	sadd.s32 s5, s7;
	[dreg:$0x0] =	wrdreg $0x0  }
0xaa: {  	s7 =	sshll.u32 s28, $0x1;
	[dreg:$0x2] =	wrdreg s5  }
0xab: {  	[dreg:$0x3] =	wrdreg s7  }
0xac: {  	[dreg:$0x4] =	wrdreg $0xC0  }
0xad: {  	_ =	task [dreg:s9], $0x5FFFF  }
0xae: {  	[dreg:$0x1] =	wrdreg $0xFFFFFFFF  }
0xaf: {  	[dreg:$0x0] =	wrdreg $0x60  }
0xb0: {  	[dreg:$0x2] =	wrdreg s2  }
0xb1: {  	[dreg:$0x3] =	wrdreg s18  }
0xb2: {  	[dreg:$0x4] =	wrdreg s24  }
0xb3: {  	[dreg:$0x5] =	wrdreg s4  }
0xb4: {  	[dreg:$0x6] =	wrdreg $0x9  }
0xb5: {  	_ =	task.clear_ibuf [dreg:s9], $0x7FFFF;
	_ =	strace $0x90000046  }
0xb6: {  	s29 =	simm.s32 $0x9;
	_ =	strace $0x80000048  }
0xb7: {  	_ =	swait.ge [sflag:s29], $0x1  }
0xb8: {  	[sflag:s29] =	ssyncadd.s32 $0xFFFFFFFF  }
0xb9: {  	_ =	strace $0x90000048  }
0xba: {  	_ =	sfence  }
0xbb: {  	s30 =	sld [smem:$0x0];
	_ =	sdelay $0x2  }
0xbc: {  	s31 =	sshll.u32 s1, $0xD;
	s1 =	sshrl.u32 s1, $0x2  }
0xbd: {  	s3 =	sand.u32 $0x4000, s31;
	s1 =	sadd.s32 s1, s30  }
0xbe: {  	s0 =	sor.u32 s3, s0;
	s1 =	sshll.u32 s1, $0x11  }
0xbf: {  	s0 =	sor.u32 s1, s0  }
0xc0: {  	s0 =	sadd.s32 $0x8F2B, s0  }
0xc1: {  	[sflag:s0] =	ssyncadd.remote.s32 $0x1  }
0xc2: {  	_ =	sfence.sel $0xFFFF  }
0xc3: {  	[dreg:$0x0] =	wrdreg $0xFFFFFFFF;
	(pc) =	sbr.abs _section_cstart, $3  }
0xc4: {  	[dreg:$0x1] =	wrdreg $0xFFFFFFFF  }
0xc5: {  	_ =	task.clear_ibuf [dreg:s9], $0x2FFFF;
	_ =	strace $0x9FFFFFFF  }
0xc6: {  	(tm) =	ssettm $0x7FFFFFFF  }
0xc7: {  	_ =	shalt  }
tec
execute0_lowered:
.L_overlay_start_1:
0x0: {  	(tag) =	ssettag $0x1  }
0x1: {  	vm0 =	vmxor vm0, vm0;
	v3 =	vimm.f32 $0.0e+00  }
0x2: {  	v4 =	vimm.s32 $0x0;
	v5 =	vlaneseq.u32;
	v6 =	vimm.s32 $0x148  }
0x3: {  	s0 =	srdreg.scid;
	s1 =	stileid.u32;
	v9 =	vimm.s32 $0xECA86420;
	vm1 =	vmmov $0xffff;
	vm2 =	vcmask $0xB08  }
0x4: {  	s31 =	rddreg [dreg:$0x0];
	vm3 =	vcmask $0x1310;
	vm4 =	vcmask $0x1B18;
	vm5 =	vcmask $0x300;
	s3 =	sand.u32 $0x1, s0;
	s24 =	sshll.u32 s1, $0x1  }
0x5: {  	s17 =	rddreg [dreg:$0x1];
	vm6 =	vcmask $0x2320;
	vm7 =	vcmask $0x2B28;
	vm8 =	vcmask $0x3330;
	s0 =	sor.u32 s3, s24  }
0x6: {  	s5 =	rddreg [dreg:$0x2];
	vm9 =	vcmask $0x3B38;
	vm10 =	vmmov $0xff;
	vm14 =	vcmask $0x704;
	p0 =	seq.s32 s0, $0x1F  }
0x7: {  	s6 =	rddreg [dreg:$0x3];
	s2 =	simm.s32 $0x0;
	vm13 =	vcmask $0x1714;
	v13 =	vimm.s32 $0x0;
	vm0 =	vmneg @p0 vm0  }
0x8: {  	vm11 =	vcmask $0x1F1C;
	vm12 =	vcmask $0x2724;
	[smem:$0x7FF] =	sst s2;
	s26 =	sadd.s32 $0x600, s5;
	s29 =	sadd.s32 $0x4E000, s6;
	v13 =	vsel vm0, $0xFFFFFFFF, v13  }
0x9: {  	v8 =	vshrl.u32 v5, $0x3;
	v7 =	vand.u32 $0x7, v5;
	s3 =	ssub.s32 $0x2, s3;
	_ =	strace $0x80000047;
	s7 =	smul.u32 $0x2700, s0;
	[tilespmem:$0x1FFD0] =	vst v13;
	v13 =	vimm.s32 $0x0  }
0xa: {  	v10 =	vunpack.c.l.s4.s8 v9;
	v9 =	vor.u32 $0x8, v5;
	[dreg:$0x5] =	wrdreg s26;
	s4 =	smul.u32 $0x138, s0;
	s25 =	sshrl.u32 s3, $0x1;
	v13 =	vsel vm10, $0xFFFFFFFF, v13  }
0xb: {  	v11 =	vmul.u32 $0x2, v5;
	v12 =	vor.u32 $0x10, v5;
	[dreg:$0x7] =	wrdreg s29;
	s3 =	ssub.s32 s3, s25;
	s28 =	sadd.s32 s6, s7;
	[tilespmem:$0x1FFE0] =	vst v13;
	v13 =	vimm.s32 $0x0  }
0xc: {  	v8 =	vmul.u32 $0x8, v8;
	v0 =	vmov s4;
	s4 =	sadd.s32 $0x138, s4;
	s30 =	smax.u32 s3, $0x1;
	[dreg:$0x6] =	wrdreg s28;
	v13 =	vsel vm1, $0xFFFFFFFF, v13  }
0xd: {  	v10 =	vunpack.c.0.s8.s32 v10;
	p0 =	sne.s32 s0, $0x1F;
	s3 =	simm.s32 $0x0;
	v1 =	vmov s4;
	v2 =	vsub.s32 $0x0, v0;
	[dreg:$0x8] =	wrdreg s30;
	[tilespmem:$0x1FFF0] =	vst v13  }
.LBB2_1:
0xe: {  	s0 =	sand.u32 $0x1F800, s2;
	s30 =	sand.u32 $0x380, s2  }
0xf: {  	s0 =	sor.u32 s30, s0  }
0x10: {  	[tilespmem:s0+$0xA670] =	vst v3  }
0x11: {  	[tilespmem:s0+$0xA200] =	vst v3  }
0x12: {  	[tilespmem:s0+$0xA210] =	vst v3  }
0x13: {  	[tilespmem:s0+$0xA220] =	vst v3  }
0x14: {  	[tilespmem:s0+$0xA230] =	vst v3  }
0x15: {  	[tilespmem:s0+$0xA240] =	vst v3  }
0x16: {  	[tilespmem:s0+$0xA250] =	vst v3  }
0x17: {  	[tilespmem:s0+$0xA260] =	vst v3  }
0x18: {  	[tilespmem:s0+$0xA270] =	vst v3  }
0x19: {  	[tilespmem:s0+$0xA600] =	vst v3  }
0x1a: {  	[tilespmem:s0+$0xA610] =	vst v3  }
0x1b: {  	[tilespmem:s0+$0xA620] =	vst v3  }
0x1c: {  	[tilespmem:s0+$0xA630] =	vst v3  }
0x1d: {  	[dreg:$0x9] =	wrdreg s3;
	s4 =	simm.s32 $0x100;
	s3 =	simm.s32 $0x80;
	[tilespmem:s0+$0xA640] =	vst v3  }
0x1e: {  	s6 =	sand.u32 $0x1F800, s4;
	s7 =	sand.u32 $0x380, s3;
	s4 =	simm.s32 $0x200;
	[tilespmem:s0+$0xA650] =	vst v3  }
.LBB2_2:
0x1f: {  	p1 =	sne.s32 s4, $0x14F00;
	[tilespmem:s0+$0xA660] =	vst v3;
	s0 =	sor.u32 s7, s6  }
0x20: {  	[tilespmem:s0+$0xA670] =	vst v3  }
0x21: {  	[tilespmem:s0+$0xA200] =	vst v3  }
0x22: {  	[tilespmem:s0+$0xA210] =	vst v3  }
0x23: {  	[tilespmem:s0+$0xA220] =	vst v3  }
0x24: {  	[tilespmem:s0+$0xA230] =	vst v3  }
0x25: {  	[tilespmem:s0+$0xA240] =	vst v3  }
0x26: {  	[tilespmem:s0+$0xA250] =	vst v3  }
0x27: {  	[tilespmem:s0+$0xA260] =	vst v3  }
0x28: {  	[tilespmem:s0+$0xA270] =	vst v3  }
0x29: {  	[tilespmem:s0+$0xA600] =	vst v3  }
.Ltmp0:
0x2a: {  	[tilespmem:s0+$0xA610] =	vst v3;
	(pc) =	sbr.rel @p1 .LBB2_2-.Ltmp0, $4  }
0x2b: {  	[tilespmem:s0+$0xA620] =	vst v3  }
0x2c: {  	[tilespmem:s0+$0xA630] =	vst v3  }
0x2d: {  	s3 =	sadd.s32 $0x80, s3;
	[tilespmem:s0+$0xA640] =	vst v3  }
0x2e: {  	s6 =	sand.u32 $0x1F800, s4;
	s4 =	sadd.s32 $0x100, s4;
	s7 =	sand.u32 $0x380, s3;
	[tilespmem:s0+$0xA650] =	vst v3  }
0x2f: {  	s3 =	sor.u32 s7, s6;
	[tilespmem:s0+$0xA660] =	vst v3  }
0x30: {  	[tilespmem:s3+$0xA670] =	vst v3  }
0x31: {  	[tilespmem:s3+$0xA200] =	vst v3  }
0x32: {  	[tilespmem:s3+$0xA210] =	vst v3  }
0x33: {  	[tilespmem:s3+$0xA220] =	vst v3  }
0x34: {  	[tilespmem:s3+$0xA230] =	vst v3  }
0x35: {  	[tilespmem:s3+$0xA240] =	vst v3  }
0x36: {  	[tilespmem:s3+$0xA250] =	vst v3  }
0x37: {  	[tilespmem:s3+$0xA260] =	vst v3  }
0x38: {  	[tilespmem:s3+$0xA270] =	vst v3  }
0x39: {  	[tilespmem:s3+$0xA600] =	vst v3  }
0x3a: {  	[tilespmem:s3+$0xA610] =	vst v3  }
0x3b: {  	[tilespmem:s3+$0xA620] =	vst v3  }
0x3c: {  	[tilespmem:s3+$0xA630] =	vst v3  }
0x3d: {  	[tilespmem:s3+$0xA640] =	vst v3  }
0x3e: {  	[tilespmem:s3+$0xA650] =	vst v3  }
0x3f: {  	s1 =	simm.s32 $0x0;
	s22 =	rddreg [dreg:$0x5];
	[tilespmem:s3+$0xA660] =	vst v3  }
0x40: {  	[tilespmem:s1], [sflag:$0x1] =	stream.linear.gather [hbm4b:s22+s1], $0xA00, $0x38;
	[tilespmem:$0x1F200] =	vst v63  }
0x41: {  	[tilespmem:$0x2000] =	vst v4  }
0x42: {  	v13 =	vld [tilespmem:$0x2000];
	_ =	sdelay $0x4  }
0x43: {  	v14 =	vshll.u32 v13, $0x1  }
0x44: {  	v13 =	vand.u32 $0x7, v13;
	v14 =	vand.u32 $0xFFFFFFF0, v14  }
0x45: {  	v13 =	vor.u32 v13, v14  }
0x46: {  	[tilespmem:$0x2080] =	vst v4;
	v14 =	vperm.xlane v13, v7  }
0x47: {  	[tilespmem:$0x2100] =	vst v6  }
0x48: {  	[tilespmem:$0x2180] =	vst v3;
	v13 =	vperm.xlane v13, v9;
	v14 =	vadd.s32 v8, v14  }
0x49: {  	[tilespmem:$0x2010] =	vst v4  }
0x4a: {  	[tilespmem:$0x2090] =	vst v4;
	v13 =	vadd.s32 v8, v13  }
0x4b: {  	[tilespmem:$0x2110] =	vst v6  }
0x4c: {  	s23 =	simm.s32 $0x2200;
	[tilespmem:$0x2190] =	vst v3  }
0x4d: {  	[tilespmem:s23], [sflag:$0x3] =	stream.indirect_vreg.gather [hbm4b:s31+s1], $0x80, v14, vm1, $0xb8;
	[tilespmem:$0x1F200] =	vst v63  }
0x4e: {  	s24 =	simm.s32 $0x2A00  }
0x4f: {  	[tilespmem:s24], [sflag:$0x3] =	stream.indirect_vreg.gather [hbm4b:s31+s1], $0x80, v13, vm1, $0xb8;
	[tilespmem:$0x1F200] =	vst v63  }
0x50: {  	v13 =	vld [tilespmem:$0x2010];
	_ =	sdelay $0x4  }
0x51: {  	v14 =	vshll.u32 v13, $0x1  }
0x52: {  	v13 =	vand.u32 $0x7, v13;
	v14 =	vand.u32 $0xFFFFFFF0, v14  }
0x53: {  	v13 =	vor.u32 v13, v14  }
0x54: {  	v14 =	vperm.xlane v13, v7;
	_ =	sdelay $0x1  }
0x55: {  	v13 =	vperm.xlane v13, v9;
	v14 =	vadd.s32 v8, v14;
	_ =	sdelay $0x1  }
0x56: {  	v13 =	vadd.s32 v8, v13;
	_ =	sdelay $0x1  }
0x57: {  	s25 =	simm.s32 $0x3200  }
0x58: {  	[tilespmem:s25], [sflag:$0x3] =	stream.indirect_vreg.gather [hbm4b:s31+s1], $0x80, v14, vm1, $0xb8;
	[tilespmem:$0x1F200] =	vst v63  }
0x59: {  	s26 =	simm.s32 $0x3A00  }
0x5a: {  	[tilespmem:s26], [sflag:$0x3] =	stream.indirect_vreg.gather [hbm4b:s31+s1], $0x80, v13, vm1, $0xb8;
	[tilespmem:$0x1F200] =	vst v63  }
0x5b: {  	v13 =	vld [tilespmem:$0x2080];
	_ =	sdelay $0x4  }
0x5c: {  	v14 =	vshll.u32 v13, $0x1  }
0x5d: {  	v13 =	vand.u32 $0x7, v13;
	v14 =	vand.u32 $0xFFFFFFF0, v14  }
0x5e: {  	v13 =	vor.u32 v13, v14  }
0x5f: {  	v14 =	vperm.xlane v13, v7;
	_ =	sdelay $0x1  }
0x60: {  	v13 =	vperm.xlane v13, v9;
	v14 =	vadd.s32 v8, v14;
	_ =	sdelay $0x1  }
0x61: {  	v13 =	vadd.s32 v8, v13;
	_ =	sdelay $0x1  }
0x62: {  	s28 =	simm.s32 $0x6200  }
0x63: {  	[tilespmem:s28], [sflag:$0x4] =	stream.indirect_vreg.gather [hbm4b:s17+s1], $0x80, v14, vm1, $0xb8;
	[tilespmem:$0x1F200] =	vst v63  }
0x64: {  	s29 =	simm.s32 $0x6A00  }
0x65: {  	[tilespmem:s29], [sflag:$0x4] =	stream.indirect_vreg.gather [hbm4b:s17+s1], $0x80, v13, vm1, $0xb8;
	[tilespmem:$0x1F200] =	vst v63  }
0x66: {  	v13 =	vld [tilespmem:$0x2090];
	_ =	sdelay $0x4  }
0x67: {  	v14 =	vshll.u32 v13, $0x1  }
0x68: {  	v13 =	vand.u32 $0x7, v13;
	v14 =	vand.u32 $0xFFFFFFF0, v14  }
0x69: {  	v13 =	vor.u32 v13, v14  }
0x6a: {  	v14 =	vperm.xlane v13, v7;
	_ =	sdelay $0x1  }
0x6b: {  	v13 =	vperm.xlane v13, v9;
	v14 =	vadd.s32 v8, v14;
	_ =	sdelay $0x1  }
0x6c: {  	v13 =	vadd.s32 v8, v13  }
.Ltmp1:
0x6d: {  	_ = 	snop;
	(pc) =	sbr.rel .LBB2_4-.Ltmp1, $4  }
0x6e: {  	s30 =	simm.s32 $0x7200;
	s19 =	simm.s32 $0x0  }
0x6f: {  	[tilespmem:s30], [sflag:$0x4] =	stream.indirect_vreg.gather [hbm4b:s17+s1], $0x80, v14, vm1, $0xb8;
	[tilespmem:$0x1F200] =	vst v63  }
0x70: {  	s0 =	simm.s32 $0x0;
	s3 =	simm.s32 $0x1;
	s31 =	simm.s32 $0x7A00  }
0x71: {  	[tilespmem:s31], [sflag:$0x4] =	stream.indirect_vreg.gather [hbm4b:s17+s1], $0x80, v13, vm1, $0xb8;
	[tilespmem:$0x1F200] =	vst v63  }
.LBB2_21:
0x72: {  	v13 =	vld [tilespmem:$0x1FFE0];
	_ =	sdelay $0x4  }
0x73: {  	vm10 =	vnez.u8 v13;
	v13 =	vld [tilespmem:$0x1FFF0];
	_ =	sdelay $0x1  }
0x74: {  	vm5 =	vcmask $0x300;
	vm6 =	vcmask $0x2320  }
0x75: {  	vm7 =	vcmask $0x2B28;
	vm8 =	vcmask $0x3330;
	vm9 =	vcmask $0x3B38  }
0x76: {  	s19 =	smov.u32 s0;
	s17 =	rddreg [dreg:$0x1];
	vm11 =	vcmask $0x1F1C;
	vm2 =	vcmask $0xB08;
	vm3 =	vcmask $0x1310  }
0x77: {  	s5 =	simm.s32 $0x3;
	vm4 =	vcmask $0x1B18;
	vm12 =	vcmask $0x2724;
	s18 =	simm.s32 $0x4;
	s3 =	rddreg [dreg:$0xb];
	vm1 =	vnez.u8 v13  }
.LBB2_32:
0x78: {  	s0 =	rddreg [dreg:$0xa]  }
0x79: {  	s0 =	sadd.s32 $0x1, s0  }
0x7a: {  	p1 =	sne.s32 s0, $0x7D  }
.Ltmp2:
0x7b: {  	_ = 	snop;
	(pc) =	sbr.rel @!p1 .LBB2_33-.Ltmp2, $1  }
0x7c: {  	_ =	sdelay $0x3  }
.LBB2_4:
0x7d: {  	[dreg:$0xb] =	wrdreg s3  }
0x7e: {  	[dreg:$0xa] =	wrdreg s0;
	s29 =	smul.u32 $0x1400, s0;
	s2 =	simm.s32 $0x1  }
0x7f: {  	_ =	swait.ge [sflag:s2], $0xA00  }
0x80: {  	s0 =	sshrl.u32 s29, $0x3;
	s1 =	rddreg [dreg:$0x5]  }
0x81: {  	s30 =	simm.s32 $0xA00;
	[sflag:s2] =	ssyncset.done $0x0;
	s0 =	sadd.s32 s1, s0  }
0x82: {  	s31 =	simm.s32 $0x0;
	[sflag:s2] =	ssyncadd.s32 $0xFFFFF600;
	s0 =	sadd.s32 $0x140, s0  }
0x83: {  	[tilespmem:s30], [sflag:$0x2] =	stream.linear.gather [hbm4b:s0+s31], $0xA00, $0x38;
	[tilespmem:$0x1F200] =	vst v63  }
0x84: {  	s10 =	simm.s32 $0x0;
	vm0 =	vmmov vm11;
	vm1 =	vmmov vm12;
	vm12 =	vcmask $0x3734;
	s0 =	simm.s32 $0x0  }
.LBB2_5:
0x85: {  	s4 =	sand.u32 $0x70, s10;
	s6 =	sand.u32 $0xE00, s0  }
0x86: {  	s11 =	sor.u32 s4, s6  }
0x87: {  	v13 =	vld [tilespmem:s11+$0x0];
	_ =	sdelay $0x4  }
0x88: {  	(v2sf) =	vpush v13, $0xD;
	_ =	sdelay $0x1  }
0x89: {  	(v2sf) =	vpush v13, $0xC;
	_ =	sdelay $0x1  }
0x8a: {  	(v2sf) =	vpush v13, $0xE;
	_ =	sdelay $0x1  }
0x8b: {  	(v2sf) =	vpush v13, $0xF;
	_ =	sdelay $0x1  }
0x8c: {  	(v2sf) =	vpush v13, $0x9;
	_ =	sdelay $0x1  }
0x8d: {  	(v2sf) =	vpush v13, $0x8;
	_ =	sdelay $0x1  }
0x8e: {  	(v2sf) =	vpush v13, $0xA  }
0x8f: {  	(v2sf) =	vpush v13, $0xB  }
0x90: {  	(v2sf) =	vpush v13, $0x0  }
0x91: {  	s22 =	spop (v2sf)  }
0x92: {  	(v2sf) =	vpush v13, $0x1;
	s6 =	smulhi.u32 $0x68DB8BAD, s22;
	s4 =	sshra.s32 s22, $0x1F  }
0x93: {  	s23 =	spop (v2sf);
	s7 =	smul.u32 $0x68DB8BAD, s4  }
0x94: {  	s8 =	smulhi.u32 $0x68DB8BAD, s23;
	s4 =	sshra.s32 s23, $0x1F  }
0x95: {  	(v2sf) =	vpush v13, $0x2;
	s12 =	spop (v2sf);
	s13 =	smul.u32 $0x68DB8BAD, s4  }
0x96: {  	s15 =	smulhi.u32 $0x68DB8BAD, s12;
	s24 =	sshra.s32 s12, $0x1F  }
0x97: {  	(v2sf) =	vpush v13, $0x3;
	s25 =	spop (v2sf);
	s26 =	smul.u32 $0x68DB8BAD, s24  }
0x98: {  	(v2sf) =	vpush v13, $0x4;
	s28 =	smulhi.u32 $0x68DB8BAD, s25;
	s29 =	sshra.s32 s25, $0x1F  }
0x99: {  	(v2sf) =	vpush v13, $0x5;
	s30 =	spop (v2sf);
	s29 =	smul.u32 $0x68DB8BAD, s29  }
0x9a: {  	(v2sf) =	vpush v13, $0x6;
	s18 =	smulhi.u32 $0x68DB8BAD, s30;
	s12 =	sshra.s32 s30, $0x1F  }
0x9b: {  	(v2sf) =	vpush v13, $0x7;
	s31 =	spop (v2sf);
	s30 =	smul.u32 $0x68DB8BAD, s12  }
0x9c: {  	[dreg:$0xc] =	wrdreg s19;
	s25 =	smulhi.u32 $0x68DB8BAD, s31;
	s4 =	sshra.s32 s31, $0x1F  }
0x9d: {  	s1 =	spop (v2sf);
	s17 =	smul.u32 $0x68DB8BAD, s4  }
0x9e: {  	s14 =	spop (v2sf);
	s31 =	smulhi.u32 $0x68DB8BAD, s1;
	s2 =	sshra.s32 s1, $0x1F  }
0x9f: {  	s16 =	spop (v2sf);
	s24 =	smul.u32 $0x68DB8BAD, s2  }
0xa0: {  	s19 =	smulhi.u32 $0x68DB8BAD, s14;
	s3 =	sshra.s32 s14, $0x1F;
	s14 =	sadd.s32 s7, s6  }
0xa1: {  	s7 =	sadd.s32 s30, s18;
	s5 =	spop (v2sf);
	s20 =	smul.u32 $0x68DB8BAD, s3  }
0xa2: {  	s22 =	smulhi.u32 $0x68DB8BAD, s16;
	s9 =	sshra.s32 s16, $0x1F;
	s16 =	sadd.s32 s13, s8  }
0xa3: {  	s12 =	sshrl.u32 s14, $0x1F;
	s13 =	sadd.s32 s26, s15;
	s9 =	smul.u32 $0x68DB8BAD, s9  }
0xa4: {  	s8 =	sadd.s32 s17, s25;
	s23 =	spop (v2sf);
	s3 =	smulhi.u32 $0x68DB8BAD, s5  }
0xa5: {  	s5 =	sshra.s32 s5, $0x1F;
	s25 =	sshrl.u32 s13, $0x1F;
	s6 =	sadd.s32 s24, s31  }
0xa6: {  	s26 =	smul.u32 $0x68DB8BAD, s5;
	s5 =	sadd.s32 s29, s28;
	s1 =	spop (v2sf)  }
0xa7: {  	s28 =	smulhi.u32 $0x68DB8BAD, s23;
	s15 =	sshra.s32 s23, $0x1F;
	s2 =	spop (v2sf)  }
0xa8: {  	s23 =	sshrl.u32 s16, $0x1F;
	s18 =	smul.u32 $0x68DB8BAD, s15;
	s21 =	spop (v2sf)  }
0xa9: {  	s15 =	sadd.s32 s20, s19;
	s9 =	sadd.s32 s9, s22;
	s4 =	spop (v2sf)  }
0xaa: {  	s24 =	sshrl.u32 s5, $0x1F;
	s19 =	sshrl.u32 s6, $0x1F;
	s30 =	spop (v2sf)  }
0xab: {  	s6 =	sshra.s32 s6, $0xC;
	s31 =	smulhi.u32 $0x68DB8BAD, s30;
	s20 =	sshra.s32 s30, $0x1F  }
0xac: {  	s3 =	sadd.s32 s26, s3;
	s18 =	sadd.s32 s18, s28;
	s20 =	smul.u32 $0x68DB8BAD, s20  }
0xad: {  	s28 =	sshrl.u32 s7, $0x1F;
	s29 =	smulhi.u32 $0x68DB8BAD, s2;
	s2 =	sshra.s32 s2, $0x1F  }
0xae: {  	s7 =	sshra.s32 s7, $0xC;
	s2 =	smul.u32 $0x68DB8BAD, s2;
	s26 =	sadd.s32 s20, s31  }
0xaf: {  	s17 =	smulhi.u32 $0x68DB8BAD, s1;
	s1 =	sshra.s32 s1, $0x1F;
	s22 =	sshra.s32 s26, $0x1F  }
0xb0: {  	v15 =	vmov s23;
	s1 =	smul.u32 $0x68DB8BAD, s1;
	s2 =	sadd.s32 s2, s29;
	s29 =	sshra.s32 s9, $0xC;
	v14 =	vmov s22  }
0xb1: {  	vm11 =	vcmask $0xF0C;
	v15 =	vsel vm2, s12, v15;
	s12 =	smulhi.u32 $0x68DB8BAD, s21;
	s30 =	sshrl.u32 s9, $0x1F;
	s9 =	sshra.s32 s9, $0x1F;
	v14 =	vsel vm5, s29, v14  }
0xb2: {  	v15 =	vsel vm3, s25, v15;
	s21 =	sshra.s32 s21, $0x1F;
	s1 =	sadd.s32 s1, s17;
	v16 =	vmov s30;
	s22 =	sshra.s32 s3, $0xC;
	v14 =	vsel vm14, s9, v14  }
0xb3: {  	v15 =	vsel vm4, s24, v15;
	v16 =	vnsel vm5, $0x0, v16;
	s20 =	sshrl.u32 s8, $0x1F;
	s31 =	sshrl.u32 s3, $0x1F;
	s3 =	sshra.s32 s3, $0x1F;
	v14 =	vsel vm2, s22, v14  }
0xb4: {  	s17 =	sshrl.u32 s15, $0x1F;
	s8 =	sshra.s32 s8, $0xC;
	v16 =	vsel vm2, s31, v16;
	s31 =	sshra.s32 s18, $0xC;
	v17 =	vmov s20;
	v14 =	vsel vm11, s3, v14  }
0xb5: {  	s30 =	smulhi.u32 $0x68DB8BAD, s4;
	s4 =	sshra.s32 s4, $0x1F;
	s20 =	sshra.s32 s18, $0x1F;
	v18 =	vmov s8;
	v17 =	vsel vm2, s28, v17;
	v14 =	vsel vm3, s31, v14  }
0xb6: {  	s25 =	sshra.s32 s1, $0xC;
	s4 =	smul.u32 $0x68DB8BAD, s4;
	v18 =	vsel vm2, s7, v18;
	s29 =	sshrl.u32 s18, $0x1F;
	v17 =	vsel vm3, s19, v17;
	v14 =	vsel vm13, s20, v14  }
0xb7: {  	s21 =	smul.u32 $0x68DB8BAD, s21;
	v18 =	vsel vm3, s6, v18;
	v16 =	vsel vm3, s29, v16;
	s9 =	sshrl.u32 s1, $0x1F;
	s1 =	sshra.s32 s1, $0x1F;
	v14 =	vsel vm4, s25, v14  }
0xb8: {  	s24 =	sshrl.u32 s2, $0x1F;
	s4 =	sadd.s32 s4, s30;
	s30 =	sshra.s32 s2, $0xC;
	v17 =	vsel vm4, s17, v17;
	v16 =	vsel vm4, s9, v16;
	v14 =	vsel vm0, s1, v14  }
0xb9: {  	s23 =	sadd.s32 s21, s12;
	s12 =	sshra.s32 s2, $0x1F;
	v15 =	vcombine.low v17, v15;
	v16 =	vsel vm6, s24, v16;
	s31 =	sshra.s32 s16, $0xC;
	v14 =	vsel vm6, s30, v14  }
0xba: {  	s17 =	sshra.s32 s23, $0xC;
	s22 =	sshra.s32 s15, $0xC;
	vm11 =	vcmask $0x2F2C;
	s16 =	sshra.s32 s14, $0xC;
	v63 =	vmov s31;
	v14 =	vsel vm1, s12, v14  }
0xbb: {  	s28 =	sshrl.u32 s23, $0x1F;
	s19 =	sshra.s32 s13, $0xC;
	v18 =	vsel vm4, s22, v18;
	s20 =	sshra.s32 s23, $0x1F;
	v17 =	vsel vm2, s16, v63;
	v14 =	vsel vm7, s17, v14  }
0xbc: {  	s21 =	sshra.s32 s5, $0xC;
	s29 =	sshrl.u32 s4, $0x1F;
	v16 =	vsel vm7, s28, v16;
	s23 =	sshra.s32 s4, $0xC;
	v17 =	vsel vm3, s19, v17;
	v14 =	vsel vm11, s20, v14  }
0xbd: {  	s24 =	sshrl.u32 s26, $0x1F;
	v16 =	vsel vm8, s29, v16;
	s25 =	sshra.s32 s4, $0x1F;
	v17 =	vsel vm4, s21, v17;
	v14 =	vsel vm8, s23, v14  }
0xbe: {  	s28 =	sshra.s32 s26, $0xC;
	v16 =	vsel vm9, s24, v16;
	v17 =	vcombine.low v18, v17;
	v14 =	vsel vm12, s25, v14  }
0xbf: {  	v15 =	vperm.xlane v15, v10;
	v16 =	vperm.xlane v16, v11;
	v14 =	vsel vm9, s28, v14  }
0xc0: {  	v17 =	vperm.xlane v17, v10;
	v14 =	vperm.xlane v14, v11;
	_ =	sdelay $0x1  }
0xc1: {  	v15 =	vsel vm10, v16, v15;
	v14 =	vsel vm10, v14, v17  }
0xc2: {  	v14 =	vadd.s32 v15, v14  }
0xc3: {  	v14 =	vmul.u32 $0x2710, v14;
	_ =	sdelay $0x1  }
0xc4: {  	v13 =	vsub.s32 v13, v14;
	v14 =	vld [tilespmem:$0x1FFD0];
	_ =	sdelay $0x3  }
0xc5: {  	vm11 =	vmmov vm14;
	vm13 =	vge.s32 v13, v0;
	vm14 =	vlt.s32 v13, v1  }
0xc6: {  	vm15 =	vgt.s32 v13, $0x26FF;
	vm13 =	vmand vm13, vm14;
	vm14 =	vnez.u8 v14  }
0xc7: {  	vm14 =	vmand vm14, vm15  }
0xc8: {  	vm14 =	vmor vm13, vm14  }
0xc9: {  	v14 =	vsel vm14, $0x1, v4  }
0xca: {  	(xrf0) =	vadd.scan.msk.s32 $0xffff, v14;
	_ =	sdelay $0x1  }
0xcb: {  	s4 =	rddreg [dreg:$0xc]  }
0xcc: {  	v14 =	vmov s4  }
0xcd: {  	v14 =	vadd.s32 $0xFFFFFFFF, v14  }
0xce: {  	v14 =	vbroadcast v14, $0x0  }
0xcf: {  	v15, _, _ =	vpop (xrf0)  }
0xd0: {  	v14 =	vadd.s32 v15, v14  }
0xd1: {  	v14 =	vnsel vm14, $0x2BF, v14;
	_ =	sdelay $0x2  }
0xd2: {  	v15 =	vnsel vm13, $0xFFFFDA38, v2  }
0xd3: {  	s18 =	simm.s32 $0x1400;
	v13 =	vadd.s32 v13, v15  }
0xd4: {  	v15 =	vmpcnt.ones.xlane vm14;
	[tilespmem:v14+s18+$0x0] =	vst.idx.msk $0xffff, v13  }
0xd5: {  	v13 =	vld [tilespmem:s11+$0x80]  }
0xd6: {  	(v2sf) =	vpush v15, $0x0;
	_ =	sdelay $0x2  }
0xd7: {  	s31 =	simm.s32 $0x1700  }
0xd8: {  	[tilespmem:v14+s31+$0x0] =	vst.idx.msk $0xffff, v13  }
0xd9: {  	v13 =	vld [tilespmem:s11+$0x100];
	_ =	sdelay $0x3  }
0xda: {  	s30 =	simm.s32 $0x1A00  }
0xdb: {  	[tilespmem:v14+s30+$0x0] =	vst.idx.msk $0xffff, v13  }
0xdc: {  	p1 =	seq.s32 s10, $0x270;
	v13 =	vld [tilespmem:s11+$0x180]  }
.Ltmp3:
0xdd: {  	_ = 	snop;
	(pc) =	sbr.rel @!p1 .LBB2_5-.Ltmp3, $3  }
0xde: {  	_ =	sdelay $0x1  }
0xdf: {  	s29 =	simm.s32 $0x1D00;
	s6 =	spop (v2sf)  }
0xe0: {  	s0 =	sadd.s32 $0x40, s0;
	s10 =	sadd.s32 $0x10, s10;
	vm13 =	vcmask $0x1714;
	vm14 =	vmmov vm11;
	s19 =	sadd.s32 s4, s6;
	[tilespmem:v14+s29+$0x0] =	vst.idx.msk $0xffff, v13  }
0xe1: {  	p1 =	slt.s32 s19, $0x20  }
.Ltmp4:
0xe2: {  	_ = 	snop;
	(pc) =	sbr.rel @p1 .LBB2_7-.Ltmp4, $1  }
0xe3: {  	_ =	sdelay $0x3  }
0xe4: {  	v13 =	vld [tilespmem:$0x1FFF0];
	_ =	sdelay $0x2  }
0xe5: {  	s31 =	rddreg [dreg:$0x0]  }
0xe6: {  	s0 =	sadd.s32 s4, s6;
	s5 =	rddreg [dreg:$0x1];
	s9 =	simm.s32 $0x3  }
0xe7: {  	s17 =	simm.s32 $0x4;
	s3 =	rddreg [dreg:$0xb];
	s10 =	sadd.s32 $0xFFFFFFEF, s0;
	vm1 =	vnez.u8 v13  }
.LBB2_9:
0xe8: {  	_ =	swait.ge [sflag:s9], $0x2000  }
0xe9: {  	[sflag:s9] =	ssyncset.done $0x0  }
0xea: {  	[sflag:s9] =	ssyncadd.s32 $0xFFFFE000  }
0xeb: {  	_ =	swait.ge [sflag:s17], $0x2000  }
0xec: {  	[sflag:s17] =	ssyncset.done $0x0  }
0xed: {  	[sflag:s17] =	ssyncadd.s32 $0xFFFFE000  }
0xee: {  	v13 =	vld [tilespmem:$0x1700]  }
0xef: {  	v14 =	vld [tilespmem:$0x1A00]  }
0xf0: {  	v15 =	vld [tilespmem:$0x1400];
	_ =	sdelay $0x2  }
0xf1: {  	[tilespmem:$0x2000] =	vst v13  }
0xf2: {  	s0 =	sshll.u32 s3, $0x5;
	[tilespmem:$0x2080] =	vst v14  }
0xf3: {  	[tilespmem:s0+$0x2100] =	vst v15  }
0xf4: {  	v13 =	vld [tilespmem:$0x1D00];
	_ =	sdelay $0x4  }
0xf5: {  	[tilespmem:s0+$0x2180] =	vst v13  }
0xf6: {  	v13 =	vld [tilespmem:$0x1710]  }
0xf7: {  	v14 =	vld [tilespmem:$0x1A10]  }
0xf8: {  	v15 =	vld [tilespmem:$0x1410];
	_ =	sdelay $0x2  }
0xf9: {  	[tilespmem:$0x2010] =	vst v13  }
0xfa: {  	[tilespmem:$0x2090] =	vst v14  }
0xfb: {  	[tilespmem:s0+$0x2110] =	vst v15  }
0xfc: {  	v13 =	vld [tilespmem:$0x1D10];
	_ =	sdelay $0x4  }
0xfd: {  	[tilespmem:s0+$0x2190] =	vst v13  }
0xfe: {  	v13 =	vld [tilespmem:$0x2000];
	_ =	sdelay $0x4  }
0xff: {  	v14 =	vshll.u32 v13, $0x1  }
0x100: {  	v13 =	vand.u32 $0x7, v13;
	v14 =	vand.u32 $0xFFFFFFF0, v14  }
0x101: {  	v13 =	vor.u32 v13, v14  }
0x102: {  	v14 =	vperm.xlane v13, v7;
	_ =	sdelay $0x1  }
0x103: {  	v13 =	vperm.xlane v13, v9;
	v14 =	vadd.s32 v8, v14;
	_ =	sdelay $0x1  }
0x104: {  	v13 =	vadd.s32 v8, v13  }
0x105: {  	s2 =	sshll.u32 s3, $0xD  }
0x106: {  	s18 =	simm.s32 $0x0;
	s16 =	sadd.s32 $0x2200, s2  }
0x107: {  	[tilespmem:s16], [sflag:$0x3] =	stream.indirect_vreg.gather [hbm4b:s31+s18], $0x80, v14, vm1, $0xb8;
	[tilespmem:$0x1F200] =	vst v63  }
0x108: {  	s20 =	sadd.s32 $0x2A00, s2  }
0x109: {  	[tilespmem:s20], [sflag:$0x3] =	stream.indirect_vreg.gather [hbm4b:s31+s18], $0x80, v13, vm1, $0xb8;
	[tilespmem:$0x1F200] =	vst v63  }
0x10a: {  	v13 =	vld [tilespmem:$0x2010];
	_ =	sdelay $0x4  }
0x10b: {  	v14 =	vshll.u32 v13, $0x1  }
0x10c: {  	v13 =	vand.u32 $0x7, v13;
	v14 =	vand.u32 $0xFFFFFFF0, v14  }
0x10d: {  	v13 =	vor.u32 v13, v14  }
0x10e: {  	v14 =	vperm.xlane v13, v7;
	_ =	sdelay $0x1  }
0x10f: {  	v13 =	vperm.xlane v13, v9;
	v14 =	vadd.s32 v8, v14;
	_ =	sdelay $0x1  }
0x110: {  	v13 =	vadd.s32 v8, v13;
	_ =	sdelay $0x1  }
0x111: {  	s21 =	sadd.s32 $0x3200, s2  }
0x112: {  	[tilespmem:s21], [sflag:$0x3] =	stream.indirect_vreg.gather [hbm4b:s31+s18], $0x80, v14, vm1, $0xb8;
	[tilespmem:$0x1F200] =	vst v63  }
0x113: {  	s22 =	sadd.s32 $0x3A00, s2  }
0x114: {  	[tilespmem:s22], [sflag:$0x3] =	stream.indirect_vreg.gather [hbm4b:s31+s18], $0x80, v13, vm1, $0xb8;
	[tilespmem:$0x1F200] =	vst v63  }
0x115: {  	v13 =	vld [tilespmem:$0x2080];
	_ =	sdelay $0x4  }
0x116: {  	v14 =	vshll.u32 v13, $0x1  }
0x117: {  	v13 =	vand.u32 $0x7, v13;
	v14 =	vand.u32 $0xFFFFFFF0, v14  }
0x118: {  	v13 =	vor.u32 v13, v14  }
0x119: {  	v14 =	vperm.xlane v13, v7;
	_ =	sdelay $0x1  }
0x11a: {  	v13 =	vperm.xlane v13, v9;
	v14 =	vadd.s32 v8, v14;
	_ =	sdelay $0x1  }
0x11b: {  	v13 =	vadd.s32 v8, v13;
	_ =	sdelay $0x1  }
0x11c: {  	s23 =	sadd.s32 $0x6200, s2  }
0x11d: {  	[tilespmem:s23], [sflag:$0x4] =	stream.indirect_vreg.gather [hbm4b:s5+s18], $0x80, v14, vm1, $0xb8;
	[tilespmem:$0x1F200] =	vst v63  }
0x11e: {  	s24 =	sadd.s32 $0x6A00, s2  }
0x11f: {  	[tilespmem:s24], [sflag:$0x4] =	stream.indirect_vreg.gather [hbm4b:s5+s18], $0x80, v13, vm1, $0xb8;
	[tilespmem:$0x1F200] =	vst v63  }
0x120: {  	v13 =	vld [tilespmem:$0x2090];
	_ =	sdelay $0x4  }
0x121: {  	v14 =	vshll.u32 v13, $0x1  }
0x122: {  	v13 =	vand.u32 $0x7, v13;
	v14 =	vand.u32 $0xFFFFFFF0, v14  }
0x123: {  	v13 =	vor.u32 v13, v14  }
0x124: {  	v14 =	vperm.xlane v13, v7;
	_ =	sdelay $0x1  }
0x125: {  	v13 =	vperm.xlane v13, v9;
	v14 =	vadd.s32 v8, v14  }
0x126: {  	s1 =	smov.u32 s3  }
0x127: {  	s28 =	sshll.u32 s1, $0x7;
	v13 =	vadd.s32 v8, v13  }
0x128: {  	s0 =	ssub.s32 $0x0, s28  }
0x129: {  	s25 =	sadd.s32 $0x7200, s2;
	s4 =	sshra.s32 s0, $0x2  }
0x12a: {  	[tilespmem:s25], [sflag:$0x4] =	stream.indirect_vreg.gather [hbm4b:s5+s18], $0x80, v14, vm1, $0xb8;
	[tilespmem:$0x1F200] =	vst v63  }
0x12b: {  	s26 =	sadd.s32 $0x7A00, s2;
	s0 =	sadd.s32 $0x2120, s4  }
0x12c: {  	[tilespmem:s26], [sflag:$0x4] =	stream.indirect_vreg.gather [hbm4b:s5+s18], $0x80, v13, vm1, $0xb8;
	[tilespmem:$0x1F200] =	vst v63  }
0x12d: {  	v13 =	vld [tilespmem:s0+$0x0];
	_ =	sdelay $0x4  }
0x12e: {  	(v2sf) =	vpush v13, $0x0;
	_ =	sdelay $0x5  }
0x12f: {  	s11 =	ssub.s32 $0x2000, s2  }
0x130: {  	s3 =	sand.u32 $0x380, s18;
	s2 =	sand.u32 $0x3800, s11  }
0x131: {  	s13 =	sor.u32 s3, s2  }
0x132: {  	v14 =	vld [tilespmem:s13+$0x6200]  }
0x133: {  	v15 =	vld [tilespmem:s13+$0x2200]  }
0x134: {  	s12 =	sadd.s32 $0x21A0, s4  }
0x135: {  	v13 =	vld.msk [tilespmem:s12+$0x0 ss:$0x0], $0xffff;
	_ =	sdelay $0x2  }
0x136: {  	v14 =	vsub.f32 v15, v14;
	s29 =	spop (v2sf)  }
0x137: {  	s30 =	sshll.u32 s29, $0x8;
	s2 =	sshll.u32 s29, $0x7  }
0x138: {  	v14 =	vmul.f32 v14, v13;
	s3 =	sand.u32 $0xFFFFF800, s30;
	s2 =	sand.u32 $0x380, s2  }
0x139: {  	s14 =	sor.u32 s2, s3  }
0x13a: {  	[tilespmem:s14+$0xA200] =	vst.add.f32.msk $0xffff, v14  }
0x13b: {  	v14 =	vld [tilespmem:s13+$0x2210]  }
0x13c: {  	v15 =	vld [tilespmem:s13+$0x6210];
	_ =	sdelay $0x4  }
0x13d: {  	v14 =	vsub.f32 v14, v15;
	_ =	sdelay $0x1  }
0x13e: {  	v14 =	vmul.f32 v14, v13;
	_ =	sdelay $0x1  }
0x13f: {  	[tilespmem:s14+$0xA210] =	vst.add.f32.msk $0xffff, v14  }
0x140: {  	v14 =	vld [tilespmem:s13+$0x2220]  }
0x141: {  	v15 =	vld [tilespmem:s13+$0x6220];
	_ =	sdelay $0x4  }
0x142: {  	v14 =	vsub.f32 v14, v15;
	_ =	sdelay $0x1  }
0x143: {  	v14 =	vmul.f32 v14, v13;
	_ =	sdelay $0x1  }
0x144: {  	[tilespmem:s14+$0xA220] =	vst.add.f32.msk $0xffff, v14  }
0x145: {  	v14 =	vld [tilespmem:s13+$0x2230]  }
0x146: {  	v15 =	vld [tilespmem:s13+$0x6230];
	_ =	sdelay $0x4  }
0x147: {  	v14 =	vsub.f32 v14, v15;
	_ =	sdelay $0x1  }
0x148: {  	v14 =	vmul.f32 v14, v13;
	_ =	sdelay $0x1  }
0x149: {  	[tilespmem:s14+$0xA230] =	vst.add.f32.msk $0xffff, v14  }
0x14a: {  	v14 =	vld [tilespmem:s13+$0x2240]  }
0x14b: {  	v15 =	vld [tilespmem:s13+$0x6240];
	_ =	sdelay $0x4  }
0x14c: {  	v14 =	vsub.f32 v14, v15;
	_ =	sdelay $0x1  }
0x14d: {  	v14 =	vmul.f32 v14, v13;
	_ =	sdelay $0x1  }
0x14e: {  	[tilespmem:s14+$0xA240] =	vst.add.f32.msk $0xffff, v14  }
0x14f: {  	v14 =	vld [tilespmem:s13+$0x2250]  }
0x150: {  	v15 =	vld [tilespmem:s13+$0x6250];
	_ =	sdelay $0x4  }
0x151: {  	v14 =	vsub.f32 v14, v15;
	_ =	sdelay $0x1  }
0x152: {  	v14 =	vmul.f32 v14, v13;
	_ =	sdelay $0x1  }
0x153: {  	[tilespmem:s14+$0xA250] =	vst.add.f32.msk $0xffff, v14  }
0x154: {  	v14 =	vld [tilespmem:s13+$0x2260]  }
0x155: {  	v15 =	vld [tilespmem:s13+$0x6260];
	_ =	sdelay $0x4  }
0x156: {  	v14 =	vsub.f32 v14, v15;
	_ =	sdelay $0x1  }
0x157: {  	v14 =	vmul.f32 v14, v13;
	_ =	sdelay $0x1  }
0x158: {  	[tilespmem:s14+$0xA260] =	vst.add.f32.msk $0xffff, v14  }
0x159: {  	v14 =	vld [tilespmem:s13+$0x2270]  }
0x15a: {  	v15 =	vld [tilespmem:s13+$0x6270];
	_ =	sdelay $0x4  }
0x15b: {  	v14 =	vsub.f32 v14, v15;
	_ =	sdelay $0x1  }
0x15c: {  	v14 =	vmul.f32 v14, v13;
	_ =	sdelay $0x1  }
0x15d: {  	[tilespmem:s14+$0xA270] =	vst.add.f32.msk $0xffff, v14  }
0x15e: {  	v14 =	vld [tilespmem:s13+$0x2600]  }
0x15f: {  	v15 =	vld [tilespmem:s13+$0x6600];
	_ =	sdelay $0x4  }
0x160: {  	v14 =	vsub.f32 v14, v15;
	_ =	sdelay $0x1  }
0x161: {  	v14 =	vmul.f32 v14, v13;
	_ =	sdelay $0x1  }
0x162: {  	[tilespmem:s14+$0xA600] =	vst.add.f32.msk $0xffff, v14  }
0x163: {  	v14 =	vld [tilespmem:s13+$0x2610]  }
0x164: {  	v15 =	vld [tilespmem:s13+$0x6610];
	_ =	sdelay $0x4  }
0x165: {  	v14 =	vsub.f32 v14, v15;
	_ =	sdelay $0x1  }
0x166: {  	v14 =	vmul.f32 v14, v13;
	_ =	sdelay $0x1  }
0x167: {  	[tilespmem:s14+$0xA610] =	vst.add.f32.msk $0xffff, v14  }
0x168: {  	v14 =	vld [tilespmem:s13+$0x2620]  }
0x169: {  	v15 =	vld [tilespmem:s13+$0x6620];
	_ =	sdelay $0x4  }
0x16a: {  	v14 =	vsub.f32 v14, v15;
	_ =	sdelay $0x1  }
0x16b: {  	v14 =	vmul.f32 v14, v13;
	_ =	sdelay $0x1  }
0x16c: {  	[tilespmem:s14+$0xA620] =	vst.add.f32.msk $0xffff, v14  }
0x16d: {  	v14 =	vld [tilespmem:s13+$0x2630]  }
0x16e: {  	v15 =	vld [tilespmem:s13+$0x6630];
	_ =	sdelay $0x4  }
0x16f: {  	v14 =	vsub.f32 v14, v15;
	_ =	sdelay $0x1  }
0x170: {  	v14 =	vmul.f32 v14, v13;
	_ =	sdelay $0x1  }
0x171: {  	[tilespmem:s14+$0xA630] =	vst.add.f32.msk $0xffff, v14  }
0x172: {  	v14 =	vld [tilespmem:s13+$0x2640]  }
0x173: {  	v15 =	vld [tilespmem:s13+$0x6640];
	_ =	sdelay $0x4  }
0x174: {  	v14 =	vsub.f32 v14, v15;
	_ =	sdelay $0x1  }
0x175: {  	v14 =	vmul.f32 v14, v13;
	_ =	sdelay $0x1  }
0x176: {  	[tilespmem:s14+$0xA640] =	vst.add.f32.msk $0xffff, v14  }
0x177: {  	v14 =	vld [tilespmem:s13+$0x2650]  }
0x178: {  	v15 =	vld [tilespmem:s13+$0x6650];
	_ =	sdelay $0x4  }
0x179: {  	v14 =	vsub.f32 v14, v15;
	_ =	sdelay $0x1  }
0x17a: {  	v14 =	vmul.f32 v14, v13;
	_ =	sdelay $0x1  }
0x17b: {  	[tilespmem:s14+$0xA650] =	vst.add.f32.msk $0xffff, v14  }
0x17c: {  	v14 =	vld [tilespmem:s13+$0x2660]  }
0x17d: {  	s15 =	sshrl.u32 s10, $0x4;
	s16 =	simm.s32 $0x80;
	s3 =	sxor.u32 $0x1, s1;
	v15 =	vld [tilespmem:s13+$0x6660]  }
.LBB2_10:
0x17e: {  	_ =	sdelay $0x3  }
0x17f: {  	s11 =	sadd.s32 $0x100, s11;
	s12 =	sadd.s32 $0x1, s12;
	s0 =	sadd.s32 $0x1, s0;
	v14 =	vsub.f32 v14, v15  }
0x180: {  	p1 =	sne.s32 s16, $0xF80;
	s1 =	smov.u32 s16;
	s16 =	sadd.s32 $0x80, s16  }
0x181: {  	v14 =	vmul.f32 v14, v13;
	_ =	sdelay $0x1  }
0x182: {  	[tilespmem:s14+$0xA660] =	vst.add.f32.msk $0xffff, v14  }
0x183: {  	v14 =	vld [tilespmem:s13+$0x2670]  }
0x184: {  	v15 =	vld [tilespmem:s13+$0x6670];
	_ =	sdelay $0x4  }
0x185: {  	v14 =	vsub.f32 v14, v15;
	_ =	sdelay $0x1  }
0x186: {  	v13 =	vmul.f32 v14, v13;
	_ =	sdelay $0x1  }
0x187: {  	[tilespmem:s14+$0xA670] =	vst.add.f32.msk $0xffff, v13  }
0x188: {  	v13 =	vld [tilespmem:s0+$0x0];
	_ =	sdelay $0x4  }
0x189: {  	(v2sf) =	vpush v13, $0x0;
	_ =	sdelay $0x6  }
0x18a: {  	s2 =	sand.u32 $0x3800, s11;
	s1 =	sand.u32 $0x380, s1  }
0x18b: {  	s13 =	sor.u32 s1, s2  }
0x18c: {  	v14 =	vld [tilespmem:s13+$0x6200]  }
0x18d: {  	v15 =	vld [tilespmem:s13+$0x2200]  }
0x18e: {  	v13 =	vld.msk [tilespmem:s12+$0x0 ss:$0x0], $0xffff;
	_ =	sdelay $0x3  }
0x18f: {  	v14 =	vsub.f32 v15, v14;
	s1 =	spop (v2sf)  }
0x190: {  	s2 =	sshll.u32 s1, $0x8;
	s1 =	sshll.u32 s1, $0x7  }
0x191: {  	v14 =	vmul.f32 v14, v13;
	s2 =	sand.u32 $0xFFFFF800, s2;
	s1 =	sand.u32 $0x380, s1  }
0x192: {  	s14 =	sor.u32 s1, s2  }
0x193: {  	[tilespmem:s14+$0xA200] =	vst.add.f32.msk $0xffff, v14  }
0x194: {  	v14 =	vld [tilespmem:s13+$0x2210]  }
0x195: {  	v15 =	vld [tilespmem:s13+$0x6210];
	_ =	sdelay $0x4  }
0x196: {  	v14 =	vsub.f32 v14, v15;
	_ =	sdelay $0x1  }
0x197: {  	v14 =	vmul.f32 v14, v13;
	_ =	sdelay $0x1  }
0x198: {  	[tilespmem:s14+$0xA210] =	vst.add.f32.msk $0xffff, v14  }
0x199: {  	v14 =	vld [tilespmem:s13+$0x2220]  }
0x19a: {  	v15 =	vld [tilespmem:s13+$0x6220];
	_ =	sdelay $0x4  }
0x19b: {  	v14 =	vsub.f32 v14, v15;
	_ =	sdelay $0x1  }
0x19c: {  	v14 =	vmul.f32 v14, v13;
	_ =	sdelay $0x1  }
0x19d: {  	[tilespmem:s14+$0xA220] =	vst.add.f32.msk $0xffff, v14  }
0x19e: {  	v14 =	vld [tilespmem:s13+$0x2230]  }
0x19f: {  	v15 =	vld [tilespmem:s13+$0x6230];
	_ =	sdelay $0x4  }
0x1a0: {  	v14 =	vsub.f32 v14, v15;
	_ =	sdelay $0x1  }
0x1a1: {  	v14 =	vmul.f32 v14, v13;
	_ =	sdelay $0x1  }
0x1a2: {  	[tilespmem:s14+$0xA230] =	vst.add.f32.msk $0xffff, v14  }
0x1a3: {  	v14 =	vld [tilespmem:s13+$0x2240]  }
0x1a4: {  	v15 =	vld [tilespmem:s13+$0x6240];
	_ =	sdelay $0x4  }
0x1a5: {  	v14 =	vsub.f32 v14, v15;
	_ =	sdelay $0x1  }
0x1a6: {  	v14 =	vmul.f32 v14, v13;
	_ =	sdelay $0x1  }
0x1a7: {  	[tilespmem:s14+$0xA240] =	vst.add.f32.msk $0xffff, v14  }
0x1a8: {  	v14 =	vld [tilespmem:s13+$0x2250]  }
0x1a9: {  	v15 =	vld [tilespmem:s13+$0x6250];
	_ =	sdelay $0x4  }
0x1aa: {  	v14 =	vsub.f32 v14, v15;
	_ =	sdelay $0x1  }
0x1ab: {  	v14 =	vmul.f32 v14, v13;
	_ =	sdelay $0x1  }
0x1ac: {  	[tilespmem:s14+$0xA250] =	vst.add.f32.msk $0xffff, v14  }
0x1ad: {  	v14 =	vld [tilespmem:s13+$0x2260]  }
0x1ae: {  	v15 =	vld [tilespmem:s13+$0x6260];
	_ =	sdelay $0x4  }
0x1af: {  	v14 =	vsub.f32 v14, v15;
	_ =	sdelay $0x1  }
0x1b0: {  	v14 =	vmul.f32 v14, v13;
	_ =	sdelay $0x1  }
0x1b1: {  	[tilespmem:s14+$0xA260] =	vst.add.f32.msk $0xffff, v14  }
0x1b2: {  	v14 =	vld [tilespmem:s13+$0x2270]  }
0x1b3: {  	v15 =	vld [tilespmem:s13+$0x6270];
	_ =	sdelay $0x4  }
0x1b4: {  	v14 =	vsub.f32 v14, v15;
	_ =	sdelay $0x1  }
0x1b5: {  	v14 =	vmul.f32 v14, v13;
	_ =	sdelay $0x1  }
0x1b6: {  	[tilespmem:s14+$0xA270] =	vst.add.f32.msk $0xffff, v14  }
0x1b7: {  	v14 =	vld [tilespmem:s13+$0x2600]  }
0x1b8: {  	v15 =	vld [tilespmem:s13+$0x6600];
	_ =	sdelay $0x4  }
0x1b9: {  	v14 =	vsub.f32 v14, v15;
	_ =	sdelay $0x1  }
0x1ba: {  	v14 =	vmul.f32 v14, v13;
	_ =	sdelay $0x1  }
0x1bb: {  	[tilespmem:s14+$0xA600] =	vst.add.f32.msk $0xffff, v14  }
0x1bc: {  	v14 =	vld [tilespmem:s13+$0x2610]  }
0x1bd: {  	v15 =	vld [tilespmem:s13+$0x6610];
	_ =	sdelay $0x4  }
0x1be: {  	v14 =	vsub.f32 v14, v15;
	_ =	sdelay $0x1  }
0x1bf: {  	v14 =	vmul.f32 v14, v13;
	_ =	sdelay $0x1  }
0x1c0: {  	[tilespmem:s14+$0xA610] =	vst.add.f32.msk $0xffff, v14  }
0x1c1: {  	v14 =	vld [tilespmem:s13+$0x2620]  }
0x1c2: {  	v15 =	vld [tilespmem:s13+$0x6620];
	_ =	sdelay $0x4  }
0x1c3: {  	v14 =	vsub.f32 v14, v15;
	_ =	sdelay $0x1  }
0x1c4: {  	v14 =	vmul.f32 v14, v13;
	_ =	sdelay $0x1  }
0x1c5: {  	[tilespmem:s14+$0xA620] =	vst.add.f32.msk $0xffff, v14  }
0x1c6: {  	v14 =	vld [tilespmem:s13+$0x2630]  }
0x1c7: {  	v15 =	vld [tilespmem:s13+$0x6630];
	_ =	sdelay $0x4  }
0x1c8: {  	v14 =	vsub.f32 v14, v15;
	_ =	sdelay $0x1  }
0x1c9: {  	v14 =	vmul.f32 v14, v13;
	_ =	sdelay $0x1  }
0x1ca: {  	[tilespmem:s14+$0xA630] =	vst.add.f32.msk $0xffff, v14  }
0x1cb: {  	v14 =	vld [tilespmem:s13+$0x2640]  }
0x1cc: {  	v15 =	vld [tilespmem:s13+$0x6640];
	_ =	sdelay $0x4  }
0x1cd: {  	v14 =	vsub.f32 v14, v15;
	_ =	sdelay $0x1  }
0x1ce: {  	v14 =	vmul.f32 v14, v13;
	_ =	sdelay $0x1  }
0x1cf: {  	[tilespmem:s14+$0xA640] =	vst.add.f32.msk $0xffff, v14  }
0x1d0: {  	v14 =	vld [tilespmem:s13+$0x2650]  }
0x1d1: {  	v15 =	vld [tilespmem:s13+$0x6650];
	_ =	sdelay $0x4  }
0x1d2: {  	v14 =	vsub.f32 v14, v15;
	_ =	sdelay $0x1  }
.Ltmp5:
0x1d3: {  	v14 =	vmul.f32 v14, v13;
	(pc) =	sbr.rel @p1 .LBB2_10-.Ltmp5, $4  }
0x1d4: {  	_ = 	snop  }
0x1d5: {  	[tilespmem:s14+$0xA650] =	vst.add.f32.msk $0xffff, v14  }
0x1d6: {  	v14 =	vld [tilespmem:s13+$0x2660]  }
0x1d7: {  	v15 =	vld [tilespmem:s13+$0x6660]  }
0x1d8: {  	_ =	sdelay $0x3  }
0x1d9: {  	v14 =	vsub.f32 v14, v15;
	_ =	sdelay $0x1  }
0x1da: {  	v14 =	vmul.f32 v14, v13;
	_ =	sdelay $0x1  }
0x1db: {  	[tilespmem:s14+$0xA660] =	vst.add.f32.msk $0xffff, v14  }
0x1dc: {  	v14 =	vld [tilespmem:s13+$0x2670]  }
0x1dd: {  	v15 =	vld [tilespmem:s13+$0x6670];
	_ =	sdelay $0x3  }
0x1de: {  	p1 =	slt.s32 s19, $0x21  }
.Ltmp6:
0x1df: {  	v14 =	vsub.f32 v14, v15;
	(pc) =	sbr.rel @p1 .LBB2_39-.Ltmp6, $3  }
0x1e0: {  	_ = 	snop  }
0x1e1: {  	v13 =	vmul.f32 v14, v13;
	_ =	sdelay $0x1  }
0x1e2: {  	[tilespmem:s14+$0xA670] =	vst.add.f32.msk $0xffff, v13  }
0x1e3: {  	p2 =	sne.s32 s15, $0x1  }
.Ltmp7:
0x1e4: {  	_ = 	snop;
	(pc) =	sbr.rel @!p2 .LBB2_13-.Ltmp7, $3  }
0x1e5: {  	_ =	sdelay $0x1  }
0x1e6: {  	s7 =	simm.s32 $0x1420;
	s6 =	simm.s32 $0x1720;
	s0 =	simm.s32 $0x1A20  }
0x1e7: {  	s11 =	simm.s32 $0x1D20;
	s4 =	sadd.s32 $0xFFFFFFFF, s15;
	p1 =	por $0x0, $0x0;
	v13 =	vld [tilespmem:s7+$0x0]  }
0x1e8: {  	_ =	sdelay $0x3  }
0x1e9: {  	[tilespmem:s7+$0xFFFFFFE0] =	vst v13  }
0x1ea: {  	v13 =	vld [tilespmem:s6+$0x0];
	_ =	sdelay $0x4  }
0x1eb: {  	[tilespmem:s6+$0xFFFFFFE0] =	vst v13  }
0x1ec: {  	v13 =	vld [tilespmem:s0+$0x0];
	_ =	sdelay $0x4  }
0x1ed: {  	[tilespmem:s0+$0xFFFFFFE0] =	vst v13  }
0x1ee: {  	v13 =	vld [tilespmem:s11+$0x0]  }
0x1ef: {  	p2 =	sne.s32 s4, $0x1  }
.Ltmp8:
0x1f0: {  	_ = 	snop;
	(pc) =	sbr.rel @!p2 .LBB2_15-.Ltmp8, $3  }
0x1f1: {  	_ =	sdelay $0x1  }
0x1f2: {  	s13 =	sadd.s32 $0xFFFFFFFF, s4;
	p1 =	por $0x1, $0x1;
	s7 =	simm.s32 $0x1430;
	[tilespmem:s11+$0xFFFFFFE0] =	vst v13  }
0x1f3: {  	s12 =	simm.s32 $0x1720;
	s8 =	simm.s32 $0x1A20;
	s4 =	simm.s32 $0x1D20;
	v13 =	vld [tilespmem:s7+$0x0]  }
.LBB2_16:
0x1f4: {  	p2 =	sne.s32 s13, $0x1;
	_ =	sdelay $0x3  }
0x1f5: {  	s12 =	sadd.s32 $0x10, s12;
	[tilespmem:s7+$0xFFFFFFE0] =	vst v13  }
0x1f6: {  	v13 =	vld [tilespmem:s12+$0x0];
	_ =	sdelay $0x4  }
0x1f7: {  	s8 =	sadd.s32 $0x10, s8;
	[tilespmem:s12+$0xFFFFFFE0] =	vst v13  }
0x1f8: {  	v13 =	vld [tilespmem:s8+$0x0];
	_ =	sdelay $0x4  }
0x1f9: {  	s4 =	sadd.s32 $0x10, s4;
	[tilespmem:s8+$0xFFFFFFE0] =	vst v13  }
0x1fa: {  	v13 =	vld [tilespmem:s4+$0x0];
	_ =	sdelay $0x1  }
.Ltmp9:
0x1fb: {  	(pc) =	sbr.rel @p2 .LBB2_16-.Ltmp9, $3  }
0x1fc: {  	_ =	sdelay $0x1  }
0x1fd: {  	s7 =	sadd.s32 $0x10, s7;
	[tilespmem:s4+$0xFFFFFFE0] =	vst v13  }
0x1fe: {  	s13 =	sadd.s32 $0xFFFFFFFF, s13;
	v13 =	vld [tilespmem:s7+$0x0]  }
.LBB2_17:
0x1ff: {  	_ =	sdelay $0x2  }
0x200: {  	s1 =	sadd.s32 @p1 $0x10, s12  }
0x201: {  	s6 =	smov.u32 @p1 s1;
	[tilespmem:s7+$0xFFFFFFE0] =	vst v13  }
0x202: {  	v13 =	vld [tilespmem:s6+$0x0];
	_ =	sdelay $0x3  }
0x203: {  	s1 =	sadd.s32 @p1 $0x10, s8  }
0x204: {  	s0 =	smov.u32 @p1 s1;
	[tilespmem:s6+$0xFFFFFFE0] =	vst v13  }
0x205: {  	v13 =	vld [tilespmem:s0+$0x0];
	_ =	sdelay $0x3  }
0x206: {  	s1 =	sadd.s32 @p1 $0x10, s4  }
0x207: {  	s11 =	smov.u32 @p1 s1;
	[tilespmem:s0+$0xFFFFFFE0] =	vst v13  }
0x208: {  	p1 =	sgt.u32 s19, $0x3F;
	v13 =	vld [tilespmem:s11+$0x0]  }
.Ltmp10:
0x209: {  	_ = 	snop;
	(pc) =	sbr.rel @p1 .LBB2_9-.Ltmp10, $4  }
.Ltmp11:
0x20a: {  	_ = 	snop;
	(pc) =	sbr.rel @!p1 .LBB2_18-.Ltmp11, $4  }
0x20b: {  	_ = 	snop  }
0x20c: {  	s0 =	sadd.s32 $0xFFFFFFE0, s19  }
0x20d: {  	s10 =	sadd.s32 $0xFFFFFFE0, s10;
	s19 =	smov.u32 s0;
	[tilespmem:s11+$0xFFFFFFE0] =	vst v13  }
0x20e: {  	_ = 	snop  }
.LBB2_13:
.Ltmp12:
0x20f: {  	(pc) =	sbr.rel .LBB2_17-.Ltmp12, $2  }
0x210: {  	_ =	sdelay $0x2  }
0x211: {  	s12 =	simm.s32 $0x1720;
	s8 =	simm.s32 $0x1A20;
	s4 =	simm.s32 $0x1D20  }
.LBB2_15:
.Ltmp13:
0x212: {  	(pc) =	sbr.rel .LBB2_17-.Ltmp13, $2  }
0x213: {  	_ =	sdelay $0x2  }
0x214: {  	s12 =	simm.s32 $0x1720;
	s8 =	simm.s32 $0x1A20;
	s4 =	simm.s32 $0x1D20  }
.LBB2_7:
.Ltmp14:
0x215: {  	(pc) =	sbr.rel .LBB2_18-.Ltmp14, $3  }
0x216: {  	_ =	sdelay $0x1  }
0x217: {  	s31 =	rddreg [dreg:$0x0]  }
0x218: {  	s0 =	smov.u32 s19;
	s3 =	rddreg [dreg:$0xb]  }
.LBB2_39:
0x219: {  	s0 =	simm.s32 $0x0  }
.LBB2_18:
0x21a: {  	s1 =	rddreg [dreg:$0xa]  }
0x21b: {  	[dreg:$0xb] =	wrdreg s3;
	s30 =	simm.s32 $0x2;
	s1 =	sshll.u32 s1, $0x1  }
0x21c: {  	_ =	swait.ge [sflag:s30], $0xA00;
	s1 =	smin.u32 s1, $0xF7  }
0x21d: {  	v13 =	vld [tilespmem:$0x1FFE0];
	s1 =	smul.u32 $0xA00, s1;
	_ =	sdelay $0x1  }
0x21e: {  	vm6 =	vcmask $0x300;
	vm7 =	vcmask $0x2320;
	s2 =	rddreg [dreg:$0x5];
	s1 =	sshrl.u32 s1, $0x3  }
0x21f: {  	s9 =	simm.s32 $0x0;
	vm8 =	vcmask $0x2B28;
	vm9 =	vcmask $0x3330;
	vm10 =	vcmask $0x3B38;
	[sflag:s30] =	ssyncset.done $0x0;
	s1 =	sadd.s32 s2, s1  }
0x220: {  	s10 =	simm.s32 $0x0;
	vm2 =	vcmask $0x1F1C;
	vm3 =	vcmask $0xB08;
	vm4 =	vcmask $0x1310;
	[sflag:s30] =	ssyncadd.s32 $0xFFFFF600;
	s1 =	sadd.s32 $0x280, s1  }
0x221: {  	vm0 =	vcmask $0x1B18;
	vm5 =	vcmask $0x2724;
	vm1 =	vnez.u8 v13;
	[tilespmem:s9], [sflag:$0x1] =	stream.linear.gather [hbm4b:s1+s9], $0xA00, $0x38;
	[tilespmem:$0x1F200] =	vst v63  }
.LBB2_19:
0x222: {  	s1 =	sand.u32 $0x70, s10;
	s2 =	sand.u32 $0xE00, s9  }
0x223: {  	s11 =	sor.u32 s1, s2  }
0x224: {  	v13 =	vld [tilespmem:s11+$0xA00];
	_ =	sdelay $0x4  }
0x225: {  	(v2sf) =	vpush v13, $0xD;
	_ =	sdelay $0x1  }
0x226: {  	(v2sf) =	vpush v13, $0xC;
	_ =	sdelay $0x1  }
0x227: {  	(v2sf) =	vpush v13, $0xE;
	_ =	sdelay $0x1  }
0x228: {  	(v2sf) =	vpush v13, $0xF;
	_ =	sdelay $0x1  }
0x229: {  	(v2sf) =	vpush v13, $0x9;
	_ =	sdelay $0x1  }
0x22a: {  	(v2sf) =	vpush v13, $0x8;
	_ =	sdelay $0x1  }
0x22b: {  	(v2sf) =	vpush v13, $0xA  }
0x22c: {  	(v2sf) =	vpush v13, $0xB  }
0x22d: {  	(v2sf) =	vpush v13, $0x0  }
0x22e: {  	s26 =	spop (v2sf)  }
0x22f: {  	(v2sf) =	vpush v13, $0x1;
	s2 =	smulhi.u32 $0x68DB8BAD, s26;
	s1 =	sshra.s32 s26, $0x1F  }
0x230: {  	s3 =	spop (v2sf);
	s1 =	smul.u32 $0x68DB8BAD, s1  }
0x231: {  	s5 =	smulhi.u32 $0x68DB8BAD, s3;
	s3 =	sshra.s32 s3, $0x1F  }
0x232: {  	(v2sf) =	vpush v13, $0x2;
	s4 =	spop (v2sf);
	s3 =	smul.u32 $0x68DB8BAD, s3  }
0x233: {  	s6 =	smulhi.u32 $0x68DB8BAD, s4;
	s4 =	sshra.s32 s4, $0x1F  }
0x234: {  	(v2sf) =	vpush v13, $0x3;
	s7 =	spop (v2sf);
	s8 =	smul.u32 $0x68DB8BAD, s4  }
0x235: {  	(v2sf) =	vpush v13, $0x4;
	s12 =	smulhi.u32 $0x68DB8BAD, s7;
	s28 =	sshra.s32 s7, $0x1F  }
0x236: {  	(v2sf) =	vpush v13, $0x5;
	s29 =	spop (v2sf);
	s15 =	smul.u32 $0x68DB8BAD, s28  }
0x237: {  	(v2sf) =	vpush v13, $0x6;
	s17 =	smulhi.u32 $0x68DB8BAD, s29;
	s7 =	sshra.s32 s29, $0x1F  }
0x238: {  	(v2sf) =	vpush v13, $0x7;
	s30 =	spop (v2sf);
	s7 =	smul.u32 $0x68DB8BAD, s7  }
0x239: {  	s18 =	smulhi.u32 $0x68DB8BAD, s30;
	s4 =	sshra.s32 s30, $0x1F  }
0x23a: {  	s13 =	spop (v2sf);
	s19 =	smul.u32 $0x68DB8BAD, s4  }
0x23b: {  	s14 =	spop (v2sf);
	s21 =	smulhi.u32 $0x68DB8BAD, s13;
	s13 =	sshra.s32 s13, $0x1F  }
0x23c: {  	s12 =	sadd.s32 s15, s12;
	s16 =	spop (v2sf);
	s23 =	smul.u32 $0x68DB8BAD, s13  }
0x23d: {  	s25 =	smulhi.u32 $0x68DB8BAD, s14;
	s14 =	sshra.s32 s14, $0x1F;
	s13 =	sadd.s32 s8, s6  }
0x23e: {  	s7 =	sadd.s32 s7, s17;
	s20 =	spop (v2sf);
	s28 =	smul.u32 $0x68DB8BAD, s14  }
0x23f: {  	s30 =	smulhi.u32 $0x68DB8BAD, s16;
	s16 =	sshra.s32 s16, $0x1F;
	s14 =	sadd.s32 s1, s2  }
0x240: {  	s8 =	sadd.s32 s19, s18;
	s19 =	sshrl.u32 s13, $0x1F;
	s1 =	smul.u32 $0x68DB8BAD, s16  }
0x241: {  	s22 =	spop (v2sf);
	s2 =	smulhi.u32 $0x68DB8BAD, s20;
	s20 =	sshra.s32 s20, $0x1F  }
0x242: {  	s16 =	sadd.s32 s3, s5;
	s5 =	sshrl.u32 s14, $0x1F;
	s3 =	smul.u32 $0x68DB8BAD, s20  }
0x243: {  	s6 =	sadd.s32 s23, s21;
	s20 =	smulhi.u32 $0x68DB8BAD, s22;
	s24 =	spop (v2sf)  }
0x244: {  	s15 =	sshra.s32 s22, $0x1F;
	s22 =	sshrl.u32 s16, $0x1F;
	s26 =	spop (v2sf)  }
0x245: {  	s17 =	smul.u32 $0x68DB8BAD, s15;
	s15 =	sadd.s32 s28, s25;
	s29 =	spop (v2sf)  }
0x246: {  	s18 =	smulhi.u32 $0x68DB8BAD, s24;
	s24 =	sshra.s32 s24, $0x1F;
	s4 =	spop (v2sf)  }
0x247: {  	s1 =	sadd.s32 s1, s30;
	s21 =	smul.u32 $0x68DB8BAD, s24;
	s28 =	spop (v2sf)  }
0x248: {  	v15 =	vmov s22;
	s2 =	sadd.s32 s3, s2;
	s25 =	smulhi.u32 $0x68DB8BAD, s28;
	s24 =	sshra.s32 s28, $0x1F  }
0x249: {  	v15 =	vsel vm3, s5, v15;
	s17 =	sadd.s32 s17, s20;
	s20 =	sshrl.u32 s7, $0x1F;
	s24 =	smul.u32 $0x68DB8BAD, s24  }
0x24a: {  	v15 =	vsel vm4, s19, v15;
	s19 =	sshrl.u32 s17, $0x1F;
	s23 =	smulhi.u32 $0x68DB8BAD, s26;
	s30 =	sshra.s32 s26, $0x1F  }
0x24b: {  	s3 =	smul.u32 $0x68DB8BAD, s30;
	s30 =	sshra.s32 s1, $0xC;
	s26 =	sadd.s32 s24, s25  }
0x24c: {  	s5 =	smulhi.u32 $0x68DB8BAD, s29;
	s29 =	sshra.s32 s29, $0x1F;
	s25 =	sshra.s32 s26, $0x1F  }
0x24d: {  	s18 =	sadd.s32 s21, s18;
	s21 =	sshrl.u32 s15, $0x1F;
	s22 =	smul.u32 $0x68DB8BAD, s29;
	v14 =	vmov s25  }
0x24e: {  	vm12 =	vcmask $0xF0C;
	s28 =	sshrl.u32 s12, $0x1F;
	v14 =	vsel vm6, s30, v14;
	s30 =	sshrl.u32 s1, $0x1F;
	s1 =	sshra.s32 s1, $0x1F  }
0x24f: {  	v15 =	vsel vm0, s28, v15;
	s24 =	sshrl.u32 s8, $0x1F;
	s8 =	sshra.s32 s8, $0xC;
	v16 =	vmov s30;
	v14 =	vsel vm14, s1, v14;
	s30 =	sshra.s32 s2, $0xC  }
0x250: {  	s3 =	sadd.s32 s3, s23;
	v17 =	vmov s24;
	v18 =	vmov s8;
	s25 =	sshrl.u32 s2, $0x1F;
	s2 =	sshra.s32 s2, $0x1F;
	v14 =	vsel vm3, s30, v14  }
0x251: {  	s23 =	sshrl.u32 s6, $0x1F;
	s29 =	sshrl.u32 s18, $0x1F;
	s28 =	sshra.s32 s17, $0xC;
	v17 =	vsel vm3, s20, v17;
	v16 =	vnsel vm6, $0x0, v16;
	v14 =	vsel vm12, s2, v14  }
0x252: {  	s17 =	sshra.s32 s17, $0x1F;
	s24 =	sshra.s32 s18, $0x1F;
	s20 =	sshra.s32 s18, $0xC;
	v17 =	vsel vm4, s23, v17;
	v16 =	vsel vm3, s25, v16;
	v14 =	vsel vm4, s28, v14  }
0x253: {  	s1 =	sadd.s32 s22, s5;
	v17 =	vsel vm0, s21, v17;
	s25 =	smulhi.u32 $0x68DB8BAD, s4;
	s4 =	sshra.s32 s4, $0x1F;
	v16 =	vsel vm4, s19, v16;
	v14 =	vsel vm13, s17, v14  }
0x254: {  	s23 =	sshrl.u32 s1, $0x1F;
	v15 =	vcombine.low v17, v15;
	s30 =	smul.u32 $0x68DB8BAD, s4;
	s19 =	sshrl.u32 s3, $0x1F;
	v16 =	vsel vm0, s29, v16;
	v14 =	vsel vm0, s20, v14  }
0x255: {  	vm12 =	vcmask $0x2F2C;
	s28 =	sshra.s32 s3, $0xC;
	s3 =	sshra.s32 s3, $0x1F;
	s29 =	sshra.s32 s16, $0xC;
	v16 =	vsel vm7, s19, v16;
	v14 =	vsel vm2, s24, v14  }
0x256: {  	s2 =	sadd.s32 s30, s25;
	s30 =	sshra.s32 s14, $0xC;
	v63 =	vmov s29;
	s14 =	sshra.s32 s7, $0xC;
	v16 =	vsel vm8, s23, v16;
	v14 =	vsel vm7, s28, v14  }
0x257: {  	s16 =	sshra.s32 s1, $0xC;
	s19 =	sshra.s32 s13, $0xC;
	s25 =	sshrl.u32 s2, $0x1F;
	v17 =	vsel vm3, s30, v63;
	v18 =	vsel vm3, s14, v18;
	v14 =	vsel vm5, s3, v14  }
0x258: {  	s21 =	sshra.s32 s12, $0xC;
	s1 =	sshra.s32 s1, $0x1F;
	s20 =	sshra.s32 s6, $0xC;
	v16 =	vsel vm9, s25, v16;
	v17 =	vsel vm4, s19, v17;
	v14 =	vsel vm8, s16, v14  }
0x259: {  	s22 =	sshra.s32 s15, $0xC;
	s23 =	sshra.s32 s2, $0xC;
	v18 =	vsel vm4, s20, v18;
	v17 =	vsel vm0, s21, v17;
	v14 =	vsel vm12, s1, v14  }
0x25a: {  	s24 =	sshrl.u32 s26, $0x1F;
	s25 =	sshra.s32 s2, $0x1F;
	v18 =	vsel vm0, s22, v18;
	vm12 =	vcmask $0x3734;
	v14 =	vsel vm9, s23, v14  }
0x25b: {  	s28 =	sshra.s32 s26, $0xC;
	v16 =	vsel vm10, s24, v16;
	v17 =	vcombine.low v18, v17;
	v14 =	vsel vm12, s25, v14  }
0x25c: {  	v15 =	vperm.xlane v15, v10;
	v16 =	vperm.xlane v16, v11;
	v14 =	vsel vm10, s28, v14  }
0x25d: {  	v17 =	vperm.xlane v17, v10;
	v14 =	vperm.xlane v14, v11;
	_ =	sdelay $0x1  }
0x25e: {  	v15 =	vsel vm1, v16, v15;
	v14 =	vsel vm1, v14, v17  }
0x25f: {  	v14 =	vadd.s32 v15, v14  }
0x260: {  	v14 =	vmul.u32 $0x2710, v14;
	_ =	sdelay $0x1  }
0x261: {  	v13 =	vsub.s32 v13, v14;
	v14 =	vld [tilespmem:$0x1FFD0];
	_ =	sdelay $0x3  }
0x262: {  	vm13 =	vge.s32 v13, v0  }
0x263: {  	vm14 =	vlt.s32 v13, v1;
	vm15 =	vgt.s32 v13, $0x26FF;
	vm12 =	vnez.u8 v14  }
0x264: {  	vm13 =	vmand vm13, vm14;
	vm14 =	vmand vm12, vm15  }
0x265: {  	vm14 =	vmor vm13, vm14  }
0x266: {  	v14 =	vsel vm14, $0x1, v4  }
0x267: {  	(xrf0) =	vadd.scan.msk.s32 $0xffff, v14;
	_ =	sdelay $0x2  }
0x268: {  	v14 =	vmov s0  }
0x269: {  	v14 =	vadd.s32 $0xFFFFFFFF, v14  }
0x26a: {  	v14 =	vbroadcast v14, $0x0  }
0x26b: {  	v15, _, _ =	vpop (xrf0)  }
0x26c: {  	v14 =	vadd.s32 v15, v14  }
0x26d: {  	v14 =	vnsel vm14, $0x2BF, v14;
	_ =	sdelay $0x2  }
0x26e: {  	v15 =	vnsel vm13, $0xFFFFDA38, v2  }
0x26f: {  	s17 =	simm.s32 $0x1400;
	v13 =	vadd.s32 v13, v15  }
0x270: {  	v15 =	vmpcnt.ones.xlane vm14;
	[tilespmem:v14+s17+$0x0] =	vst.idx.msk $0xffff, v13  }
0x271: {  	v13 =	vld [tilespmem:s11+$0xA80]  }
0x272: {  	(v2sf) =	vpush v15, $0x0;
	_ =	sdelay $0x2  }
0x273: {  	s18 =	simm.s32 $0x1700  }
0x274: {  	[tilespmem:v14+s18+$0x0] =	vst.idx.msk $0xffff, v13  }
0x275: {  	v13 =	vld [tilespmem:s11+$0xB00];
	_ =	sdelay $0x3  }
0x276: {  	s30 =	simm.s32 $0x1A00  }
0x277: {  	[tilespmem:v14+s30+$0x0] =	vst.idx.msk $0xffff, v13  }
0x278: {  	p1 =	seq.s32 s10, $0x270;
	v13 =	vld [tilespmem:s11+$0xB80]  }
.Ltmp15:
0x279: {  	_ = 	snop;
	(pc) =	sbr.rel @!p1 .LBB2_19-.Ltmp15, $3  }
0x27a: {  	_ =	sdelay $0x1  }
0x27b: {  	s4 =	smov.u32 s0;
	s29 =	simm.s32 $0x1D00;
	s6 =	spop (v2sf)  }
0x27c: {  	s9 =	sadd.s32 $0x40, s9;
	s10 =	sadd.s32 $0x10, s10;
	vm13 =	vcmask $0x1714;
	vm14 =	vmmov vm11;
	s0 =	sadd.s32 s4, s6;
	[tilespmem:v14+s29+$0x0] =	vst.idx.msk $0xffff, v13  }
0x27d: {  	p1 =	slt.s32 s0, $0x20  }
.Ltmp16:
0x27e: {  	_ = 	snop;
	(pc) =	sbr.rel @p1 .LBB2_21-.Ltmp16, $1  }
0x27f: {  	_ =	sdelay $0x3  }
0x280: {  	v13 =	vld [tilespmem:$0x1FFE0];
	_ =	sdelay $0x4  }
0x281: {  	vm10 =	vnez.u8 v13;
	v13 =	vld [tilespmem:$0x1FFF0];
	_ =	sdelay $0x1  }
0x282: {  	vm5 =	vcmask $0x300;
	vm6 =	vcmask $0x2320  }
0x283: {  	vm7 =	vcmask $0x2B28;
	vm8 =	vcmask $0x3330;
	vm9 =	vcmask $0x3B38  }
0x284: {  	s1 =	sadd.s32 s4, s6;
	s17 =	rddreg [dreg:$0x1];
	s5 =	simm.s32 $0x3;
	vm11 =	vcmask $0x1F1C;
	vm2 =	vcmask $0xB08;
	vm3 =	vcmask $0x1310  }
0x285: {  	vm4 =	vcmask $0x1B18;
	vm12 =	vcmask $0x2724;
	s18 =	simm.s32 $0x4;
	s3 =	rddreg [dreg:$0xb];
	s10 =	sadd.s32 $0xFFFFFFEF, s1;
	vm1 =	vnez.u8 v13  }
.LBB2_23:
0x286: {  	_ =	swait.ge [sflag:s5], $0x2000  }
0x287: {  	[sflag:s5] =	ssyncset.done $0x0  }
0x288: {  	[sflag:s5] =	ssyncadd.s32 $0xFFFFE000  }
0x289: {  	_ =	swait.ge [sflag:s18], $0x2000  }
0x28a: {  	[sflag:s18] =	ssyncset.done $0x0  }
0x28b: {  	[sflag:s18] =	ssyncadd.s32 $0xFFFFE000  }
0x28c: {  	v13 =	vld [tilespmem:$0x1700]  }
0x28d: {  	v14 =	vld [tilespmem:$0x1A00]  }
0x28e: {  	v15 =	vld [tilespmem:$0x1400];
	_ =	sdelay $0x2  }
0x28f: {  	[tilespmem:$0x2000] =	vst v13  }
0x290: {  	s1 =	sshll.u32 s3, $0x5;
	[tilespmem:$0x2080] =	vst v14  }
0x291: {  	[tilespmem:s1+$0x2100] =	vst v15  }
0x292: {  	v13 =	vld [tilespmem:$0x1D00];
	_ =	sdelay $0x4  }
0x293: {  	[tilespmem:s1+$0x2180] =	vst v13  }
0x294: {  	v13 =	vld [tilespmem:$0x1710]  }
0x295: {  	v14 =	vld [tilespmem:$0x1A10]  }
0x296: {  	v15 =	vld [tilespmem:$0x1410];
	_ =	sdelay $0x2  }
0x297: {  	[tilespmem:$0x2010] =	vst v13  }
0x298: {  	[tilespmem:$0x2090] =	vst v14  }
0x299: {  	[tilespmem:s1+$0x2110] =	vst v15  }
0x29a: {  	v13 =	vld [tilespmem:$0x1D10];
	_ =	sdelay $0x4  }
0x29b: {  	[tilespmem:s1+$0x2190] =	vst v13  }
0x29c: {  	v13 =	vld [tilespmem:$0x2000];
	_ =	sdelay $0x4  }
0x29d: {  	v14 =	vshll.u32 v13, $0x1  }
0x29e: {  	v13 =	vand.u32 $0x7, v13;
	v14 =	vand.u32 $0xFFFFFFF0, v14  }
0x29f: {  	v13 =	vor.u32 v13, v14  }
0x2a0: {  	v14 =	vperm.xlane v13, v7;
	_ =	sdelay $0x1  }
0x2a1: {  	v13 =	vperm.xlane v13, v9;
	v14 =	vadd.s32 v8, v14;
	_ =	sdelay $0x1  }
0x2a2: {  	v13 =	vadd.s32 v8, v13  }
0x2a3: {  	s19 =	sshll.u32 s3, $0xD  }
0x2a4: {  	s4 =	simm.s32 $0x0;
	s2 =	sadd.s32 $0x2200, s19  }
0x2a5: {  	[tilespmem:s2], [sflag:$0x3] =	stream.indirect_vreg.gather [hbm4b:s31+s4], $0x80, v14, vm1, $0xb8;
	[tilespmem:$0x1F200] =	vst v63  }
0x2a6: {  	s20 =	sadd.s32 $0x2A00, s19  }
0x2a7: {  	[tilespmem:s20], [sflag:$0x3] =	stream.indirect_vreg.gather [hbm4b:s31+s4], $0x80, v13, vm1, $0xb8;
	[tilespmem:$0x1F200] =	vst v63  }
0x2a8: {  	v13 =	vld [tilespmem:$0x2010];
	_ =	sdelay $0x4  }
0x2a9: {  	v14 =	vshll.u32 v13, $0x1  }
0x2aa: {  	v13 =	vand.u32 $0x7, v13;
	v14 =	vand.u32 $0xFFFFFFF0, v14  }
0x2ab: {  	v13 =	vor.u32 v13, v14  }
0x2ac: {  	v14 =	vperm.xlane v13, v7;
	_ =	sdelay $0x1  }
0x2ad: {  	v13 =	vperm.xlane v13, v9;
	v14 =	vadd.s32 v8, v14;
	_ =	sdelay $0x1  }
0x2ae: {  	v13 =	vadd.s32 v8, v13;
	_ =	sdelay $0x1  }
0x2af: {  	s21 =	sadd.s32 $0x3200, s19  }
0x2b0: {  	[tilespmem:s21], [sflag:$0x3] =	stream.indirect_vreg.gather [hbm4b:s31+s4], $0x80, v14, vm1, $0xb8;
	[tilespmem:$0x1F200] =	vst v63  }
0x2b1: {  	s22 =	sadd.s32 $0x3A00, s19  }
0x2b2: {  	[tilespmem:s22], [sflag:$0x3] =	stream.indirect_vreg.gather [hbm4b:s31+s4], $0x80, v13, vm1, $0xb8;
	[tilespmem:$0x1F200] =	vst v63  }
0x2b3: {  	v13 =	vld [tilespmem:$0x2080];
	_ =	sdelay $0x4  }
0x2b4: {  	v14 =	vshll.u32 v13, $0x1  }
0x2b5: {  	v13 =	vand.u32 $0x7, v13;
	v14 =	vand.u32 $0xFFFFFFF0, v14  }
0x2b6: {  	v13 =	vor.u32 v13, v14  }
0x2b7: {  	v14 =	vperm.xlane v13, v7;
	_ =	sdelay $0x1  }
0x2b8: {  	v13 =	vperm.xlane v13, v9;
	v14 =	vadd.s32 v8, v14;
	_ =	sdelay $0x1  }
0x2b9: {  	v13 =	vadd.s32 v8, v13;
	_ =	sdelay $0x1  }
0x2ba: {  	s23 =	sadd.s32 $0x6200, s19  }
0x2bb: {  	[tilespmem:s23], [sflag:$0x4] =	stream.indirect_vreg.gather [hbm4b:s17+s4], $0x80, v14, vm1, $0xb8;
	[tilespmem:$0x1F200] =	vst v63  }
0x2bc: {  	s24 =	sadd.s32 $0x6A00, s19  }
0x2bd: {  	[tilespmem:s24], [sflag:$0x4] =	stream.indirect_vreg.gather [hbm4b:s17+s4], $0x80, v13, vm1, $0xb8;
	[tilespmem:$0x1F200] =	vst v63  }
0x2be: {  	v13 =	vld [tilespmem:$0x2090];
	_ =	sdelay $0x4  }
0x2bf: {  	v14 =	vshll.u32 v13, $0x1  }
0x2c0: {  	v13 =	vand.u32 $0x7, v13;
	v14 =	vand.u32 $0xFFFFFFF0, v14  }
0x2c1: {  	v13 =	vor.u32 v13, v14  }
0x2c2: {  	v14 =	vperm.xlane v13, v7;
	_ =	sdelay $0x1  }
0x2c3: {  	v13 =	vperm.xlane v13, v9;
	v14 =	vadd.s32 v8, v14;
	_ =	sdelay $0x1  }
0x2c4: {  	s28 =	sshll.u32 s3, $0x7;
	v13 =	vadd.s32 v8, v13  }
0x2c5: {  	s2 =	ssub.s32 $0x0, s28  }
0x2c6: {  	s25 =	sadd.s32 $0x7200, s19;
	s2 =	sshra.s32 s2, $0x2  }
0x2c7: {  	[tilespmem:s25], [sflag:$0x4] =	stream.indirect_vreg.gather [hbm4b:s17+s4], $0x80, v14, vm1, $0xb8;
	[tilespmem:$0x1F200] =	vst v63  }
0x2c8: {  	s26 =	sadd.s32 $0x7A00, s19;
	s9 =	sadd.s32 $0x2120, s2  }
0x2c9: {  	[tilespmem:s26], [sflag:$0x4] =	stream.indirect_vreg.gather [hbm4b:s17+s4], $0x80, v13, vm1, $0xb8;
	[tilespmem:$0x1F200] =	vst v63  }
0x2ca: {  	v13 =	vld [tilespmem:s9+$0x0];
	_ =	sdelay $0x4  }
0x2cb: {  	(v2sf) =	vpush v13, $0x0;
	_ =	sdelay $0x5  }
0x2cc: {  	s11 =	ssub.s32 $0x2000, s19  }
0x2cd: {  	s1 =	sand.u32 $0x3800, s11;
	s4 =	sand.u32 $0x380, s4  }
0x2ce: {  	s13 =	sor.u32 s4, s1  }
0x2cf: {  	v14 =	vld [tilespmem:s13+$0x6200]  }
0x2d0: {  	v15 =	vld [tilespmem:s13+$0x2200]  }
0x2d1: {  	s12 =	sadd.s32 $0x21A0, s2  }
0x2d2: {  	v13 =	vld.msk [tilespmem:s12+$0x0 ss:$0x0], $0xffff;
	_ =	sdelay $0x2  }
0x2d3: {  	v14 =	vsub.f32 v15, v14;
	s29 =	spop (v2sf)  }
0x2d4: {  	s30 =	sshll.u32 s29, $0x8;
	s1 =	sshll.u32 s29, $0x7  }
0x2d5: {  	v14 =	vmul.f32 v14, v13;
	s2 =	sand.u32 $0xFFFFF800, s30;
	s1 =	sand.u32 $0x380, s1  }
0x2d6: {  	s14 =	sor.u32 s1, s2  }
0x2d7: {  	[tilespmem:s14+$0xA200] =	vst.add.f32.msk $0xffff, v14  }
0x2d8: {  	v14 =	vld [tilespmem:s13+$0x2210]  }
0x2d9: {  	v15 =	vld [tilespmem:s13+$0x6210];
	_ =	sdelay $0x4  }
0x2da: {  	v14 =	vsub.f32 v14, v15;
	_ =	sdelay $0x1  }
0x2db: {  	v14 =	vmul.f32 v14, v13;
	_ =	sdelay $0x1  }
0x2dc: {  	[tilespmem:s14+$0xA210] =	vst.add.f32.msk $0xffff, v14  }
0x2dd: {  	v14 =	vld [tilespmem:s13+$0x2220]  }
0x2de: {  	v15 =	vld [tilespmem:s13+$0x6220];
	_ =	sdelay $0x4  }
0x2df: {  	v14 =	vsub.f32 v14, v15;
	_ =	sdelay $0x1  }
0x2e0: {  	v14 =	vmul.f32 v14, v13;
	_ =	sdelay $0x1  }
0x2e1: {  	[tilespmem:s14+$0xA220] =	vst.add.f32.msk $0xffff, v14  }
0x2e2: {  	v14 =	vld [tilespmem:s13+$0x2230]  }
0x2e3: {  	v15 =	vld [tilespmem:s13+$0x6230];
	_ =	sdelay $0x4  }
0x2e4: {  	v14 =	vsub.f32 v14, v15;
	_ =	sdelay $0x1  }
0x2e5: {  	v14 =	vmul.f32 v14, v13;
	_ =	sdelay $0x1  }
0x2e6: {  	[tilespmem:s14+$0xA230] =	vst.add.f32.msk $0xffff, v14  }
0x2e7: {  	v14 =	vld [tilespmem:s13+$0x2240]  }
0x2e8: {  	v15 =	vld [tilespmem:s13+$0x6240];
	_ =	sdelay $0x4  }
0x2e9: {  	v14 =	vsub.f32 v14, v15;
	_ =	sdelay $0x1  }
0x2ea: {  	v14 =	vmul.f32 v14, v13;
	_ =	sdelay $0x1  }
0x2eb: {  	[tilespmem:s14+$0xA240] =	vst.add.f32.msk $0xffff, v14  }
0x2ec: {  	v14 =	vld [tilespmem:s13+$0x2250]  }
0x2ed: {  	v15 =	vld [tilespmem:s13+$0x6250];
	_ =	sdelay $0x4  }
0x2ee: {  	v14 =	vsub.f32 v14, v15;
	_ =	sdelay $0x1  }
0x2ef: {  	v14 =	vmul.f32 v14, v13;
	_ =	sdelay $0x1  }
0x2f0: {  	[tilespmem:s14+$0xA250] =	vst.add.f32.msk $0xffff, v14  }
0x2f1: {  	v14 =	vld [tilespmem:s13+$0x2260]  }
0x2f2: {  	v15 =	vld [tilespmem:s13+$0x6260];
	_ =	sdelay $0x4  }
0x2f3: {  	v14 =	vsub.f32 v14, v15;
	_ =	sdelay $0x1  }
0x2f4: {  	v14 =	vmul.f32 v14, v13;
	_ =	sdelay $0x1  }
0x2f5: {  	[tilespmem:s14+$0xA260] =	vst.add.f32.msk $0xffff, v14  }
0x2f6: {  	v14 =	vld [tilespmem:s13+$0x2270]  }
0x2f7: {  	v15 =	vld [tilespmem:s13+$0x6270];
	_ =	sdelay $0x4  }
0x2f8: {  	v14 =	vsub.f32 v14, v15;
	_ =	sdelay $0x1  }
0x2f9: {  	v14 =	vmul.f32 v14, v13;
	_ =	sdelay $0x1  }
0x2fa: {  	[tilespmem:s14+$0xA270] =	vst.add.f32.msk $0xffff, v14  }
0x2fb: {  	v14 =	vld [tilespmem:s13+$0x2600]  }
0x2fc: {  	v15 =	vld [tilespmem:s13+$0x6600];
	_ =	sdelay $0x4  }
0x2fd: {  	v14 =	vsub.f32 v14, v15;
	_ =	sdelay $0x1  }
0x2fe: {  	v14 =	vmul.f32 v14, v13;
	_ =	sdelay $0x1  }
0x2ff: {  	[tilespmem:s14+$0xA600] =	vst.add.f32.msk $0xffff, v14  }
0x300: {  	v14 =	vld [tilespmem:s13+$0x2610]  }
0x301: {  	v15 =	vld [tilespmem:s13+$0x6610];
	_ =	sdelay $0x4  }
0x302: {  	v14 =	vsub.f32 v14, v15;
	_ =	sdelay $0x1  }
0x303: {  	v14 =	vmul.f32 v14, v13;
	_ =	sdelay $0x1  }
0x304: {  	[tilespmem:s14+$0xA610] =	vst.add.f32.msk $0xffff, v14  }
0x305: {  	v14 =	vld [tilespmem:s13+$0x2620]  }
0x306: {  	v15 =	vld [tilespmem:s13+$0x6620];
	_ =	sdelay $0x4  }
0x307: {  	v14 =	vsub.f32 v14, v15;
	_ =	sdelay $0x1  }
0x308: {  	v14 =	vmul.f32 v14, v13;
	_ =	sdelay $0x1  }
0x309: {  	[tilespmem:s14+$0xA620] =	vst.add.f32.msk $0xffff, v14  }
0x30a: {  	v14 =	vld [tilespmem:s13+$0x2630]  }
0x30b: {  	v15 =	vld [tilespmem:s13+$0x6630];
	_ =	sdelay $0x4  }
0x30c: {  	v14 =	vsub.f32 v14, v15;
	_ =	sdelay $0x1  }
0x30d: {  	v14 =	vmul.f32 v14, v13;
	_ =	sdelay $0x1  }
0x30e: {  	[tilespmem:s14+$0xA630] =	vst.add.f32.msk $0xffff, v14  }
0x30f: {  	v14 =	vld [tilespmem:s13+$0x2640]  }
0x310: {  	v15 =	vld [tilespmem:s13+$0x6640];
	_ =	sdelay $0x4  }
0x311: {  	v14 =	vsub.f32 v14, v15;
	_ =	sdelay $0x1  }
0x312: {  	v14 =	vmul.f32 v14, v13;
	_ =	sdelay $0x1  }
0x313: {  	[tilespmem:s14+$0xA640] =	vst.add.f32.msk $0xffff, v14  }
0x314: {  	v14 =	vld [tilespmem:s13+$0x2650]  }
0x315: {  	v15 =	vld [tilespmem:s13+$0x6650];
	_ =	sdelay $0x4  }
0x316: {  	v14 =	vsub.f32 v14, v15;
	_ =	sdelay $0x1  }
0x317: {  	v14 =	vmul.f32 v14, v13;
	_ =	sdelay $0x1  }
0x318: {  	[tilespmem:s14+$0xA650] =	vst.add.f32.msk $0xffff, v14  }
0x319: {  	v14 =	vld [tilespmem:s13+$0x2660]  }
0x31a: {  	s15 =	sshrl.u32 s10, $0x4;
	s3 =	sxor.u32 $0x1, s3;
	s16 =	simm.s32 $0x80;
	v15 =	vld [tilespmem:s13+$0x6660]  }
.LBB2_24:
0x31b: {  	_ =	sdelay $0x3  }
0x31c: {  	s11 =	sadd.s32 $0x100, s11;
	s12 =	sadd.s32 $0x1, s12;
	s9 =	sadd.s32 $0x1, s9;
	v14 =	vsub.f32 v14, v15  }
0x31d: {  	p1 =	sne.s32 s16, $0xF80;
	s1 =	smov.u32 s16;
	s16 =	sadd.s32 $0x80, s16  }
0x31e: {  	v14 =	vmul.f32 v14, v13;
	_ =	sdelay $0x1  }
0x31f: {  	[tilespmem:s14+$0xA660] =	vst.add.f32.msk $0xffff, v14  }
0x320: {  	v14 =	vld [tilespmem:s13+$0x2670]  }
0x321: {  	v15 =	vld [tilespmem:s13+$0x6670];
	_ =	sdelay $0x4  }
0x322: {  	v14 =	vsub.f32 v14, v15;
	_ =	sdelay $0x1  }
0x323: {  	v13 =	vmul.f32 v14, v13;
	_ =	sdelay $0x1  }
0x324: {  	[tilespmem:s14+$0xA670] =	vst.add.f32.msk $0xffff, v13  }
0x325: {  	v13 =	vld [tilespmem:s9+$0x0];
	_ =	sdelay $0x4  }
0x326: {  	(v2sf) =	vpush v13, $0x0;
	_ =	sdelay $0x6  }
0x327: {  	s2 =	sand.u32 $0x3800, s11;
	s1 =	sand.u32 $0x380, s1  }
0x328: {  	s13 =	sor.u32 s1, s2  }
0x329: {  	v14 =	vld [tilespmem:s13+$0x6200]  }
0x32a: {  	v15 =	vld [tilespmem:s13+$0x2200]  }
0x32b: {  	v13 =	vld.msk [tilespmem:s12+$0x0 ss:$0x0], $0xffff;
	_ =	sdelay $0x3  }
0x32c: {  	v14 =	vsub.f32 v15, v14;
	s1 =	spop (v2sf)  }
0x32d: {  	s2 =	sshll.u32 s1, $0x8;
	s1 =	sshll.u32 s1, $0x7  }
0x32e: {  	v14 =	vmul.f32 v14, v13;
	s2 =	sand.u32 $0xFFFFF800, s2;
	s1 =	sand.u32 $0x380, s1  }
0x32f: {  	s14 =	sor.u32 s1, s2  }
0x330: {  	[tilespmem:s14+$0xA200] =	vst.add.f32.msk $0xffff, v14  }
0x331: {  	v14 =	vld [tilespmem:s13+$0x2210]  }
0x332: {  	v15 =	vld [tilespmem:s13+$0x6210];
	_ =	sdelay $0x4  }
0x333: {  	v14 =	vsub.f32 v14, v15;
	_ =	sdelay $0x1  }
0x334: {  	v14 =	vmul.f32 v14, v13;
	_ =	sdelay $0x1  }
0x335: {  	[tilespmem:s14+$0xA210] =	vst.add.f32.msk $0xffff, v14  }
0x336: {  	v14 =	vld [tilespmem:s13+$0x2220]  }
0x337: {  	v15 =	vld [tilespmem:s13+$0x6220];
	_ =	sdelay $0x4  }
0x338: {  	v14 =	vsub.f32 v14, v15;
	_ =	sdelay $0x1  }
0x339: {  	v14 =	vmul.f32 v14, v13;
	_ =	sdelay $0x1  }
0x33a: {  	[tilespmem:s14+$0xA220] =	vst.add.f32.msk $0xffff, v14  }
0x33b: {  	v14 =	vld [tilespmem:s13+$0x2230]  }
0x33c: {  	v15 =	vld [tilespmem:s13+$0x6230];
	_ =	sdelay $0x4  }
0x33d: {  	v14 =	vsub.f32 v14, v15;
	_ =	sdelay $0x1  }
0x33e: {  	v14 =	vmul.f32 v14, v13;
	_ =	sdelay $0x1  }
0x33f: {  	[tilespmem:s14+$0xA230] =	vst.add.f32.msk $0xffff, v14  }
0x340: {  	v14 =	vld [tilespmem:s13+$0x2240]  }
0x341: {  	v15 =	vld [tilespmem:s13+$0x6240];
	_ =	sdelay $0x4  }
0x342: {  	v14 =	vsub.f32 v14, v15;
	_ =	sdelay $0x1  }
0x343: {  	v14 =	vmul.f32 v14, v13;
	_ =	sdelay $0x1  }
0x344: {  	[tilespmem:s14+$0xA240] =	vst.add.f32.msk $0xffff, v14  }
0x345: {  	v14 =	vld [tilespmem:s13+$0x2250]  }
0x346: {  	v15 =	vld [tilespmem:s13+$0x6250];
	_ =	sdelay $0x4  }
0x347: {  	v14 =	vsub.f32 v14, v15;
	_ =	sdelay $0x1  }
0x348: {  	v14 =	vmul.f32 v14, v13;
	_ =	sdelay $0x1  }
0x349: {  	[tilespmem:s14+$0xA250] =	vst.add.f32.msk $0xffff, v14  }
0x34a: {  	v14 =	vld [tilespmem:s13+$0x2260]  }
0x34b: {  	v15 =	vld [tilespmem:s13+$0x6260];
	_ =	sdelay $0x4  }
0x34c: {  	v14 =	vsub.f32 v14, v15;
	_ =	sdelay $0x1  }
0x34d: {  	v14 =	vmul.f32 v14, v13;
	_ =	sdelay $0x1  }
0x34e: {  	[tilespmem:s14+$0xA260] =	vst.add.f32.msk $0xffff, v14  }
0x34f: {  	v14 =	vld [tilespmem:s13+$0x2270]  }
0x350: {  	v15 =	vld [tilespmem:s13+$0x6270];
	_ =	sdelay $0x4  }
0x351: {  	v14 =	vsub.f32 v14, v15;
	_ =	sdelay $0x1  }
0x352: {  	v14 =	vmul.f32 v14, v13;
	_ =	sdelay $0x1  }
0x353: {  	[tilespmem:s14+$0xA270] =	vst.add.f32.msk $0xffff, v14  }
0x354: {  	v14 =	vld [tilespmem:s13+$0x2600]  }
0x355: {  	v15 =	vld [tilespmem:s13+$0x6600];
	_ =	sdelay $0x4  }
0x356: {  	v14 =	vsub.f32 v14, v15;
	_ =	sdelay $0x1  }
0x357: {  	v14 =	vmul.f32 v14, v13;
	_ =	sdelay $0x1  }
0x358: {  	[tilespmem:s14+$0xA600] =	vst.add.f32.msk $0xffff, v14  }
0x359: {  	v14 =	vld [tilespmem:s13+$0x2610]  }
0x35a: {  	v15 =	vld [tilespmem:s13+$0x6610];
	_ =	sdelay $0x4  }
0x35b: {  	v14 =	vsub.f32 v14, v15;
	_ =	sdelay $0x1  }
0x35c: {  	v14 =	vmul.f32 v14, v13;
	_ =	sdelay $0x1  }
0x35d: {  	[tilespmem:s14+$0xA610] =	vst.add.f32.msk $0xffff, v14  }
0x35e: {  	v14 =	vld [tilespmem:s13+$0x2620]  }
0x35f: {  	v15 =	vld [tilespmem:s13+$0x6620];
	_ =	sdelay $0x4  }
0x360: {  	v14 =	vsub.f32 v14, v15;
	_ =	sdelay $0x1  }
0x361: {  	v14 =	vmul.f32 v14, v13;
	_ =	sdelay $0x1  }
0x362: {  	[tilespmem:s14+$0xA620] =	vst.add.f32.msk $0xffff, v14  }
0x363: {  	v14 =	vld [tilespmem:s13+$0x2630]  }
0x364: {  	v15 =	vld [tilespmem:s13+$0x6630];
	_ =	sdelay $0x4  }
0x365: {  	v14 =	vsub.f32 v14, v15;
	_ =	sdelay $0x1  }
0x366: {  	v14 =	vmul.f32 v14, v13;
	_ =	sdelay $0x1  }
0x367: {  	[tilespmem:s14+$0xA630] =	vst.add.f32.msk $0xffff, v14  }
0x368: {  	v14 =	vld [tilespmem:s13+$0x2640]  }
0x369: {  	v15 =	vld [tilespmem:s13+$0x6640];
	_ =	sdelay $0x4  }
0x36a: {  	v14 =	vsub.f32 v14, v15;
	_ =	sdelay $0x1  }
0x36b: {  	v14 =	vmul.f32 v14, v13;
	_ =	sdelay $0x1  }
0x36c: {  	[tilespmem:s14+$0xA640] =	vst.add.f32.msk $0xffff, v14  }
0x36d: {  	v14 =	vld [tilespmem:s13+$0x2650]  }
0x36e: {  	v15 =	vld [tilespmem:s13+$0x6650];
	_ =	sdelay $0x4  }
0x36f: {  	v14 =	vsub.f32 v14, v15;
	_ =	sdelay $0x1  }
.Ltmp17:
0x370: {  	v14 =	vmul.f32 v14, v13;
	(pc) =	sbr.rel @p1 .LBB2_24-.Ltmp17, $4  }
0x371: {  	_ = 	snop  }
0x372: {  	[tilespmem:s14+$0xA650] =	vst.add.f32.msk $0xffff, v14  }
0x373: {  	v14 =	vld [tilespmem:s13+$0x2660]  }
0x374: {  	v15 =	vld [tilespmem:s13+$0x6660]  }
0x375: {  	_ =	sdelay $0x3  }
0x376: {  	v14 =	vsub.f32 v14, v15;
	_ =	sdelay $0x1  }
0x377: {  	v14 =	vmul.f32 v14, v13;
	_ =	sdelay $0x1  }
0x378: {  	[tilespmem:s14+$0xA660] =	vst.add.f32.msk $0xffff, v14  }
0x379: {  	v14 =	vld [tilespmem:s13+$0x2670]  }
0x37a: {  	v15 =	vld [tilespmem:s13+$0x6670];
	_ =	sdelay $0x3  }
0x37b: {  	p1 =	slt.s32 s0, $0x21  }
.Ltmp18:
0x37c: {  	v14 =	vsub.f32 v14, v15;
	(pc) =	sbr.rel @p1 .LBB2_40-.Ltmp18, $3  }
0x37d: {  	_ = 	snop  }
0x37e: {  	v13 =	vmul.f32 v14, v13;
	_ =	sdelay $0x1  }
0x37f: {  	[tilespmem:s14+$0xA670] =	vst.add.f32.msk $0xffff, v13  }
0x380: {  	p2 =	sne.s32 s15, $0x1  }
.Ltmp19:
0x381: {  	_ = 	snop;
	(pc) =	sbr.rel @!p2 .LBB2_27-.Ltmp19, $3  }
0x382: {  	_ =	sdelay $0x1  }
0x383: {  	s7 =	simm.s32 $0x1420;
	s6 =	simm.s32 $0x1720;
	s9 =	simm.s32 $0x1A20  }
0x384: {  	s11 =	simm.s32 $0x1D20;
	s4 =	sadd.s32 $0xFFFFFFFF, s15;
	p1 =	por $0x0, $0x0;
	v13 =	vld [tilespmem:s7+$0x0]  }
0x385: {  	_ =	sdelay $0x3  }
0x386: {  	[tilespmem:s7+$0xFFFFFFE0] =	vst v13  }
0x387: {  	v13 =	vld [tilespmem:s6+$0x0];
	_ =	sdelay $0x4  }
0x388: {  	[tilespmem:s6+$0xFFFFFFE0] =	vst v13  }
0x389: {  	v13 =	vld [tilespmem:s9+$0x0];
	_ =	sdelay $0x4  }
0x38a: {  	[tilespmem:s9+$0xFFFFFFE0] =	vst v13  }
0x38b: {  	v13 =	vld [tilespmem:s11+$0x0]  }
0x38c: {  	p2 =	sne.s32 s4, $0x1  }
.Ltmp20:
0x38d: {  	_ = 	snop;
	(pc) =	sbr.rel @!p2 .LBB2_29-.Ltmp20, $3  }
0x38e: {  	_ =	sdelay $0x1  }
0x38f: {  	s13 =	sadd.s32 $0xFFFFFFFF, s4;
	p1 =	por $0x1, $0x1;
	s7 =	simm.s32 $0x1430;
	[tilespmem:s11+$0xFFFFFFE0] =	vst v13  }
0x390: {  	s12 =	simm.s32 $0x1720;
	s8 =	simm.s32 $0x1A20;
	s4 =	simm.s32 $0x1D20;
	v13 =	vld [tilespmem:s7+$0x0]  }
.LBB2_30:
0x391: {  	p2 =	sne.s32 s13, $0x1;
	_ =	sdelay $0x3  }
0x392: {  	s12 =	sadd.s32 $0x10, s12;
	[tilespmem:s7+$0xFFFFFFE0] =	vst v13  }
0x393: {  	v13 =	vld [tilespmem:s12+$0x0];
	_ =	sdelay $0x4  }
0x394: {  	s8 =	sadd.s32 $0x10, s8;
	[tilespmem:s12+$0xFFFFFFE0] =	vst v13  }
0x395: {  	v13 =	vld [tilespmem:s8+$0x0];
	_ =	sdelay $0x4  }
0x396: {  	s4 =	sadd.s32 $0x10, s4;
	[tilespmem:s8+$0xFFFFFFE0] =	vst v13  }
0x397: {  	v13 =	vld [tilespmem:s4+$0x0];
	_ =	sdelay $0x1  }
.Ltmp21:
0x398: {  	(pc) =	sbr.rel @p2 .LBB2_30-.Ltmp21, $3  }
0x399: {  	_ =	sdelay $0x1  }
0x39a: {  	s7 =	sadd.s32 $0x10, s7;
	[tilespmem:s4+$0xFFFFFFE0] =	vst v13  }
0x39b: {  	s13 =	sadd.s32 $0xFFFFFFFF, s13;
	v13 =	vld [tilespmem:s7+$0x0]  }
.LBB2_31:
0x39c: {  	_ =	sdelay $0x2  }
0x39d: {  	s1 =	sadd.s32 @p1 $0x10, s12  }
0x39e: {  	s6 =	smov.u32 @p1 s1;
	[tilespmem:s7+$0xFFFFFFE0] =	vst v13  }
0x39f: {  	v13 =	vld [tilespmem:s6+$0x0];
	_ =	sdelay $0x3  }
0x3a0: {  	s1 =	sadd.s32 @p1 $0x10, s8  }
0x3a1: {  	s9 =	smov.u32 @p1 s1;
	[tilespmem:s6+$0xFFFFFFE0] =	vst v13  }
0x3a2: {  	v13 =	vld [tilespmem:s9+$0x0];
	_ =	sdelay $0x3  }
0x3a3: {  	s1 =	sadd.s32 @p1 $0x10, s4  }
0x3a4: {  	s11 =	smov.u32 @p1 s1;
	[tilespmem:s9+$0xFFFFFFE0] =	vst v13  }
0x3a5: {  	p1 =	sgt.u32 s0, $0x3F;
	v13 =	vld [tilespmem:s11+$0x0]  }
.Ltmp22:
0x3a6: {  	_ = 	snop;
	(pc) =	sbr.rel @p1 .LBB2_23-.Ltmp22, $4  }
.Ltmp23:
0x3a7: {  	_ = 	snop;
	(pc) =	sbr.rel @!p1 .LBB2_32-.Ltmp23, $4  }
0x3a8: {  	_ = 	snop  }
0x3a9: {  	s19 =	sadd.s32 $0xFFFFFFE0, s0  }
0x3aa: {  	s10 =	sadd.s32 $0xFFFFFFE0, s10;
	s0 =	smov.u32 s19;
	[tilespmem:s11+$0xFFFFFFE0] =	vst v13  }
0x3ab: {  	_ = 	snop  }
.LBB2_27:
.Ltmp24:
0x3ac: {  	(pc) =	sbr.rel .LBB2_31-.Ltmp24, $2  }
0x3ad: {  	_ =	sdelay $0x2  }
0x3ae: {  	s12 =	simm.s32 $0x1720;
	s8 =	simm.s32 $0x1A20;
	s4 =	simm.s32 $0x1D20  }
.LBB2_29:
.Ltmp25:
0x3af: {  	(pc) =	sbr.rel .LBB2_31-.Ltmp25, $2  }
0x3b0: {  	_ =	sdelay $0x2  }
0x3b1: {  	s12 =	simm.s32 $0x1720;
	s8 =	simm.s32 $0x1A20;
	s4 =	simm.s32 $0x1D20  }
.LBB2_40:
.Ltmp26:
0x3b2: {  	(pc) =	sbr.rel .LBB2_32-.Ltmp26, $2  }
0x3b3: {  	_ =	sdelay $0x2  }
0x3b4: {  	s19 =	simm.s32 $0x0  }
.LBB2_33:
0x3b5: {  	s0 =	simm.s32 $0x1  }
0x3b6: {  	_ =	swait.ge [sflag:s0], $0xA00  }
0x3b7: {  	[sflag:s0] =	ssyncset.done $0x0  }
0x3b8: {  	[sflag:s0] =	ssyncadd.s32 $0xFFFFF600  }
0x3b9: {  	v13 =	vld [tilespmem:$0x1400]  }
0x3ba: {  	v14 =	vld [tilespmem:$0x1700]  }
0x3bb: {  	v15 =	vld [tilespmem:$0x1A00]  }
0x3bc: {  	v16 =	vmov s19;
	v17 =	vld [tilespmem:$0x1D00]  }
0x3bd: {  	vm13 =	vgt.s32 v16, v5;
	v18 =	vld [tilespmem:$0x1410]  }
0x3be: {  	v19 =	vld [tilespmem:$0x1710];
	v13 =	vnsel vm13, $0x148, v13  }
0x3bf: {  	[tilespmem:$0x1400] =	vst v13;
	v13 =	vnsel vm13, $0x0, v14;
	v14 =	vld [tilespmem:$0x1A10]  }
0x3c0: {  	[tilespmem:$0x1700] =	vst v13;
	v13 =	vnsel vm13, $0x0, v15;
	v15 =	vld [tilespmem:$0x1D10]  }
0x3c1: {  	[tilespmem:$0x1A00] =	vst v13;
	v13 =	vnsel vm13, $0x0, v17;
	vm13 =	vgt.s32 v16, v12  }
0x3c2: {  	[tilespmem:$0x1D00] =	vst v13;
	v13 =	vnsel vm13, $0x148, v18  }
0x3c3: {  	[tilespmem:$0x1410] =	vst v13;
	v13 =	vnsel vm13, $0x0, v19  }
0x3c4: {  	[tilespmem:$0x1710] =	vst v13;
	v13 =	vnsel vm13, $0x0, v14  }
0x3c5: {  	[tilespmem:$0x1A10] =	vst v13;
	v13 =	vnsel vm13, $0x0, v15  }
0x3c6: {  	[tilespmem:$0x1D10] =	vst v13  }
0x3c7: {  	_ =	swait.ge [sflag:s5], $0x2000  }
0x3c8: {  	[sflag:s5] =	ssyncset.done $0x0  }
0x3c9: {  	[sflag:s5] =	ssyncadd.s32 $0xFFFFE000  }
0x3ca: {  	_ =	swait.ge [sflag:s18], $0x2000  }
0x3cb: {  	[sflag:s18] =	ssyncset.done $0x0  }
0x3cc: {  	[sflag:s18] =	ssyncadd.s32 $0xFFFFE000  }
0x3cd: {  	v13 =	vld [tilespmem:$0x1700]  }
0x3ce: {  	v14 =	vld [tilespmem:$0x1A00]  }
0x3cf: {  	v15 =	vld [tilespmem:$0x1400];
	_ =	sdelay $0x2  }
0x3d0: {  	[tilespmem:$0x2000] =	vst v13  }
0x3d1: {  	s19 =	sshll.u32 s3, $0x5;
	[tilespmem:$0x2080] =	vst v14  }
0x3d2: {  	[tilespmem:s19+$0x2100] =	vst v15  }
0x3d3: {  	v13 =	vld [tilespmem:$0x1D00];
	_ =	sdelay $0x4  }
0x3d4: {  	[tilespmem:s19+$0x2180] =	vst v13  }
0x3d5: {  	v13 =	vld [tilespmem:$0x1710]  }
0x3d6: {  	v14 =	vld [tilespmem:$0x1A10]  }
0x3d7: {  	v15 =	vld [tilespmem:$0x1410];
	_ =	sdelay $0x2  }
0x3d8: {  	[tilespmem:$0x2010] =	vst v13  }
0x3d9: {  	[tilespmem:$0x2090] =	vst v14  }
0x3da: {  	[tilespmem:s19+$0x2110] =	vst v15  }
0x3db: {  	v13 =	vld [tilespmem:$0x1D10];
	_ =	sdelay $0x4  }
0x3dc: {  	[tilespmem:s19+$0x2190] =	vst v13  }
0x3dd: {  	v13 =	vld [tilespmem:$0x2000];
	_ =	sdelay $0x4  }
0x3de: {  	v14 =	vshll.u32 v13, $0x1  }
0x3df: {  	v13 =	vand.u32 $0x7, v13;
	v14 =	vand.u32 $0xFFFFFFF0, v14  }
0x3e0: {  	v13 =	vor.u32 v13, v14  }
0x3e1: {  	v14 =	vperm.xlane v13, v7;
	_ =	sdelay $0x1  }
0x3e2: {  	v13 =	vperm.xlane v13, v9;
	v14 =	vadd.s32 v8, v14;
	_ =	sdelay $0x1  }
0x3e3: {  	v13 =	vadd.s32 v8, v13  }
0x3e4: {  	s0 =	sshll.u32 s3, $0xD  }
0x3e5: {  	s2 =	simm.s32 $0x0;
	s1 =	sadd.s32 $0x2200, s0  }
0x3e6: {  	[tilespmem:s1], [sflag:$0x3] =	stream.indirect_vreg.gather [hbm4b:s31+s2], $0x80, v14, vm1, $0xb8;
	[tilespmem:$0x1F200] =	vst v63  }
0x3e7: {  	s20 =	sadd.s32 $0x2A00, s0  }
0x3e8: {  	[tilespmem:s20], [sflag:$0x3] =	stream.indirect_vreg.gather [hbm4b:s31+s2], $0x80, v13, vm1, $0xb8;
	[tilespmem:$0x1F200] =	vst v63  }
0x3e9: {  	v13 =	vld [tilespmem:$0x2010];
	_ =	sdelay $0x4  }
0x3ea: {  	v14 =	vshll.u32 v13, $0x1  }
0x3eb: {  	v13 =	vand.u32 $0x7, v13;
	v14 =	vand.u32 $0xFFFFFFF0, v14  }
0x3ec: {  	v13 =	vor.u32 v13, v14  }
0x3ed: {  	v14 =	vperm.xlane v13, v7;
	_ =	sdelay $0x1  }
0x3ee: {  	v13 =	vperm.xlane v13, v9;
	v14 =	vadd.s32 v8, v14;
	_ =	sdelay $0x1  }
0x3ef: {  	v13 =	vadd.s32 v8, v13;
	_ =	sdelay $0x1  }
0x3f0: {  	s21 =	sadd.s32 $0x3200, s0  }
0x3f1: {  	[tilespmem:s21], [sflag:$0x3] =	stream.indirect_vreg.gather [hbm4b:s31+s2], $0x80, v14, vm1, $0xb8;
	[tilespmem:$0x1F200] =	vst v63  }
0x3f2: {  	s22 =	sadd.s32 $0x3A00, s0  }
0x3f3: {  	[tilespmem:s22], [sflag:$0x3] =	stream.indirect_vreg.gather [hbm4b:s31+s2], $0x80, v13, vm1, $0xb8;
	[tilespmem:$0x1F200] =	vst v63  }
0x3f4: {  	v13 =	vld [tilespmem:$0x2080];
	_ =	sdelay $0x4  }
0x3f5: {  	v14 =	vshll.u32 v13, $0x1  }
0x3f6: {  	v13 =	vand.u32 $0x7, v13;
	v14 =	vand.u32 $0xFFFFFFF0, v14  }
0x3f7: {  	v13 =	vor.u32 v13, v14  }
0x3f8: {  	v14 =	vperm.xlane v13, v7;
	_ =	sdelay $0x1  }
0x3f9: {  	v13 =	vperm.xlane v13, v9;
	v14 =	vadd.s32 v8, v14;
	_ =	sdelay $0x1  }
0x3fa: {  	v13 =	vadd.s32 v8, v13;
	_ =	sdelay $0x1  }
0x3fb: {  	s23 =	sadd.s32 $0x6200, s0  }
0x3fc: {  	[tilespmem:s23], [sflag:$0x4] =	stream.indirect_vreg.gather [hbm4b:s17+s2], $0x80, v14, vm1, $0xb8;
	[tilespmem:$0x1F200] =	vst v63  }
0x3fd: {  	s24 =	sadd.s32 $0x6A00, s0  }
0x3fe: {  	[tilespmem:s24], [sflag:$0x4] =	stream.indirect_vreg.gather [hbm4b:s17+s2], $0x80, v13, vm1, $0xb8;
	[tilespmem:$0x1F200] =	vst v63  }
0x3ff: {  	v13 =	vld [tilespmem:$0x2090];
	_ =	sdelay $0x4  }
0x400: {  	v14 =	vshll.u32 v13, $0x1  }
0x401: {  	v13 =	vand.u32 $0x7, v13;
	v14 =	vand.u32 $0xFFFFFFF0, v14  }
0x402: {  	v13 =	vor.u32 v13, v14  }
0x403: {  	v14 =	vperm.xlane v13, v7;
	_ =	sdelay $0x1  }
0x404: {  	v13 =	vperm.xlane v13, v9;
	v14 =	vadd.s32 v8, v14;
	_ =	sdelay $0x1  }
0x405: {  	s3 =	sshll.u32 s3, $0x7;
	v13 =	vadd.s32 v8, v13  }
0x406: {  	s28 =	ssub.s32 $0x0, s3  }
0x407: {  	s25 =	sadd.s32 $0x7200, s0;
	s1 =	sshra.s32 s28, $0x2  }
0x408: {  	[tilespmem:s25], [sflag:$0x4] =	stream.indirect_vreg.gather [hbm4b:s17+s2], $0x80, v14, vm1, $0xb8;
	[tilespmem:$0x1F200] =	vst v63  }
0x409: {  	s26 =	sadd.s32 $0x7A00, s0;
	s9 =	sadd.s32 $0x2120, s1  }
0x40a: {  	[tilespmem:s26], [sflag:$0x4] =	stream.indirect_vreg.gather [hbm4b:s17+s2], $0x80, v13, vm1, $0xb8;
	[tilespmem:$0x1F200] =	vst v63  }
0x40b: {  	v13 =	vld [tilespmem:s9+$0x0];
	_ =	sdelay $0x4  }
0x40c: {  	(v2sf) =	vpush v13, $0x0;
	_ =	sdelay $0x5  }
0x40d: {  	s10 =	ssub.s32 $0x2000, s0  }
0x40e: {  	s4 =	sand.u32 $0xFFFFF800, s10;
	s2 =	sand.u32 $0x380, s2  }
0x40f: {  	s12 =	sor.u32 s2, s4  }
0x410: {  	v14 =	vld [tilespmem:s12+$0x6200]  }
0x411: {  	v15 =	vld [tilespmem:s12+$0x2200]  }
0x412: {  	s11 =	sadd.s32 $0x21A0, s1  }
0x413: {  	v13 =	vld.msk [tilespmem:s11+$0x0 ss:$0x0], $0xffff;
	_ =	sdelay $0x2  }
0x414: {  	v14 =	vsub.f32 v15, v14;
	s29 =	spop (v2sf)  }
0x415: {  	s30 =	sshll.u32 s29, $0x8;
	s1 =	sshll.u32 s29, $0x7  }
0x416: {  	v14 =	vmul.f32 v14, v13;
	s2 =	sand.u32 $0xFFFFF800, s30;
	s1 =	sand.u32 $0x380, s1  }
0x417: {  	s13 =	sor.u32 s1, s2  }
0x418: {  	[tilespmem:s13+$0xA200] =	vst.add.f32.msk $0xffff, v14  }
0x419: {  	v14 =	vld [tilespmem:s12+$0x2210]  }
0x41a: {  	v15 =	vld [tilespmem:s12+$0x6210];
	_ =	sdelay $0x4  }
0x41b: {  	v14 =	vsub.f32 v14, v15;
	_ =	sdelay $0x1  }
0x41c: {  	v14 =	vmul.f32 v14, v13;
	_ =	sdelay $0x1  }
0x41d: {  	[tilespmem:s13+$0xA210] =	vst.add.f32.msk $0xffff, v14  }
0x41e: {  	v14 =	vld [tilespmem:s12+$0x2220]  }
0x41f: {  	v15 =	vld [tilespmem:s12+$0x6220];
	_ =	sdelay $0x4  }
0x420: {  	v14 =	vsub.f32 v14, v15;
	_ =	sdelay $0x1  }
0x421: {  	v14 =	vmul.f32 v14, v13;
	_ =	sdelay $0x1  }
0x422: {  	[tilespmem:s13+$0xA220] =	vst.add.f32.msk $0xffff, v14  }
0x423: {  	v14 =	vld [tilespmem:s12+$0x2230]  }
0x424: {  	v15 =	vld [tilespmem:s12+$0x6230];
	_ =	sdelay $0x4  }
0x425: {  	v14 =	vsub.f32 v14, v15;
	_ =	sdelay $0x1  }
0x426: {  	v14 =	vmul.f32 v14, v13;
	_ =	sdelay $0x1  }
0x427: {  	[tilespmem:s13+$0xA230] =	vst.add.f32.msk $0xffff, v14  }
0x428: {  	v14 =	vld [tilespmem:s12+$0x2240]  }
0x429: {  	v15 =	vld [tilespmem:s12+$0x6240];
	_ =	sdelay $0x4  }
0x42a: {  	v14 =	vsub.f32 v14, v15;
	_ =	sdelay $0x1  }
0x42b: {  	v14 =	vmul.f32 v14, v13;
	_ =	sdelay $0x1  }
0x42c: {  	[tilespmem:s13+$0xA240] =	vst.add.f32.msk $0xffff, v14  }
0x42d: {  	v14 =	vld [tilespmem:s12+$0x2250]  }
0x42e: {  	v15 =	vld [tilespmem:s12+$0x6250];
	_ =	sdelay $0x4  }
0x42f: {  	v14 =	vsub.f32 v14, v15;
	_ =	sdelay $0x1  }
0x430: {  	v14 =	vmul.f32 v14, v13;
	_ =	sdelay $0x1  }
0x431: {  	[tilespmem:s13+$0xA250] =	vst.add.f32.msk $0xffff, v14  }
0x432: {  	v14 =	vld [tilespmem:s12+$0x2260]  }
0x433: {  	v15 =	vld [tilespmem:s12+$0x6260];
	_ =	sdelay $0x4  }
0x434: {  	v14 =	vsub.f32 v14, v15;
	_ =	sdelay $0x1  }
0x435: {  	v14 =	vmul.f32 v14, v13;
	_ =	sdelay $0x1  }
0x436: {  	[tilespmem:s13+$0xA260] =	vst.add.f32.msk $0xffff, v14  }
0x437: {  	v14 =	vld [tilespmem:s12+$0x2270]  }
0x438: {  	v15 =	vld [tilespmem:s12+$0x6270];
	_ =	sdelay $0x4  }
0x439: {  	v14 =	vsub.f32 v14, v15;
	_ =	sdelay $0x1  }
0x43a: {  	v14 =	vmul.f32 v14, v13;
	_ =	sdelay $0x1  }
0x43b: {  	[tilespmem:s13+$0xA270] =	vst.add.f32.msk $0xffff, v14  }
0x43c: {  	v14 =	vld [tilespmem:s12+$0x2600]  }
0x43d: {  	v15 =	vld [tilespmem:s12+$0x6600];
	_ =	sdelay $0x4  }
0x43e: {  	v14 =	vsub.f32 v14, v15;
	_ =	sdelay $0x1  }
0x43f: {  	v14 =	vmul.f32 v14, v13;
	_ =	sdelay $0x1  }
0x440: {  	[tilespmem:s13+$0xA600] =	vst.add.f32.msk $0xffff, v14  }
0x441: {  	v14 =	vld [tilespmem:s12+$0x2610]  }
0x442: {  	v15 =	vld [tilespmem:s12+$0x6610];
	_ =	sdelay $0x4  }
0x443: {  	v14 =	vsub.f32 v14, v15;
	_ =	sdelay $0x1  }
0x444: {  	v14 =	vmul.f32 v14, v13;
	_ =	sdelay $0x1  }
0x445: {  	[tilespmem:s13+$0xA610] =	vst.add.f32.msk $0xffff, v14  }
0x446: {  	v14 =	vld [tilespmem:s12+$0x2620]  }
0x447: {  	v15 =	vld [tilespmem:s12+$0x6620];
	_ =	sdelay $0x4  }
0x448: {  	v14 =	vsub.f32 v14, v15;
	_ =	sdelay $0x1  }
0x449: {  	v14 =	vmul.f32 v14, v13;
	_ =	sdelay $0x1  }
0x44a: {  	[tilespmem:s13+$0xA620] =	vst.add.f32.msk $0xffff, v14  }
0x44b: {  	v14 =	vld [tilespmem:s12+$0x2630]  }
0x44c: {  	v15 =	vld [tilespmem:s12+$0x6630];
	_ =	sdelay $0x4  }
0x44d: {  	v14 =	vsub.f32 v14, v15;
	_ =	sdelay $0x1  }
0x44e: {  	v14 =	vmul.f32 v14, v13;
	_ =	sdelay $0x1  }
0x44f: {  	[tilespmem:s13+$0xA630] =	vst.add.f32.msk $0xffff, v14  }
0x450: {  	v14 =	vld [tilespmem:s12+$0x2640]  }
0x451: {  	v15 =	vld [tilespmem:s12+$0x6640];
	_ =	sdelay $0x4  }
0x452: {  	v14 =	vsub.f32 v14, v15;
	_ =	sdelay $0x1  }
0x453: {  	v14 =	vmul.f32 v14, v13;
	_ =	sdelay $0x1  }
0x454: {  	[tilespmem:s13+$0xA640] =	vst.add.f32.msk $0xffff, v14  }
0x455: {  	v14 =	vld [tilespmem:s12+$0x2650]  }
0x456: {  	v15 =	vld [tilespmem:s12+$0x6650];
	_ =	sdelay $0x4  }
0x457: {  	v14 =	vsub.f32 v14, v15;
	_ =	sdelay $0x1  }
0x458: {  	v14 =	vmul.f32 v14, v13;
	_ =	sdelay $0x1  }
0x459: {  	[tilespmem:s13+$0xA650] =	vst.add.f32.msk $0xffff, v14  }
0x45a: {  	v14 =	vld [tilespmem:s12+$0x2660]  }
0x45b: {  	s14 =	simm.s32 $0x80;
	v15 =	vld [tilespmem:s12+$0x6660]  }
.LBB2_34:
0x45c: {  	_ =	sdelay $0x3  }
0x45d: {  	s10 =	sadd.s32 $0x100, s10;
	s11 =	sadd.s32 $0x1, s11;
	s9 =	sadd.s32 $0x1, s9;
	v14 =	vsub.f32 v14, v15  }
0x45e: {  	p1 =	sne.s32 s14, $0xF80;
	s1 =	smov.u32 s14;
	s14 =	sadd.s32 $0x80, s14  }
0x45f: {  	v14 =	vmul.f32 v14, v13;
	_ =	sdelay $0x1  }
0x460: {  	[tilespmem:s13+$0xA660] =	vst.add.f32.msk $0xffff, v14  }
0x461: {  	v14 =	vld [tilespmem:s12+$0x2670]  }
0x462: {  	v15 =	vld [tilespmem:s12+$0x6670];
	_ =	sdelay $0x4  }
0x463: {  	v14 =	vsub.f32 v14, v15;
	_ =	sdelay $0x1  }
0x464: {  	v13 =	vmul.f32 v14, v13;
	_ =	sdelay $0x1  }
0x465: {  	[tilespmem:s13+$0xA670] =	vst.add.f32.msk $0xffff, v13  }
0x466: {  	v13 =	vld [tilespmem:s9+$0x0];
	_ =	sdelay $0x4  }
0x467: {  	(v2sf) =	vpush v13, $0x0;
	_ =	sdelay $0x6  }
0x468: {  	s2 =	sand.u32 $0xFFFFF800, s10;
	s1 =	sand.u32 $0x380, s1  }
0x469: {  	s12 =	sor.u32 s1, s2  }
0x46a: {  	v14 =	vld [tilespmem:s12+$0x6200]  }
0x46b: {  	v15 =	vld [tilespmem:s12+$0x2200]  }
0x46c: {  	v13 =	vld.msk [tilespmem:s11+$0x0 ss:$0x0], $0xffff;
	_ =	sdelay $0x3  }
0x46d: {  	v14 =	vsub.f32 v15, v14;
	s1 =	spop (v2sf)  }
0x46e: {  	s2 =	sshll.u32 s1, $0x8;
	s1 =	sshll.u32 s1, $0x7  }
0x46f: {  	v14 =	vmul.f32 v14, v13;
	s2 =	sand.u32 $0xFFFFF800, s2;
	s1 =	sand.u32 $0x380, s1  }
0x470: {  	s13 =	sor.u32 s1, s2  }
0x471: {  	[tilespmem:s13+$0xA200] =	vst.add.f32.msk $0xffff, v14  }
0x472: {  	v14 =	vld [tilespmem:s12+$0x2210]  }
0x473: {  	v15 =	vld [tilespmem:s12+$0x6210];
	_ =	sdelay $0x4  }
0x474: {  	v14 =	vsub.f32 v14, v15;
	_ =	sdelay $0x1  }
0x475: {  	v14 =	vmul.f32 v14, v13;
	_ =	sdelay $0x1  }
0x476: {  	[tilespmem:s13+$0xA210] =	vst.add.f32.msk $0xffff, v14  }
0x477: {  	v14 =	vld [tilespmem:s12+$0x2220]  }
0x478: {  	v15 =	vld [tilespmem:s12+$0x6220];
	_ =	sdelay $0x4  }
0x479: {  	v14 =	vsub.f32 v14, v15;
	_ =	sdelay $0x1  }
0x47a: {  	v14 =	vmul.f32 v14, v13;
	_ =	sdelay $0x1  }
0x47b: {  	[tilespmem:s13+$0xA220] =	vst.add.f32.msk $0xffff, v14  }
0x47c: {  	v14 =	vld [tilespmem:s12+$0x2230]  }
0x47d: {  	v15 =	vld [tilespmem:s12+$0x6230];
	_ =	sdelay $0x4  }
0x47e: {  	v14 =	vsub.f32 v14, v15;
	_ =	sdelay $0x1  }
0x47f: {  	v14 =	vmul.f32 v14, v13;
	_ =	sdelay $0x1  }
0x480: {  	[tilespmem:s13+$0xA230] =	vst.add.f32.msk $0xffff, v14  }
0x481: {  	v14 =	vld [tilespmem:s12+$0x2240]  }
0x482: {  	v15 =	vld [tilespmem:s12+$0x6240];
	_ =	sdelay $0x4  }
0x483: {  	v14 =	vsub.f32 v14, v15;
	_ =	sdelay $0x1  }
0x484: {  	v14 =	vmul.f32 v14, v13;
	_ =	sdelay $0x1  }
0x485: {  	[tilespmem:s13+$0xA240] =	vst.add.f32.msk $0xffff, v14  }
0x486: {  	v14 =	vld [tilespmem:s12+$0x2250]  }
0x487: {  	v15 =	vld [tilespmem:s12+$0x6250];
	_ =	sdelay $0x4  }
0x488: {  	v14 =	vsub.f32 v14, v15;
	_ =	sdelay $0x1  }
0x489: {  	v14 =	vmul.f32 v14, v13;
	_ =	sdelay $0x1  }
0x48a: {  	[tilespmem:s13+$0xA250] =	vst.add.f32.msk $0xffff, v14  }
0x48b: {  	v14 =	vld [tilespmem:s12+$0x2260]  }
0x48c: {  	v15 =	vld [tilespmem:s12+$0x6260];
	_ =	sdelay $0x4  }
0x48d: {  	v14 =	vsub.f32 v14, v15;
	_ =	sdelay $0x1  }
0x48e: {  	v14 =	vmul.f32 v14, v13;
	_ =	sdelay $0x1  }
0x48f: {  	[tilespmem:s13+$0xA260] =	vst.add.f32.msk $0xffff, v14  }
0x490: {  	v14 =	vld [tilespmem:s12+$0x2270]  }
0x491: {  	v15 =	vld [tilespmem:s12+$0x6270];
	_ =	sdelay $0x4  }
0x492: {  	v14 =	vsub.f32 v14, v15;
	_ =	sdelay $0x1  }
0x493: {  	v14 =	vmul.f32 v14, v13;
	_ =	sdelay $0x1  }
0x494: {  	[tilespmem:s13+$0xA270] =	vst.add.f32.msk $0xffff, v14  }
0x495: {  	v14 =	vld [tilespmem:s12+$0x2600]  }
0x496: {  	v15 =	vld [tilespmem:s12+$0x6600];
	_ =	sdelay $0x4  }
0x497: {  	v14 =	vsub.f32 v14, v15;
	_ =	sdelay $0x1  }
0x498: {  	v14 =	vmul.f32 v14, v13;
	_ =	sdelay $0x1  }
0x499: {  	[tilespmem:s13+$0xA600] =	vst.add.f32.msk $0xffff, v14  }
0x49a: {  	v14 =	vld [tilespmem:s12+$0x2610]  }
0x49b: {  	v15 =	vld [tilespmem:s12+$0x6610];
	_ =	sdelay $0x4  }
0x49c: {  	v14 =	vsub.f32 v14, v15;
	_ =	sdelay $0x1  }
0x49d: {  	v14 =	vmul.f32 v14, v13;
	_ =	sdelay $0x1  }
0x49e: {  	[tilespmem:s13+$0xA610] =	vst.add.f32.msk $0xffff, v14  }
0x49f: {  	v14 =	vld [tilespmem:s12+$0x2620]  }
0x4a0: {  	v15 =	vld [tilespmem:s12+$0x6620];
	_ =	sdelay $0x4  }
0x4a1: {  	v14 =	vsub.f32 v14, v15;
	_ =	sdelay $0x1  }
0x4a2: {  	v14 =	vmul.f32 v14, v13;
	_ =	sdelay $0x1  }
0x4a3: {  	[tilespmem:s13+$0xA620] =	vst.add.f32.msk $0xffff, v14  }
0x4a4: {  	v14 =	vld [tilespmem:s12+$0x2630]  }
0x4a5: {  	v15 =	vld [tilespmem:s12+$0x6630];
	_ =	sdelay $0x4  }
0x4a6: {  	v14 =	vsub.f32 v14, v15;
	_ =	sdelay $0x1  }
0x4a7: {  	v14 =	vmul.f32 v14, v13;
	_ =	sdelay $0x1  }
0x4a8: {  	[tilespmem:s13+$0xA630] =	vst.add.f32.msk $0xffff, v14  }
0x4a9: {  	v14 =	vld [tilespmem:s12+$0x2640]  }
0x4aa: {  	v15 =	vld [tilespmem:s12+$0x6640];
	_ =	sdelay $0x4  }
0x4ab: {  	v14 =	vsub.f32 v14, v15;
	_ =	sdelay $0x1  }
0x4ac: {  	v14 =	vmul.f32 v14, v13;
	_ =	sdelay $0x1  }
0x4ad: {  	[tilespmem:s13+$0xA640] =	vst.add.f32.msk $0xffff, v14  }
0x4ae: {  	v14 =	vld [tilespmem:s12+$0x2650]  }
0x4af: {  	v15 =	vld [tilespmem:s12+$0x6650];
	_ =	sdelay $0x4  }
0x4b0: {  	v14 =	vsub.f32 v14, v15;
	_ =	sdelay $0x1  }
.Ltmp27:
0x4b1: {  	v14 =	vmul.f32 v14, v13;
	(pc) =	sbr.rel @p1 .LBB2_34-.Ltmp27, $4  }
0x4b2: {  	_ = 	snop  }
0x4b3: {  	[tilespmem:s13+$0xA650] =	vst.add.f32.msk $0xffff, v14  }
0x4b4: {  	v14 =	vld [tilespmem:s12+$0x2660]  }
0x4b5: {  	v15 =	vld [tilespmem:s12+$0x6660]  }
0x4b6: {  	_ =	sdelay $0x3  }
0x4b7: {  	v14 =	vsub.f32 v14, v15;
	_ =	sdelay $0x1  }
0x4b8: {  	v14 =	vmul.f32 v14, v13;
	_ =	sdelay $0x1  }
0x4b9: {  	[tilespmem:s13+$0xA660] =	vst.add.f32.msk $0xffff, v14  }
0x4ba: {  	v14 =	vld [tilespmem:s12+$0x2670]  }
0x4bb: {  	v15 =	vld [tilespmem:s12+$0x6670];
	_ =	sdelay $0x4  }
0x4bc: {  	v14 =	vsub.f32 v14, v15;
	_ =	sdelay $0x1  }
0x4bd: {  	v13 =	vmul.f32 v14, v13;
	_ =	sdelay $0x1  }
0x4be: {  	[tilespmem:s13+$0xA670] =	vst.add.f32.msk $0xffff, v13  }
0x4bf: {  	_ =	swait.ge [sflag:s5], $0x2000  }
0x4c0: {  	[sflag:s5] =	ssyncset.done $0x0  }
0x4c1: {  	[sflag:s5] =	ssyncadd.s32 $0xFFFFE000  }
0x4c2: {  	_ =	swait.ge [sflag:s18], $0x2000  }
0x4c3: {  	s1 =	sshra.s32 s3, $0x2;
	[sflag:s18] =	ssyncset.done $0x0  }
0x4c4: {  	s3 =	sadd.s32 $0x2100, s1;
	[sflag:s18] =	ssyncadd.s32 $0xFFFFE000  }
0x4c5: {  	v13 =	vld [tilespmem:s3+$0x0];
	_ =	sdelay $0x4  }
0x4c6: {  	(v2sf) =	vpush v13, $0x0;
	_ =	sdelay $0x5  }
0x4c7: {  	s2 =	simm.s32 $0x0  }
0x4c8: {  	s4 =	sand.u32 $0xFFFFF800, s0;
	s2 =	sand.u32 $0x380, s2  }
0x4c9: {  	s10 =	sor.u32 s2, s4  }
0x4ca: {  	v14 =	vld [tilespmem:s10+$0x6200]  }
0x4cb: {  	v15 =	vld [tilespmem:s10+$0x2200]  }
0x4cc: {  	s9 =	sadd.s32 $0x2180, s1  }
0x4cd: {  	v13 =	vld.msk [tilespmem:s9+$0x0 ss:$0x0], $0xffff;
	_ =	sdelay $0x2  }
0x4ce: {  	v14 =	vsub.f32 v15, v14;
	s29 =	spop (v2sf)  }
0x4cf: {  	s30 =	sshll.u32 s29, $0x8;
	s1 =	sshll.u32 s29, $0x7  }
0x4d0: {  	v14 =	vmul.f32 v14, v13;
	s2 =	sand.u32 $0xFFFFF800, s30;
	s1 =	sand.u32 $0x380, s1  }
0x4d1: {  	s11 =	sor.u32 s1, s2  }
0x4d2: {  	[tilespmem:s11+$0xA200] =	vst.add.f32.msk $0xffff, v14  }
0x4d3: {  	v14 =	vld [tilespmem:s10+$0x2210]  }
0x4d4: {  	v15 =	vld [tilespmem:s10+$0x6210];
	_ =	sdelay $0x4  }
0x4d5: {  	v14 =	vsub.f32 v14, v15;
	_ =	sdelay $0x1  }
0x4d6: {  	v14 =	vmul.f32 v14, v13;
	_ =	sdelay $0x1  }
0x4d7: {  	[tilespmem:s11+$0xA210] =	vst.add.f32.msk $0xffff, v14  }
0x4d8: {  	v14 =	vld [tilespmem:s10+$0x2220]  }
0x4d9: {  	v15 =	vld [tilespmem:s10+$0x6220];
	_ =	sdelay $0x4  }
0x4da: {  	v14 =	vsub.f32 v14, v15;
	_ =	sdelay $0x1  }
0x4db: {  	v14 =	vmul.f32 v14, v13;
	_ =	sdelay $0x1  }
0x4dc: {  	[tilespmem:s11+$0xA220] =	vst.add.f32.msk $0xffff, v14  }
0x4dd: {  	v14 =	vld [tilespmem:s10+$0x2230]  }
0x4de: {  	v15 =	vld [tilespmem:s10+$0x6230];
	_ =	sdelay $0x4  }
0x4df: {  	v14 =	vsub.f32 v14, v15;
	_ =	sdelay $0x1  }
0x4e0: {  	v14 =	vmul.f32 v14, v13;
	_ =	sdelay $0x1  }
0x4e1: {  	[tilespmem:s11+$0xA230] =	vst.add.f32.msk $0xffff, v14  }
0x4e2: {  	v14 =	vld [tilespmem:s10+$0x2240]  }
0x4e3: {  	v15 =	vld [tilespmem:s10+$0x6240];
	_ =	sdelay $0x4  }
0x4e4: {  	v14 =	vsub.f32 v14, v15;
	_ =	sdelay $0x1  }
0x4e5: {  	v14 =	vmul.f32 v14, v13;
	_ =	sdelay $0x1  }
0x4e6: {  	[tilespmem:s11+$0xA240] =	vst.add.f32.msk $0xffff, v14  }
0x4e7: {  	v14 =	vld [tilespmem:s10+$0x2250]  }
0x4e8: {  	v15 =	vld [tilespmem:s10+$0x6250];
	_ =	sdelay $0x4  }
0x4e9: {  	v14 =	vsub.f32 v14, v15;
	_ =	sdelay $0x1  }
0x4ea: {  	v14 =	vmul.f32 v14, v13;
	_ =	sdelay $0x1  }
0x4eb: {  	[tilespmem:s11+$0xA250] =	vst.add.f32.msk $0xffff, v14  }
0x4ec: {  	v14 =	vld [tilespmem:s10+$0x2260]  }
0x4ed: {  	v15 =	vld [tilespmem:s10+$0x6260];
	_ =	sdelay $0x4  }
0x4ee: {  	v14 =	vsub.f32 v14, v15;
	_ =	sdelay $0x1  }
0x4ef: {  	v14 =	vmul.f32 v14, v13;
	_ =	sdelay $0x1  }
0x4f0: {  	[tilespmem:s11+$0xA260] =	vst.add.f32.msk $0xffff, v14  }
0x4f1: {  	v14 =	vld [tilespmem:s10+$0x2270]  }
0x4f2: {  	v15 =	vld [tilespmem:s10+$0x6270];
	_ =	sdelay $0x4  }
0x4f3: {  	v14 =	vsub.f32 v14, v15;
	_ =	sdelay $0x1  }
0x4f4: {  	v14 =	vmul.f32 v14, v13;
	_ =	sdelay $0x1  }
0x4f5: {  	[tilespmem:s11+$0xA270] =	vst.add.f32.msk $0xffff, v14  }
0x4f6: {  	v14 =	vld [tilespmem:s10+$0x2600]  }
0x4f7: {  	v15 =	vld [tilespmem:s10+$0x6600];
	_ =	sdelay $0x4  }
0x4f8: {  	v14 =	vsub.f32 v14, v15;
	_ =	sdelay $0x1  }
0x4f9: {  	v14 =	vmul.f32 v14, v13;
	_ =	sdelay $0x1  }
0x4fa: {  	[tilespmem:s11+$0xA600] =	vst.add.f32.msk $0xffff, v14  }
0x4fb: {  	v14 =	vld [tilespmem:s10+$0x2610]  }
0x4fc: {  	v15 =	vld [tilespmem:s10+$0x6610];
	_ =	sdelay $0x4  }
0x4fd: {  	v14 =	vsub.f32 v14, v15;
	_ =	sdelay $0x1  }
0x4fe: {  	v14 =	vmul.f32 v14, v13;
	_ =	sdelay $0x1  }
0x4ff: {  	[tilespmem:s11+$0xA610] =	vst.add.f32.msk $0xffff, v14  }
0x500: {  	v14 =	vld [tilespmem:s10+$0x2620]  }
0x501: {  	v15 =	vld [tilespmem:s10+$0x6620];
	_ =	sdelay $0x4  }
0x502: {  	v14 =	vsub.f32 v14, v15;
	_ =	sdelay $0x1  }
0x503: {  	v14 =	vmul.f32 v14, v13;
	_ =	sdelay $0x1  }
0x504: {  	[tilespmem:s11+$0xA620] =	vst.add.f32.msk $0xffff, v14  }
0x505: {  	v14 =	vld [tilespmem:s10+$0x2630]  }
0x506: {  	v15 =	vld [tilespmem:s10+$0x6630];
	_ =	sdelay $0x4  }
0x507: {  	v14 =	vsub.f32 v14, v15;
	_ =	sdelay $0x1  }
0x508: {  	v14 =	vmul.f32 v14, v13;
	_ =	sdelay $0x1  }
0x509: {  	[tilespmem:s11+$0xA630] =	vst.add.f32.msk $0xffff, v14  }
0x50a: {  	v14 =	vld [tilespmem:s10+$0x2640]  }
0x50b: {  	v15 =	vld [tilespmem:s10+$0x6640];
	_ =	sdelay $0x4  }
0x50c: {  	v14 =	vsub.f32 v14, v15;
	_ =	sdelay $0x1  }
0x50d: {  	v14 =	vmul.f32 v14, v13;
	_ =	sdelay $0x1  }
0x50e: {  	[tilespmem:s11+$0xA640] =	vst.add.f32.msk $0xffff, v14  }
0x50f: {  	v14 =	vld [tilespmem:s10+$0x2650]  }
0x510: {  	v15 =	vld [tilespmem:s10+$0x6650];
	_ =	sdelay $0x4  }
0x511: {  	v14 =	vsub.f32 v14, v15;
	_ =	sdelay $0x1  }
0x512: {  	v14 =	vmul.f32 v14, v13;
	_ =	sdelay $0x1  }
0x513: {  	[tilespmem:s11+$0xA650] =	vst.add.f32.msk $0xffff, v14  }
0x514: {  	v14 =	vld [tilespmem:s10+$0x2660]  }
0x515: {  	vm13 =	vcmask $0x1714;
	s12 =	simm.s32 $0x80;
	v15 =	vld [tilespmem:s10+$0x6660]  }
.LBB2_36:
0x516: {  	_ =	sdelay $0x3  }
0x517: {  	s3 =	sadd.s32 $0x1, s3;
	s9 =	sadd.s32 $0x1, s9;
	s0 =	sadd.s32 $0x100, s0;
	v14 =	vsub.f32 v14, v15  }
0x518: {  	p1 =	sne.s32 s12, $0xF80;
	s1 =	smov.u32 s12;
	s12 =	sadd.s32 $0x80, s12  }
0x519: {  	v14 =	vmul.f32 v14, v13;
	_ =	sdelay $0x1  }
0x51a: {  	[tilespmem:s11+$0xA660] =	vst.add.f32.msk $0xffff, v14  }
0x51b: {  	v14 =	vld [tilespmem:s10+$0x2670]  }
0x51c: {  	v15 =	vld [tilespmem:s10+$0x6670];
	_ =	sdelay $0x4  }
0x51d: {  	v14 =	vsub.f32 v14, v15;
	_ =	sdelay $0x1  }
0x51e: {  	v13 =	vmul.f32 v14, v13;
	_ =	sdelay $0x1  }
0x51f: {  	[tilespmem:s11+$0xA670] =	vst.add.f32.msk $0xffff, v13  }
0x520: {  	v13 =	vld [tilespmem:s3+$0x0];
	_ =	sdelay $0x4  }
0x521: {  	(v2sf) =	vpush v13, $0x0;
	_ =	sdelay $0x6  }
0x522: {  	s2 =	sand.u32 $0xFFFFF800, s0;
	s1 =	sand.u32 $0x380, s1  }
0x523: {  	s10 =	sor.u32 s1, s2  }
0x524: {  	v14 =	vld [tilespmem:s10+$0x6200]  }
0x525: {  	v15 =	vld [tilespmem:s10+$0x2200]  }
0x526: {  	v13 =	vld.msk [tilespmem:s9+$0x0 ss:$0x0], $0xffff;
	_ =	sdelay $0x3  }
0x527: {  	v14 =	vsub.f32 v15, v14;
	s1 =	spop (v2sf)  }
0x528: {  	s2 =	sshll.u32 s1, $0x8;
	s1 =	sshll.u32 s1, $0x7  }
0x529: {  	v14 =	vmul.f32 v14, v13;
	s2 =	sand.u32 $0xFFFFF800, s2;
	s1 =	sand.u32 $0x380, s1  }
0x52a: {  	s11 =	sor.u32 s1, s2  }
0x52b: {  	[tilespmem:s11+$0xA200] =	vst.add.f32.msk $0xffff, v14  }
0x52c: {  	v14 =	vld [tilespmem:s10+$0x2210]  }
0x52d: {  	v15 =	vld [tilespmem:s10+$0x6210];
	_ =	sdelay $0x4  }
0x52e: {  	v14 =	vsub.f32 v14, v15;
	_ =	sdelay $0x1  }
0x52f: {  	v14 =	vmul.f32 v14, v13;
	_ =	sdelay $0x1  }
0x530: {  	[tilespmem:s11+$0xA210] =	vst.add.f32.msk $0xffff, v14  }
0x531: {  	v14 =	vld [tilespmem:s10+$0x2220]  }
0x532: {  	v15 =	vld [tilespmem:s10+$0x6220];
	_ =	sdelay $0x4  }
0x533: {  	v14 =	vsub.f32 v14, v15;
	_ =	sdelay $0x1  }
0x534: {  	v14 =	vmul.f32 v14, v13;
	_ =	sdelay $0x1  }
0x535: {  	[tilespmem:s11+$0xA220] =	vst.add.f32.msk $0xffff, v14  }
0x536: {  	v14 =	vld [tilespmem:s10+$0x2230]  }
0x537: {  	v15 =	vld [tilespmem:s10+$0x6230];
	_ =	sdelay $0x4  }
0x538: {  	v14 =	vsub.f32 v14, v15;
	_ =	sdelay $0x1  }
0x539: {  	v14 =	vmul.f32 v14, v13;
	_ =	sdelay $0x1  }
0x53a: {  	[tilespmem:s11+$0xA230] =	vst.add.f32.msk $0xffff, v14  }
0x53b: {  	v14 =	vld [tilespmem:s10+$0x2240]  }
0x53c: {  	v15 =	vld [tilespmem:s10+$0x6240];
	_ =	sdelay $0x4  }
0x53d: {  	v14 =	vsub.f32 v14, v15;
	_ =	sdelay $0x1  }
0x53e: {  	v14 =	vmul.f32 v14, v13;
	_ =	sdelay $0x1  }
0x53f: {  	[tilespmem:s11+$0xA240] =	vst.add.f32.msk $0xffff, v14  }
0x540: {  	v14 =	vld [tilespmem:s10+$0x2250]  }
0x541: {  	v15 =	vld [tilespmem:s10+$0x6250];
	_ =	sdelay $0x4  }
0x542: {  	v14 =	vsub.f32 v14, v15;
	_ =	sdelay $0x1  }
0x543: {  	v14 =	vmul.f32 v14, v13;
	_ =	sdelay $0x1  }
0x544: {  	[tilespmem:s11+$0xA250] =	vst.add.f32.msk $0xffff, v14  }
0x545: {  	v14 =	vld [tilespmem:s10+$0x2260]  }
0x546: {  	v15 =	vld [tilespmem:s10+$0x6260];
	_ =	sdelay $0x4  }
0x547: {  	v14 =	vsub.f32 v14, v15;
	_ =	sdelay $0x1  }
0x548: {  	v14 =	vmul.f32 v14, v13;
	_ =	sdelay $0x1  }
0x549: {  	[tilespmem:s11+$0xA260] =	vst.add.f32.msk $0xffff, v14  }
0x54a: {  	v14 =	vld [tilespmem:s10+$0x2270]  }
0x54b: {  	v15 =	vld [tilespmem:s10+$0x6270];
	_ =	sdelay $0x4  }
0x54c: {  	v14 =	vsub.f32 v14, v15;
	_ =	sdelay $0x1  }
0x54d: {  	v14 =	vmul.f32 v14, v13;
	_ =	sdelay $0x1  }
0x54e: {  	[tilespmem:s11+$0xA270] =	vst.add.f32.msk $0xffff, v14  }
0x54f: {  	v14 =	vld [tilespmem:s10+$0x2600]  }
0x550: {  	v15 =	vld [tilespmem:s10+$0x6600];
	_ =	sdelay $0x4  }
0x551: {  	v14 =	vsub.f32 v14, v15;
	_ =	sdelay $0x1  }
0x552: {  	v14 =	vmul.f32 v14, v13;
	_ =	sdelay $0x1  }
0x553: {  	[tilespmem:s11+$0xA600] =	vst.add.f32.msk $0xffff, v14  }
0x554: {  	v14 =	vld [tilespmem:s10+$0x2610]  }
0x555: {  	v15 =	vld [tilespmem:s10+$0x6610];
	_ =	sdelay $0x4  }
0x556: {  	v14 =	vsub.f32 v14, v15;
	_ =	sdelay $0x1  }
0x557: {  	v14 =	vmul.f32 v14, v13;
	_ =	sdelay $0x1  }
0x558: {  	[tilespmem:s11+$0xA610] =	vst.add.f32.msk $0xffff, v14  }
0x559: {  	v14 =	vld [tilespmem:s10+$0x2620]  }
0x55a: {  	v15 =	vld [tilespmem:s10+$0x6620];
	_ =	sdelay $0x4  }
0x55b: {  	v14 =	vsub.f32 v14, v15;
	_ =	sdelay $0x1  }
0x55c: {  	v14 =	vmul.f32 v14, v13;
	_ =	sdelay $0x1  }
0x55d: {  	[tilespmem:s11+$0xA620] =	vst.add.f32.msk $0xffff, v14  }
0x55e: {  	v14 =	vld [tilespmem:s10+$0x2630]  }
0x55f: {  	v15 =	vld [tilespmem:s10+$0x6630];
	_ =	sdelay $0x4  }
0x560: {  	v14 =	vsub.f32 v14, v15;
	_ =	sdelay $0x1  }
0x561: {  	v14 =	vmul.f32 v14, v13;
	_ =	sdelay $0x1  }
0x562: {  	[tilespmem:s11+$0xA630] =	vst.add.f32.msk $0xffff, v14  }
0x563: {  	v14 =	vld [tilespmem:s10+$0x2640]  }
0x564: {  	v15 =	vld [tilespmem:s10+$0x6640];
	_ =	sdelay $0x4  }
0x565: {  	v14 =	vsub.f32 v14, v15;
	_ =	sdelay $0x1  }
0x566: {  	v14 =	vmul.f32 v14, v13;
	_ =	sdelay $0x1  }
0x567: {  	[tilespmem:s11+$0xA640] =	vst.add.f32.msk $0xffff, v14  }
0x568: {  	v14 =	vld [tilespmem:s10+$0x2650]  }
0x569: {  	v15 =	vld [tilespmem:s10+$0x6650];
	_ =	sdelay $0x4  }
0x56a: {  	v14 =	vsub.f32 v14, v15;
	_ =	sdelay $0x1  }
.Ltmp28:
0x56b: {  	v14 =	vmul.f32 v14, v13;
	(pc) =	sbr.rel @p1 .LBB2_36-.Ltmp28, $4  }
0x56c: {  	_ = 	snop  }
0x56d: {  	[tilespmem:s11+$0xA650] =	vst.add.f32.msk $0xffff, v14  }
0x56e: {  	v14 =	vld [tilespmem:s10+$0x2660]  }
0x56f: {  	v15 =	vld [tilespmem:s10+$0x6660]  }
0x570: {  	_ =	sdelay $0x3  }
0x571: {  	v14 =	vsub.f32 v14, v15;
	_ =	sdelay $0x1  }
0x572: {  	v14 =	vmul.f32 v14, v13;
	_ =	sdelay $0x1  }
0x573: {  	[tilespmem:s11+$0xA660] =	vst.add.f32.msk $0xffff, v14  }
0x574: {  	v14 =	vld [tilespmem:s10+$0x2670]  }
0x575: {  	v15 =	vld [tilespmem:s10+$0x6670];
	_ =	sdelay $0x4  }
0x576: {  	v14 =	vsub.f32 v14, v15;
	_ =	sdelay $0x1  }
0x577: {  	v13 =	vmul.f32 v14, v13  }
0x578: {  	s2 =	simm.s32 $0x0  }
0x579: {  	s0 =	rddreg [dreg:$0x6];
	s1 =	simm.s32 $0xA200;
	s28 =	simm.s32 $0x5;
	[tilespmem:s11+$0xA670] =	vst.add.f32.msk $0xffff, v13  }
0x57a: {  	[hbm4b:s0+s2] =	stream.linear.scatter [tilespmem:s1], [sflag:$0x5], $0x13800, $0x38;
	[tilespmem:$0x1F200] =	vst v63  }
0x57b: {  	_ =	swait.ge [sflag:s28], $0x13800  }
0x57c: {  	s0 =	simm.s32 @!p0 $0x0;
	[sflag:s28] =	ssyncset.done $0x0  }
0x57d: {  	s1 =	simm.s32 @!p0 $0x1DA00;
	s3 =	rddreg [dreg:$0x7];
	[sflag:s28] =	ssyncadd.s32 $0xFFFEC800  }
0x57e: {  	[hbm4b:s3+s0] =	stream.linear.scatter @!p0 [tilespmem:s1], [sflag:$0x5], $0x1000, $0x38;
	[tilespmem:$0x1F200] =	vst v63  }
0x57f: {  	s0 =	simm.s32 @!p0 $0x5  }
0x580: {  	_ =	swait.ge @!p0 [sflag:s0], $0x1000  }
0x581: {  	s29 =	rddreg [dreg:$0x9]  }
0x582: {  	s30 =	rddreg [dreg:$0x8];
	s3 =	sadd.s32 $0x1, s29  }
0x583: {  	p1 =	sne.s32 s3, s30  }
.Ltmp29:
0x584: {  	_ = 	snop;
	(pc) =	sbr.rel @p1 .LBB2_1-.Ltmp29, $3  }
0x585: {  	_ =	sdelay $0x1  }
0x586: {  	[sflag:s0] =	ssyncset.done @!p0 $0x0  }
0x587: {  	[sflag:s0] =	ssyncadd.s32 @!p0 $0xFFFFF000  }
0x588: {  	_ =	sfence.sel $0x180000  }
0x589: {  	[bflag:$0x0] =	sbarrier.arrive $0xFFFF  }
0x58a: {  	_ =	strace $0x90000047  }
0x58b: {  	s0 =	stileid.u32;
	[bflag:$0x2] =	sbarrier.arrive $0xFFFF  }
0x58c: {  	p0 =	sne.s32 s0, $0x0;
	s0 =	rddreg [dreg:$0x4]  }
0x58d: {  	s0 =	sadd.s32 @!p0 $0x100000, s0  }
0x58e: {  	[sflag:s0] =	ssyncadd.tile.s32 @!p0 $0x1;
	_ =	shalt  }
.Lfunc_end2:
_tile_overlayer_lowered:
.L_overlay_start_2:
0x58f: {  	(tag) =	ssettag $0x2  }
0x590: {  	s0 =	rddreg [dreg:$0x0];
	s2 =	stileid.u32  }
0x591: {  	s1 =	rddreg [dreg:$0x1];
	p0 =	sne.s32 s2, $0x0  }
0x592: {  	s3 =	rddreg [dreg:$0x2];
	[bflag:$0x3] =	sbarrier.arrive $0xFFFF;
	s2 =	simm.s32 @!p0 $0x1C05  }
0x593: {  	[timem:s3], [sflag:s2] =	dma.local @!p0 [hbm:s0], s1  }
0x594: {  	s0 =	simm.s32 @!p0 $0x5  }
0x595: {  	_ =	swait.ge @!p0 [sflag:s0], s1  }
0x596: {  	s1 =	ssub.s32 @!p0 $0x0, s1;
	[sflag:s0] =	ssyncset.done @!p0 $0x0  }
0x597: {  	[sflag:s0] =	ssyncadd.s32 @!p0 s1  }
0x598: {  	[bflag:$0x3] =	sbarrier.arrive $0xFFFF  }
0x599: {  	_ =	shalt  }

</sc_bundles>
